<compile_context>
chip_gen: v7x
topology: tpu7x:2x2x1
jax: 0.10.2.dev20260603
libtpu: 0.0.44.dev20260713+nightly
codegen_flags: <defaults>
</compile_context>

<pallas_src>
import functools

import jax
import jax.numpy as jnp
from jax import lax
from jax.experimental import pallas as pl
from jax.experimental.pallas import tpu as pltpu
from jax.experimental.pallas import tpu_sc as plsc

B, S = 32, 200
NQ, NS = 100000, 2000
NBQ, NBS = 8, 8
D = 64
SB = B * S
NW = 32
CHUNK = 128
TCHUNK = 100

NS_PAD = 2048
SK_PER_W = NS_PAD // NW
SK_ROWS = SK_PER_W * NBS
SK_CHUNKS = SK_ROWS // CHUNK

TOK_PER_W = SB // NW
TOK_CHUNKS = TOK_PER_W // TCHUNK

N1_CHUNKS = TOK_PER_W * NBQ // TCHUNK
N_SUPER = 4
CH_PER_SUPER = N1_CHUNKS // N_SUPER
SUPER_ROWS = CH_PER_SUPER * TCHUNK
TOK_PER_SUPER = SUPER_ROWS // NBQ


def _wid():
    return lax.axis_index("s") * 2 + lax.axis_index("c")


@functools.cache
def _sc_kernels():
    mesh = plsc.VectorSubcoreMesh(core_axis_name="c", subcore_axis_name="s")
    return _make_k1(mesh), _make_k3(mesh)


def _make_k1(mesh):
  return functools.partial(
    pl.kernel,
    out_type=(
        jax.ShapeDtypeStruct((NS_PAD, D), jnp.float32),
        jax.ShapeDtypeStruct((SB, NBQ), jnp.int32),
    ),
    mesh=mesh,
    compiler_params=pltpu.CompilerParams(use_tc_tiling_on_sc=False),
    scratch_types=[
        pltpu.VMEM((SK_CHUNKS, CHUNK), jnp.int32),
        pltpu.VMEM((TOK_CHUNKS, TCHUNK), jnp.int32),
        pltpu.VMEM((SK_ROWS, D), jnp.float32),
        pltpu.VMEM((SK_PER_W, D), jnp.float32),
        pltpu.VMEM((TOK_PER_W, NBQ), jnp.int32),
        pltpu.SemaphoreType.DMA,
        pltpu.SemaphoreType.DMA,
    ],
  )(_k1_body)


def _k1_body(emb_q_hbm, qnbrs_hbm, idx_s_hbm, idx_q_hbm,
             m2_out, qnb_out,
             idxs_v, idxq_v, rows_v, acc_v, qnb_v, sem0, sem1):
    wid = _wid()

    pltpu.sync_copy(idx_s_hbm.at[pl.ds(wid * SK_CHUNKS, SK_CHUNKS)], idxs_v)
    pltpu.sync_copy(idx_q_hbm.at[pl.ds(wid * TOK_CHUNKS, TOK_CHUNKS)], idxq_v)
    m2_cps = [
        pltpu.async_copy(emb_q_hbm.at[idxs_v.at[ch]],
                         rows_v.at[pl.ds(ch * CHUNK, CHUNK)], sem0)
        for ch in range(SK_CHUNKS)
    ]
    tok_cps = [
        pltpu.async_copy(qnbrs_hbm.at[idxq_v.at[ch]],
                         qnb_v.at[pl.ds(ch * TCHUNK, TCHUNK)], sem1)
        for ch in range(TOK_CHUNKS)
    ]
    for cp in m2_cps:
        cp.wait()

    def _acc_skill(sk, _):
        for c4 in range(D // 16):
            col = pl.ds(c4 * 16, 16)
            v = rows_v[sk * NBS, col]
            for j in range(1, NBS):
                v = v + rows_v[sk * NBS + j, col]
            acc_v[sk, col] = v * (1.0 / NBS)
        return 0

    lax.fori_loop(0, SK_PER_W, _acc_skill, 0)
    pltpu.sync_copy(acc_v, m2_out.at[pl.ds(wid * SK_PER_W, SK_PER_W)])

    for cp in tok_cps:
        cp.wait()
    pltpu.sync_copy(qnb_v, qnb_out.at[pl.ds(wid * TOK_PER_W, TOK_PER_W)])


def _make_k3(mesh):
  return functools.partial(
    pl.kernel,
    out_type=(
        jax.ShapeDtypeStruct((SB, D), jnp.float32),
        jax.ShapeDtypeStruct((SB, D), jnp.float32),
    ),
    mesh=mesh,
    compiler_params=pltpu.CompilerParams(use_tc_tiling_on_sc=False),
    scratch_types=[
        pltpu.VMEM((N1_CHUNKS, TCHUNK), jnp.int32),
        pltpu.VMEM((TOK_CHUNKS, TCHUNK), jnp.int32),
        pltpu.VMEM((SUPER_ROWS, D), jnp.float32),
        pltpu.VMEM((SUPER_ROWS, D), jnp.float32),
        pltpu.VMEM((TOK_PER_W, D), jnp.float32),
        pltpu.VMEM((TOK_PER_W, D), jnp.float32),
        pltpu.VMEM_SHARED((NS, D), jnp.float32),
        pltpu.SemaphoreType.DMA,
        pltpu.SemaphoreType.DMA,
        pltpu.SemaphoreType.DMA,
    ],
  )(_k3_body)


def _k3_body(a1_hbm, idx3_hbm, emb_q_hbm, idx_q_hbm,
             n1_out, e0_out,
             idx_v, idxq_v, rows0_v, rows1_v, acc_v, e0_v,
             a1_sp, sem0, sem1, sem2):
    wid = _wid()
    sid = lax.axis_index("s")

    pltpu.sync_copy(idx_q_hbm.at[pl.ds(wid * TOK_CHUNKS, TOK_CHUNKS)], idxq_v)
    e0_cps = [
        pltpu.async_copy(emb_q_hbm.at[idxq_v.at[ch]],
                         e0_v.at[pl.ds(ch * TCHUNK, TCHUNK)], sem2)
        for ch in range(TOK_CHUNKS)
    ]

    @pl.when(sid == 0)
    def _():
        pltpu.sync_copy(a1_hbm, a1_sp)

    pltpu.sync_copy(idx3_hbm.at[pl.ds(wid * N1_CHUNKS, N1_CHUNKS)], idx_v)
    plsc.subcore_barrier()
    bufs = [rows0_v, rows1_v]
    sems = [sem0, sem1]

    def fire(sc):
        buf, sem = bufs[sc % 2], sems[sc % 2]
        return [
            pltpu.async_copy(
                a1_sp.at[idx_v.at[sc * CH_PER_SUPER + ch]],
                buf.at[pl.ds(ch * TCHUNK, TCHUNK)], sem)
            for ch in range(CH_PER_SUPER)
        ]

    pending = fire(0)
    for sc in range(N_SUPER):
        for cp in pending:
            cp.wait()
        if sc + 1 < N_SUPER:
            pending = fire(sc + 1)
        buf = bufs[sc % 2]

        def _acc_tok(tl, _):
            for c4 in range(D // 16):
                col = pl.ds(c4 * 16, 16)
                v = buf[tl * NBQ, col]
                for j in range(1, NBQ):
                    v = v + buf[tl * NBQ + j, col]
                acc_v[sc * TOK_PER_SUPER + tl, col] = v * (1.0 / NBQ)
            return 0

        lax.fori_loop(0, TOK_PER_SUPER, _acc_tok, 0)

    pltpu.sync_copy(acc_v, n1_out.at[pl.ds(wid * TOK_PER_W, TOK_PER_W)])
    for cp in e0_cps:
        cp.wait()
    pltpu.sync_copy(e0_v, e0_out.at[pl.ds(wid * TOK_PER_W, TOK_PER_W)])


def _k2_body(m2_ref, emb_s_ref, w0_ref, b0_ref, out_ref):
    u = emb_s_ref[...] + m2_ref[:NS, :]
    out_ref[...] = jax.nn.relu(
        jnp.dot(u, w0_ref[...], preferred_element_type=jnp.float32)
        + b0_ref[...])


def _k2(m2, emb_s, w0, b0):
    return pl.pallas_call(
        _k2_body,
        out_shape=jax.ShapeDtypeStruct((NS, D), jnp.float32),
    )(m2, emb_s, w0, b0)


def _k4_body(e0_ref, n1_ref, resp_ref, w1_ref, b1_ref, wi_ref, wh_ref,
             bl_ref, embr_ref, out_ref, xw_s, qa_s, hs_s):
    e0 = e0_ref[:SB, :]
    n1 = n1_ref[:SB, :]
    q_agg = jax.nn.relu(
        jnp.dot(e0 + n1, w1_ref[...], preferred_element_type=jnp.float32)
        + b1_ref[...])
    qa_s[...] = q_agg

    wi_top = wi_ref[:D, :]
    wi_bot = wi_ref[D:, :]
    v0 = jnp.dot(embr_ref[0:1, :], wi_bot,
                 preferred_element_type=jnp.float32) + bl_ref[...]
    v1 = jnp.dot(embr_ref[1:2, :], wi_bot,
                 preferred_element_type=jnp.float32) + bl_ref[...]
    xw_s[...] = (jnp.dot(q_agg, wi_top, preferred_element_type=jnp.float32)
                 + v0 + resp_ref[...] * (v1 - v0))

    wh = wh_ref[...]

    UNROLL = 8

    def step4(t4, carry):
        h, c = carry
        for k in range(UNROLL):
            t = t4 * UNROLL + k
            xt = xw_s[pl.ds(t * B, B), :]
            gates = xt + jnp.dot(h, wh, preferred_element_type=jnp.float32)
            i_f = jax.nn.sigmoid(gates[:, :2 * D])
            g = jnp.tanh(gates[:, 2 * D:3 * D])
            o = jax.nn.sigmoid(gates[:, 3 * D:])
            c = i_f[:, D:] * c + i_f[:, :D] * g
            h = o * jnp.tanh(c)
            hs_s[pl.ds(t * B, B), :] = h
        return h, c

    h0 = jnp.zeros((B, D), jnp.float32)
    c0 = jnp.zeros((B, D), jnp.float32)
    lax.fori_loop(0, S // UNROLL, step4, (h0, c0))

    ones = jnp.ones((1, D), jnp.float32)
    logits = lax.dot_general(ones, hs_s[...] * qa_s[...],
                             (((1,), (1,)), ((), ())),
                             preferred_element_type=jnp.float32)
    out_ref[...] = jax.nn.sigmoid(logits)


def _k4(e0, n1, resp, w1, b1, wi, wh, bl, emb_r):
    return pl.pallas_call(
        _k4_body,
        out_shape=jax.ShapeDtypeStruct((1, SB), jnp.float32),
        scratch_shapes=[
            pltpu.VMEM((SB, 4 * D), jnp.float32),
            pltpu.VMEM((SB, D), jnp.float32),
            pltpu.VMEM((SB, D), jnp.float32),
        ],
    )(e0, n1, resp, w1, b1, wi, wh, bl, emb_r)


def kernel(emb_q, emb_s, emb_r, W0, b0, W1, b1, Wi, Wh, bl,
           question, response, q_neighbors, s_neighbors):
    q_flat = jnp.transpose(question).reshape(-1).astype(jnp.int32)
    idx_q = q_flat.reshape(SB // TCHUNK, TCHUNK)

    idx_s = jnp.zeros((NS_PAD * NBS,), jnp.int32)
    idx_s = idx_s.at[:NS * NBS].set(
        s_neighbors.reshape(-1).astype(jnp.int32))
    idx_s = idx_s.reshape(NS_PAD * NBS // CHUNK, CHUNK)

    k1, k3 = _sc_kernels()
    m2, qnb = k1(emb_q, q_neighbors.astype(jnp.int32), idx_s, idx_q)

    a1_tab = _k2(m2, emb_s, W0, b0.reshape(1, D))

    idx3 = qnb.reshape(SB * NBQ // TCHUNK, TCHUNK)
    n1, e0 = k3(a1_tab, idx3, emb_q, idx_q)

    resp = jnp.transpose(response).reshape(SB, 1).astype(jnp.float32)
    pred_flat = _k4(e0, n1, resp, W1, b1.reshape(1, D), Wi, Wh,
                    bl.reshape(1, 4 * D), emb_r)
    return jnp.transpose(pred_flat.reshape(S, B))

# --- scband reference (transcript-rebuilt; emitter-appended) ---
"""Pipeline reference for scband-gikt-18425409700016 (READ-ONLY COPY).

The authoritative reference and input builder live on the scoring server;
editing this copy changes nothing except your own understanding.
"""

import jax, jax.numpy as jnp
import numpy as np

B, S = 32, 200
NQ, NS = 100000, 2000
NBQ, NBS = 8, 8
D = 64


def setup_inputs(seed: int = 0) -> dict:
    key = jax.random.key(seed)
    ks = jax.random.split(key, 14)
    question = jax.random.randint(ks[0], (B, S), 0, NQ)
    response = jax.random.randint(ks[1], (B, S), 0, 2)
    q_neighbors = jax.random.randint(ks[2], (NQ, NBQ), 0, NS)
    s_neighbors = jax.random.randint(ks[3], (NS, NBS), 0, NQ)
    emb_q = jax.random.normal(ks[4], (NQ, D), dtype=jnp.float32) * 0.1
    emb_s = jax.random.normal(ks[5], (NS, D), dtype=jnp.float32) * 0.1
    emb_r = jax.random.normal(ks[6], (2, D), dtype=jnp.float32) * 0.1
    W0 = jax.random.normal(ks[7], (D, D), dtype=jnp.float32) * (1.0 / np.sqrt(D))
    b0 = jnp.zeros((D,), dtype=jnp.float32)
    W1 = jax.random.normal(ks[8], (D, D), dtype=jnp.float32) * (1.0 / np.sqrt(D))
    b1 = jnp.zeros((D,), dtype=jnp.float32)
    Wi = jax.random.normal(ks[9], (2 * D, 4 * D), dtype=jnp.float32) * (1.0 / np.sqrt(2 * D))
    Wh = jax.random.normal(ks[10], (D, 4 * D), dtype=jnp.float32) * (1.0 / np.sqrt(D))
    bl = jnp.zeros((4 * D,), dtype=jnp.float32)
    return {
        'emb_q': emb_q, 'emb_s': emb_s, 'emb_r': emb_r,
        'W0': W0, 'b0': b0, 'W1': W1, 'b1': b1,
        'Wi': Wi, 'Wh': Wh, 'bl': bl,
        'question': question, 'response': response,
        'q_neighbors': q_neighbors, 's_neighbors': s_neighbors,
    }


def reference(emb_q, emb_s, emb_r, W0, b0, W1, b1, Wi, Wh, bl,
              question, response, q_neighbors, s_neighbors):
    # --- GNN aggregation (GIKT gcn_agg, 2 hops) ---
    lvl1 = jnp.take(q_neighbors, question, axis=0)        # [B,S,NBQ] skill ids
    lvl2 = jnp.take(s_neighbors, lvl1, axis=0)            # [B,S,NBQ,NBS] question ids
    e0 = jnp.take(emb_q, question, axis=0)                # [B,S,D]
    e1 = jnp.take(emb_s, lvl1, axis=0)                    # [B,S,NBQ,D]
    e2 = jnp.take(emb_q, lvl2, axis=0)                    # [B,S,NBQ,NBS,D]
    a1 = jax.nn.relu((e1 + e2.mean(axis=-2)) @ W0 + b0)   # hop2 -> hop1
    q_agg = jax.nn.relu((e0 + a1.mean(axis=-2)) @ W1 + b1)  # [B,S,D]
    # --- interaction embedding + LSTM recurrence over time ---
    x = jnp.concatenate([q_agg, jnp.take(emb_r, response, axis=0)], axis=-1)  # [B,S,2D]

    def step(carry, xs_t):
        h, c = carry
        xt, qt = xs_t
        gates = xt @ Wi + h @ Wh + bl
        i, f, g, o = jnp.split(gates, 4, axis=-1)
        i = jax.nn.sigmoid(i); f = jax.nn.sigmoid(f)
        g = jnp.tanh(g); o = jax.nn.sigmoid(o)
        c = f * c + i * g
        h = o * jnp.tanh(c)
        p = jax.nn.sigmoid(jnp.sum(h * qt, axis=-1))
        return (h, c), p

    h0 = jnp.zeros((B, D), dtype=x.dtype)
    c0 = jnp.zeros((B, D), dtype=x.dtype)
    xs = (jnp.transpose(x, (1, 0, 2)), jnp.transpose(q_agg, (1, 0, 2)))
    (_, _), ps = jax.lax.scan(step, (h0, c0), xs)
    pred = jnp.transpose(ps, (1, 0))  # [B,S]
    return pred

if __name__ == "__main__":
    import jax
    _d = setup_inputs()
    print(jax.jit(kernel)(*tuple(_d.values())))

</pallas_src>

<mosaic_0001>
#map = affine_map<(d0, d1) -> (0, 0)>
module attributes {stable_mosaic.version = 14 : i64} {
  func.func @_k1_body(%arg0: i32, %arg1: i32, %arg2: memref<100000x64xf32, #tpu.memory_space<hbm>>, %arg3: memref<100000x8xi32, #tpu.memory_space<hbm>>, %arg4: memref<128x128xi32, #tpu.memory_space<hbm>>, %arg5: memref<64x100xi32, #tpu.memory_space<hbm>>, %arg6: memref<2048x64xf32, #tpu.memory_space<hbm>>, %arg7: memref<6400x8xi32, #tpu.memory_space<hbm>>, %arg8: memref<4x128xi32, #tpu.memory_space<vmem>>, %arg9: memref<2x100xi32, #tpu.memory_space<vmem>>, %arg10: memref<512x64xf32, #tpu.memory_space<vmem>>, %arg11: memref<64x64xf32, #tpu.memory_space<vmem>>, %arg12: memref<200x8xi32, #tpu.memory_space<vmem>>, %arg13: memref<!tpu.dma_semaphore, #tpu.memory_space<semaphore_mem>>, %arg14: memref<!tpu.dma_semaphore, #tpu.memory_space<semaphore_mem>>) attributes {dimension_semantics = [#tpu.dimension_semantics<core_parallel>, #tpu.dimension_semantics<subcore_parallel>], iteration_bounds = array<i64: 2, 16>, scalar_prefetch = 0 : i64, scratch_operands = 7 : i64, tpu.core_type = #tpu.core_type<sc_vector_subcore>, window_params = [{transform_indices = #map}, {transform_indices = #map}, {transform_indices = #map}, {transform_indices = #map}, {transform_indices = #map}, {transform_indices = #map}]} {
    %mul3A = arith.constant 2 : i32
    %mul3A_0 = arith.muli %arg1, %mul3A : i32
    %add3A = arith.addi %mul3A_0, %arg0 : i32
    %mul3A_1 = arith.constant 4 : i32
    %mul3A_2 = arith.muli %add3A, %mul3A_1 : i32
    "tpu.region"() ({
      %run_scoped3A = tpu.sem_alloc : memref<!tpu.dma_semaphore, #tpu.memory_space<semaphore_mem>>
      %dma_start3A_133 = arith.constant 0 : i32
      %dma_start3A_134 = tpu.memref_slice %arg4[%mul3A_2, %dma_start3A_133] : memref<128x128xi32, #tpu.memory_space<hbm>> -> memref<4x128xi32, #tpu.memory_space<hbm>>
      %dma_start3A_135 = arith.constant 0 : i32
      %dma_start3A_136 = tpu.memref_slice %arg4[%mul3A_2, %dma_start3A_135] : memref<128x128xi32, #tpu.memory_space<hbm>> -> memref<4x128xi32, #tpu.memory_space<hbm>>
      tpu.enqueue_dma source(%dma_start3A_136 : memref<4x128xi32, #tpu.memory_space<hbm>>) target(%arg8 : memref<4x128xi32, #tpu.memory_space<vmem>>) target_semaphore(%run_scoped3A : memref<!tpu.dma_semaphore, #tpu.memory_space<semaphore_mem>>)
      %dma_wait3A_137 = arith.constant 0 : i32
      %dma_wait3A_138 = tpu.memref_slice %arg4[%mul3A_2, %dma_wait3A_137] : memref<128x128xi32, #tpu.memory_space<hbm>> -> memref<4x128xi32, #tpu.memory_space<hbm>>
      %dma_wait3A_139 = arith.constant 0 : i32
      %dma_wait3A_140 = tpu.memref_slice %arg4[%mul3A_2, %dma_wait3A_139] : memref<128x128xi32, #tpu.memory_space<hbm>> -> memref<4x128xi32, #tpu.memory_space<hbm>>
      tpu.wait_dma2 semaphore(%run_scoped3A : memref<!tpu.dma_semaphore, #tpu.memory_space<semaphore_mem>>) src(%dma_wait3A_140 : memref<4x128xi32, #tpu.memory_space<hbm>>) dst(%arg8 : memref<4x128xi32, #tpu.memory_space<vmem>>)
      tpu.yield
    }) : () -> ()
    %mul3A_3 = arith.constant 2 : i32
    %mul3A_4 = arith.muli %add3A, %mul3A_3 : i32
    "tpu.region"() ({
      %run_scoped3A = tpu.sem_alloc : memref<!tpu.dma_semaphore, #tpu.memory_space<semaphore_mem>>
      %dma_start3A_133 = arith.constant 0 : i32
      %dma_start3A_134 = tpu.memref_slice %arg5[%mul3A_4, %dma_start3A_133] : memref<64x100xi32, #tpu.memory_space<hbm>> -> memref<2x100xi32, #tpu.memory_space<hbm>>
      %dma_start3A_135 = arith.constant 0 : i32
      %dma_start3A_136 = tpu.memref_slice %arg5[%mul3A_4, %dma_start3A_135] : memref<64x100xi32, #tpu.memory_space<hbm>> -> memref<2x100xi32, #tpu.memory_space<hbm>>
      tpu.enqueue_dma source(%dma_start3A_136 : memref<2x100xi32, #tpu.memory_space<hbm>>) target(%arg9 : memref<2x100xi32, #tpu.memory_space<vmem>>) target_semaphore(%run_scoped3A : memref<!tpu.dma_semaphore, #tpu.memory_space<semaphore_mem>>)
      %dma_wait3A_137 = arith.constant 0 : i32
      %dma_wait3A_138 = tpu.memref_slice %arg5[%mul3A_4, %dma_wait3A_137] : memref<64x100xi32, #tpu.memory_space<hbm>> -> memref<2x100xi32, #tpu.memory_space<hbm>>
      %dma_wait3A_139 = arith.constant 0 : i32
      %dma_wait3A_140 = tpu.memref_slice %arg5[%mul3A_4, %dma_wait3A_139] : memref<64x100xi32, #tpu.memory_space<hbm>> -> memref<2x100xi32, #tpu.memory_space<hbm>>
      tpu.wait_dma2 semaphore(%run_scoped3A : memref<!tpu.dma_semaphore, #tpu.memory_space<semaphore_mem>>) src(%dma_wait3A_140 : memref<2x100xi32, #tpu.memory_space<hbm>>) dst(%arg9 : memref<2x100xi32, #tpu.memory_space<vmem>>)
      tpu.yield
    }) : () -> ()
    %dma_start3A = arith.constant 0 : i32
    %dma_start3A_5 = arith.constant 0 : i32
    %dma_start3A_6 = arith.constant 0 : i32
    %dma_start3A_7 = tpu.memref_slice %arg10[%dma_start3A_5, %dma_start3A_6] : memref<512x64xf32, #tpu.memory_space<vmem>> -> memref<128x64xf32, #tpu.memory_space<vmem>>
    %dma_start3A_8 = arith.constant 0 : i32
    %dma_start3A_9 = tpu.memref_slice %arg8[%dma_start3A, %dma_start3A_8] : memref<4x128xi32, #tpu.memory_space<vmem>> -> memref<1x128xi32, #tpu.memory_space<vmem>>
    %dma_start3A_10 = tpu.memref_squeeze %dma_start3A_9 : memref<1x128xi32, #tpu.memory_space<vmem>> -> memref<128xi32, #tpu.memory_space<vmem>>
    %dma_start3A_11 = arith.constant 0 : i32
    %dma_start3A_12 = arith.constant 0 : i32
    %dma_start3A_13 = tpu.memref_slice %arg2[%dma_start3A_11, %dma_start3A_12] : memref<100000x64xf32, #tpu.memory_space<hbm>> -> memref<100000x64xf32, #tpu.memory_space<hbm>>
    tpu.enqueue_indirect_dma source(%dma_start3A_13 : memref<100000x64xf32, #tpu.memory_space<hbm>>) target(%dma_start3A_7 : memref<128x64xf32, #tpu.memory_space<vmem>>) offsets(%dma_start3A_10 : memref<128xi32, #tpu.memory_space<vmem>>) semaphore(%arg13 : memref<!tpu.dma_semaphore, #tpu.memory_space<semaphore_mem>>)
    %dma_start3A_14 = arith.constant 1 : i32
    %dma_start3A_15 = arith.constant 128 : i32
    %dma_start3A_16 = arith.constant 0 : i32
    %dma_start3A_17 = tpu.memref_slice %arg10[%dma_start3A_15, %dma_start3A_16] : memref<512x64xf32, #tpu.memory_space<vmem>> -> memref<128x64xf32, #tpu.memory_space<vmem>>
    %dma_start3A_18 = arith.constant 0 : i32
    %dma_start3A_19 = tpu.memref_slice %arg8[%dma_start3A_14, %dma_start3A_18] : memref<4x128xi32, #tpu.memory_space<vmem>> -> memref<1x128xi32, #tpu.memory_space<vmem>>
    %dma_start3A_20 = tpu.memref_squeeze %dma_start3A_19 : memref<1x128xi32, #tpu.memory_space<vmem>> -> memref<128xi32, #tpu.memory_space<vmem>>
    %dma_start3A_21 = arith.constant 0 : i32
    %dma_start3A_22 = arith.constant 0 : i32
    %dma_start3A_23 = tpu.memref_slice %arg2[%dma_start3A_21, %dma_start3A_22] : memref<100000x64xf32, #tpu.memory_space<hbm>> -> memref<100000x64xf32, #tpu.memory_space<hbm>>
    tpu.enqueue_indirect_dma source(%dma_start3A_23 : memref<100000x64xf32, #tpu.memory_space<hbm>>) target(%dma_start3A_17 : memref<128x64xf32, #tpu.memory_space<vmem>>) offsets(%dma_start3A_20 : memref<128xi32, #tpu.memory_space<vmem>>) semaphore(%arg13 : memref<!tpu.dma_semaphore, #tpu.memory_space<semaphore_mem>>)
    %dma_start3A_24 = arith.constant 2 : i32
    %dma_start3A_25 = arith.constant 256 : i32
    %dma_start3A_26 = arith.constant 0 : i32
    %dma_start3A_27 = tpu.memref_slice %arg10[%dma_start3A_25, %dma_start3A_26] : memref<512x64xf32, #tpu.memory_space<vmem>> -> memref<128x64xf32, #tpu.memory_space<vmem>>
    %dma_start3A_28 = arith.constant 0 : i32
    %dma_start3A_29 = tpu.memref_slice %arg8[%dma_start3A_24, %dma_start3A_28] : memref<4x128xi32, #tpu.memory_space<vmem>> -> memref<1x128xi32, #tpu.memory_space<vmem>>
    %dma_start3A_30 = tpu.memref_squeeze %dma_start3A_29 : memref<1x128xi32, #tpu.memory_space<vmem>> -> memref<128xi32, #tpu.memory_space<vmem>>
    %dma_start3A_31 = arith.constant 0 : i32
    %dma_start3A_32 = arith.constant 0 : i32
    %dma_start3A_33 = tpu.memref_slice %arg2[%dma_start3A_31, %dma_start3A_32] : memref<100000x64xf32, #tpu.memory_space<hbm>> -> memref<100000x64xf32, #tpu.memory_space<hbm>>
    tpu.enqueue_indirect_dma source(%dma_start3A_33 : memref<100000x64xf32, #tpu.memory_space<hbm>>) target(%dma_start3A_27 : memref<128x64xf32, #tpu.memory_space<vmem>>) offsets(%dma_start3A_30 : memref<128xi32, #tpu.memory_space<vmem>>) semaphore(%arg13 : memref<!tpu.dma_semaphore, #tpu.memory_space<semaphore_mem>>)
    %dma_start3A_34 = arith.constant 3 : i32
    %dma_start3A_35 = arith.constant 384 : i32
    %dma_start3A_36 = arith.constant 0 : i32
    %dma_start3A_37 = tpu.memref_slice %arg10[%dma_start3A_35, %dma_start3A_36] : memref<512x64xf32, #tpu.memory_space<vmem>> -> memref<128x64xf32, #tpu.memory_space<vmem>>
    %dma_start3A_38 = arith.constant 0 : i32
    %dma_start3A_39 = tpu.memref_slice %arg8[%dma_start3A_34, %dma_start3A_38] : memref<4x128xi32, #tpu.memory_space<vmem>> -> memref<1x128xi32, #tpu.memory_space<vmem>>
    %dma_start3A_40 = tpu.memref_squeeze %dma_start3A_39 : memref<1x128xi32, #tpu.memory_space<vmem>> -> memref<128xi32, #tpu.memory_space<vmem>>
    %dma_start3A_41 = arith.constant 0 : i32
    %dma_start3A_42 = arith.constant 0 : i32
    %dma_start3A_43 = tpu.memref_slice %arg2[%dma_start3A_41, %dma_start3A_42] : memref<100000x64xf32, #tpu.memory_space<hbm>> -> memref<100000x64xf32, #tpu.memory_space<hbm>>
    tpu.enqueue_indirect_dma source(%dma_start3A_43 : memref<100000x64xf32, #tpu.memory_space<hbm>>) target(%dma_start3A_37 : memref<128x64xf32, #tpu.memory_space<vmem>>) offsets(%dma_start3A_40 : memref<128xi32, #tpu.memory_space<vmem>>) semaphore(%arg13 : memref<!tpu.dma_semaphore, #tpu.memory_space<semaphore_mem>>)
    %dma_start3A_44 = arith.constant 0 : i32
    %dma_start3A_45 = arith.constant 0 : i32
    %dma_start3A_46 = arith.constant 0 : i32
    %dma_start3A_47 = tpu.memref_slice %arg12[%dma_start3A_45, %dma_start3A_46] : memref<200x8xi32, #tpu.memory_space<vmem>> -> memref<100x8xi32, #tpu.memory_space<vmem>>
    %dma_start3A_48 = arith.constant 0 : i32
    %dma_start3A_49 = tpu.memref_slice %arg9[%dma_start3A_44, %dma_start3A_48] : memref<2x100xi32, #tpu.memory_space<vmem>> -> memref<1x100xi32, #tpu.memory_space<vmem>>
    %dma_start3A_50 = tpu.memref_squeeze %dma_start3A_49 : memref<1x100xi32, #tpu.memory_space<vmem>> -> memref<100xi32, #tpu.memory_space<vmem>>
    %dma_start3A_51 = arith.constant 0 : i32
    %dma_start3A_52 = arith.constant 0 : i32
    %dma_start3A_53 = tpu.memref_slice %arg3[%dma_start3A_51, %dma_start3A_52] : memref<100000x8xi32, #tpu.memory_space<hbm>> -> memref<100000x8xi32, #tpu.memory_space<hbm>>
    tpu.enqueue_indirect_dma source(%dma_start3A_53 : memref<100000x8xi32, #tpu.memory_space<hbm>>) target(%dma_start3A_47 : memref<100x8xi32, #tpu.memory_space<vmem>>) offsets(%dma_start3A_50 : memref<100xi32, #tpu.memory_space<vmem>>) semaphore(%arg14 : memref<!tpu.dma_semaphore, #tpu.memory_space<semaphore_mem>>)
    %dma_start3A_54 = arith.constant 1 : i32
    %dma_start3A_55 = arith.constant 100 : i32
    %dma_start3A_56 = arith.constant 0 : i32
    %dma_start3A_57 = tpu.memref_slice %arg12[%dma_start3A_55, %dma_start3A_56] : memref<200x8xi32, #tpu.memory_space<vmem>> -> memref<100x8xi32, #tpu.memory_space<vmem>>
    %dma_start3A_58 = arith.constant 0 : i32
    %dma_start3A_59 = tpu.memref_slice %arg9[%dma_start3A_54, %dma_start3A_58] : memref<2x100xi32, #tpu.memory_space<vmem>> -> memref<1x100xi32, #tpu.memory_space<vmem>>
    %dma_start3A_60 = tpu.memref_squeeze %dma_start3A_59 : memref<1x100xi32, #tpu.memory_space<vmem>> -> memref<100xi32, #tpu.memory_space<vmem>>
    %dma_start3A_61 = arith.constant 0 : i32
    %dma_start3A_62 = arith.constant 0 : i32
    %dma_start3A_63 = tpu.memref_slice %arg3[%dma_start3A_61, %dma_start3A_62] : memref<100000x8xi32, #tpu.memory_space<hbm>> -> memref<100000x8xi32, #tpu.memory_space<hbm>>
    tpu.enqueue_indirect_dma source(%dma_start3A_63 : memref<100000x8xi32, #tpu.memory_space<hbm>>) target(%dma_start3A_57 : memref<100x8xi32, #tpu.memory_space<vmem>>) offsets(%dma_start3A_60 : memref<100xi32, #tpu.memory_space<vmem>>) semaphore(%arg14 : memref<!tpu.dma_semaphore, #tpu.memory_space<semaphore_mem>>)
    %dma_wait3A = arith.constant 0 : i32
    %dma_wait3A_64 = arith.constant 0 : i32
    %dma_wait3A_65 = arith.constant 0 : i32
    %dma_wait3A_66 = tpu.memref_slice %arg10[%dma_wait3A_64, %dma_wait3A_65] : memref<512x64xf32, #tpu.memory_space<vmem>> -> memref<128x64xf32, #tpu.memory_space<vmem>>
    %dma_wait3A_67 = arith.constant 0 : i32
    %dma_wait3A_68 = tpu.memref_slice %arg8[%dma_wait3A, %dma_wait3A_67] : memref<4x128xi32, #tpu.memory_space<vmem>> -> memref<1x128xi32, #tpu.memory_space<vmem>>
    %dma_wait3A_69 = tpu.memref_squeeze %dma_wait3A_68 : memref<1x128xi32, #tpu.memory_space<vmem>> -> memref<128xi32, #tpu.memory_space<vmem>>
    %dma_wait3A_70 = arith.constant 0 : i32
    %dma_wait3A_71 = arith.constant 0 : i32
    %dma_wait3A_72 = tpu.memref_slice %arg2[%dma_wait3A_70, %dma_wait3A_71] : memref<100000x64xf32, #tpu.memory_space<hbm>> -> memref<100000x64xf32, #tpu.memory_space<hbm>>
    tpu.wait_indirect_dma semaphore(%arg13 : memref<!tpu.dma_semaphore, #tpu.memory_space<semaphore_mem>>) src(%dma_wait3A_72 : memref<100000x64xf32, #tpu.memory_space<hbm>>) dst(%dma_wait3A_66 : memref<128x64xf32, #tpu.memory_space<vmem>>)
    %dma_wait3A_73 = arith.constant 1 : i32
    %dma_wait3A_74 = arith.constant 128 : i32
    %dma_wait3A_75 = arith.constant 0 : i32
    %dma_wait3A_76 = tpu.memref_slice %arg10[%dma_wait3A_74, %dma_wait3A_75] : memref<512x64xf32, #tpu.memory_space<vmem>> -> memref<128x64xf32, #tpu.memory_space<vmem>>
    %dma_wait3A_77 = arith.constant 0 : i32
    %dma_wait3A_78 = tpu.memref_slice %arg8[%dma_wait3A_73, %dma_wait3A_77] : memref<4x128xi32, #tpu.memory_space<vmem>> -> memref<1x128xi32, #tpu.memory_space<vmem>>
    %dma_wait3A_79 = tpu.memref_squeeze %dma_wait3A_78 : memref<1x128xi32, #tpu.memory_space<vmem>> -> memref<128xi32, #tpu.memory_space<vmem>>
    %dma_wait3A_80 = arith.constant 0 : i32
    %dma_wait3A_81 = arith.constant 0 : i32
    %dma_wait3A_82 = tpu.memref_slice %arg2[%dma_wait3A_80, %dma_wait3A_81] : memref<100000x64xf32, #tpu.memory_space<hbm>> -> memref<100000x64xf32, #tpu.memory_space<hbm>>
    tpu.wait_indirect_dma semaphore(%arg13 : memref<!tpu.dma_semaphore, #tpu.memory_space<semaphore_mem>>) src(%dma_wait3A_82 : memref<100000x64xf32, #tpu.memory_space<hbm>>) dst(%dma_wait3A_76 : memref<128x64xf32, #tpu.memory_space<vmem>>)
    %dma_wait3A_83 = arith.constant 2 : i32
    %dma_wait3A_84 = arith.constant 256 : i32
    %dma_wait3A_85 = arith.constant 0 : i32
    %dma_wait3A_86 = tpu.memref_slice %arg10[%dma_wait3A_84, %dma_wait3A_85] : memref<512x64xf32, #tpu.memory_space<vmem>> -> memref<128x64xf32, #tpu.memory_space<vmem>>
    %dma_wait3A_87 = arith.constant 0 : i32
    %dma_wait3A_88 = tpu.memref_slice %arg8[%dma_wait3A_83, %dma_wait3A_87] : memref<4x128xi32, #tpu.memory_space<vmem>> -> memref<1x128xi32, #tpu.memory_space<vmem>>
    %dma_wait3A_89 = tpu.memref_squeeze %dma_wait3A_88 : memref<1x128xi32, #tpu.memory_space<vmem>> -> memref<128xi32, #tpu.memory_space<vmem>>
    %dma_wait3A_90 = arith.constant 0 : i32
    %dma_wait3A_91 = arith.constant 0 : i32
    %dma_wait3A_92 = tpu.memref_slice %arg2[%dma_wait3A_90, %dma_wait3A_91] : memref<100000x64xf32, #tpu.memory_space<hbm>> -> memref<100000x64xf32, #tpu.memory_space<hbm>>
    tpu.wait_indirect_dma semaphore(%arg13 : memref<!tpu.dma_semaphore, #tpu.memory_space<semaphore_mem>>) src(%dma_wait3A_92 : memref<100000x64xf32, #tpu.memory_space<hbm>>) dst(%dma_wait3A_86 : memref<128x64xf32, #tpu.memory_space<vmem>>)
    %dma_wait3A_93 = arith.constant 3 : i32
    %dma_wait3A_94 = arith.constant 384 : i32
    %dma_wait3A_95 = arith.constant 0 : i32
    %dma_wait3A_96 = tpu.memref_slice %arg10[%dma_wait3A_94, %dma_wait3A_95] : memref<512x64xf32, #tpu.memory_space<vmem>> -> memref<128x64xf32, #tpu.memory_space<vmem>>
    %dma_wait3A_97 = arith.constant 0 : i32
    %dma_wait3A_98 = tpu.memref_slice %arg8[%dma_wait3A_93, %dma_wait3A_97] : memref<4x128xi32, #tpu.memory_space<vmem>> -> memref<1x128xi32, #tpu.memory_space<vmem>>
    %dma_wait3A_99 = tpu.memref_squeeze %dma_wait3A_98 : memref<1x128xi32, #tpu.memory_space<vmem>> -> memref<128xi32, #tpu.memory_space<vmem>>
    %dma_wait3A_100 = arith.constant 0 : i32
    %dma_wait3A_101 = arith.constant 0 : i32
    %dma_wait3A_102 = tpu.memref_slice %arg2[%dma_wait3A_100, %dma_wait3A_101] : memref<100000x64xf32, #tpu.memory_space<hbm>> -> memref<100000x64xf32, #tpu.memory_space<hbm>>
    tpu.wait_indirect_dma semaphore(%arg13 : memref<!tpu.dma_semaphore, #tpu.memory_space<semaphore_mem>>) src(%dma_wait3A_102 : memref<100000x64xf32, #tpu.memory_space<hbm>>) dst(%dma_wait3A_96 : memref<128x64xf32, #tpu.memory_space<vmem>>)
    %scan3A = arith.constant 0 : i32
    %scan3A_103 = arith.constant 0 : i32
    %scan3A_104 = arith.constant 64 : i32
    %scan3A_105 = arith.addi %scan3A_103, %scan3A_104 : i32
    %scan3A_106 = arith.constant 1 : i32
    %scan3A_107 = scf.for %scan3A_133 = %scan3A_103 to %scan3A_105 step %scan3A_106 iter_args(%scan3A_134 = %scan3A) -> (i32)  : i32 {
      %mul3A_135 = arith.constant 8 : i32
      %mul3A_136 = arith.muli %scan3A_133, %mul3A_135 : i32
      %get3A = arith.index_cast %mul3A_136 : i32 to index
      %get3A_137 = arith.constant 0 : index
      %get3A_138 = tpu.vector_load %arg10[%get3A, %get3A_137] {strides = array<i32>} : memref<512x64xf32, #tpu.memory_space<vmem>>, vector<1x16xf32>,
      %get3A_139 = vector.shape_cast %get3A_138 : vector<1x16xf32> to vector<16xf32>
      %mul3A_140 = arith.constant 8 : i32
      %mul3A_141 = arith.muli %scan3A_133, %mul3A_140 : i32
      %add3A_142 = arith.constant 1 : i32
      %add3A_143 = arith.addi %mul3A_141, %add3A_142 : i32
      %get3A_144 = arith.index_cast %add3A_143 : i32 to index
      %get3A_145 = arith.constant 0 : index
      %get3A_146 = tpu.vector_load %arg10[%get3A_144, %get3A_145] {strides = array<i32>} : memref<512x64xf32, #tpu.memory_space<vmem>>, vector<1x16xf32>,
      %get3A_147 = vector.shape_cast %get3A_146 : vector<1x16xf32> to vector<16xf32>
      %add3A_148 = arith.addf %get3A_139, %get3A_147 : vector<16xf32>
      %mul3A_149 = arith.constant 8 : i32
      %mul3A_150 = arith.muli %scan3A_133, %mul3A_149 : i32
      %add3A_151 = arith.constant 2 : i32
      %add3A_152 = arith.addi %mul3A_150, %add3A_151 : i32
      %get3A_153 = arith.index_cast %add3A_152 : i32 to index
      %get3A_154 = arith.constant 0 : index
      %get3A_155 = tpu.vector_load %arg10[%get3A_153, %get3A_154] {strides = array<i32>} : memref<512x64xf32, #tpu.memory_space<vmem>>, vector<1x16xf32>,
      %get3A_156 = vector.shape_cast %get3A_155 : vector<1x16xf32> to vector<16xf32>
      %add3A_157 = arith.addf %add3A_148, %get3A_156 : vector<16xf32>
      %mul3A_158 = arith.constant 8 : i32
      %mul3A_159 = arith.muli %scan3A_133, %mul3A_158 : i32
      %add3A_160 = arith.constant 3 : i32
      %add3A_161 = arith.addi %mul3A_159, %add3A_160 : i32
      %get3A_162 = arith.index_cast %add3A_161 : i32 to index
      %get3A_163 = arith.constant 0 : index
      %get3A_164 = tpu.vector_load %arg10[%get3A_162, %get3A_163] {strides = array<i32>} : memref<512x64xf32, #tpu.memory_space<vmem>>, vector<1x16xf32>,
      %get3A_165 = vector.shape_cast %get3A_164 : vector<1x16xf32> to vector<16xf32>
      %add3A_166 = arith.addf %add3A_157, %get3A_165 : vector<16xf32>
      %mul3A_167 = arith.constant 8 : i32
      %mul3A_168 = arith.muli %scan3A_133, %mul3A_167 : i32
      %add3A_169 = arith.constant 4 : i32
      %add3A_170 = arith.addi %mul3A_168, %add3A_169 : i32
      %get3A_171 = arith.index_cast %add3A_170 : i32 to index
      %get3A_172 = arith.constant 0 : index
      %get3A_173 = tpu.vector_load %arg10[%get3A_171, %get3A_172] {strides = array<i32>} : memref<512x64xf32, #tpu.memory_space<vmem>>, vector<1x16xf32>,
      %get3A_174 = vector.shape_cast %get3A_173 : vector<1x16xf32> to vector<16xf32>
      %add3A_175 = arith.addf %add3A_166, %get3A_174 : vector<16xf32>
      %mul3A_176 = arith.constant 8 : i32
      %mul3A_177 = arith.muli %scan3A_133, %mul3A_176 : i32
      %add3A_178 = arith.constant 5 : i32
      %add3A_179 = arith.addi %mul3A_177, %add3A_178 : i32
      %get3A_180 = arith.index_cast %add3A_179 : i32 to index
      %get3A_181 = arith.constant 0 : index
      %get3A_182 = tpu.vector_load %arg10[%get3A_180, %get3A_181] {strides = array<i32>} : memref<512x64xf32, #tpu.memory_space<vmem>>, vector<1x16xf32>,
      %get3A_183 = vector.shape_cast %get3A_182 : vector<1x16xf32> to vector<16xf32>
      %add3A_184 = arith.addf %add3A_175, %get3A_183 : vector<16xf32>
      %mul3A_185 = arith.constant 8 : i32
      %mul3A_186 = arith.muli %scan3A_133, %mul3A_185 : i32
      %add3A_187 = arith.constant 6 : i32
      %add3A_188 = arith.addi %mul3A_186, %add3A_187 : i32
      %get3A_189 = arith.index_cast %add3A_188 : i32 to index
      %get3A_190 = arith.constant 0 : index
      %get3A_191 = tpu.vector_load %arg10[%get3A_189, %get3A_190] {strides = array<i32>} : memref<512x64xf32, #tpu.memory_space<vmem>>, vector<1x16xf32>,
      %get3A_192 = vector.shape_cast %get3A_191 : vector<1x16xf32> to vector<16xf32>
      %add3A_193 = arith.addf %add3A_184, %get3A_192 : vector<16xf32>
      %mul3A_194 = arith.constant 8 : i32
      %mul3A_195 = arith.muli %scan3A_133, %mul3A_194 : i32
      %add3A_196 = arith.constant 7 : i32
      %add3A_197 = arith.addi %mul3A_195, %add3A_196 : i32
      %get3A_198 = arith.index_cast %add3A_197 : i32 to index
      %get3A_199 = arith.constant 0 : index
      %get3A_200 = tpu.vector_load %arg10[%get3A_198, %get3A_199] {strides = array<i32>} : memref<512x64xf32, #tpu.memory_space<vmem>>, vector<1x16xf32>,
      %get3A_201 = vector.shape_cast %get3A_200 : vector<1x16xf32> to vector<16xf32>
      %add3A_202 = arith.addf %add3A_193, %get3A_201 : vector<16xf32>
      %mul3A_203 = arith.constant 1.250000e-01 : f32
      %mul3A_204 = vector.broadcast %mul3A_203 : f32 to vector<16xf32>
      %mul3A_205 = arith.mulf %add3A_202, %mul3A_204 : vector<16xf32>
      %swap3A = arith.index_cast %scan3A_133 : i32 to index
      %swap3A_206 = arith.constant 0 : index
      %swap3A_207 = tpu.vector_load %arg11[%swap3A, %swap3A_206] {strides = array<i32>} : memref<64x64xf32, #tpu.memory_space<vmem>>, vector<1x16xf32>,
      %swap3A_208 = vector.shape_cast %swap3A_207 : vector<1x16xf32> to vector<16xf32>
      %swap3A_209 = vector.shape_cast %mul3A_205 : vector<16xf32> to vector<1x16xf32>
      tpu.vector_store %arg11[%swap3A, %swap3A_206], %swap3A_209 {strides = array<i32>} : memref<64x64xf32, #tpu.memory_space<vmem>>, vector<1x16xf32>,
      %mul3A_210 = arith.constant 8 : i32
      %mul3A_211 = arith.muli %scan3A_133, %mul3A_210 : i32
      %get3A_212 = arith.index_cast %mul3A_211 : i32 to index
      %get3A_213 = arith.constant 16 : index
      %get3A_214 = tpu.vector_load %arg10[%get3A_212, %get3A_213] {strides = array<i32>} : memref<512x64xf32, #tpu.memory_space<vmem>>, vector<1x16xf32>,
      %get3A_215 = vector.shape_cast %get3A_214 : vector<1x16xf32> to vector<16xf32>
      %mul3A_216 = arith.constant 8 : i32
      %mul3A_217 = arith.muli %scan3A_133, %mul3A_216 : i32
      %add3A_218 = arith.constant 1 : i32
      %add3A_219 = arith.addi %mul3A_217, %add3A_218 : i32
      %get3A_220 = arith.index_cast %add3A_219 : i32 to index
      %get3A_221 = arith.constant 16 : index
      %get3A_222 = tpu.vector_load %arg10[%get3A_220, %get3A_221] {strides = array<i32>} : memref<512x64xf32, #tpu.memory_space<vmem>>, vector<1x16xf32>,
      %get3A_223 = vector.shape_cast %get3A_222 : vector<1x16xf32> to vector<16xf32>
      %add3A_224 = arith.addf %get3A_215, %get3A_223 : vector<16xf32>
      %mul3A_225 = arith.constant 8 : i32
      %mul3A_226 = arith.muli %scan3A_133, %mul3A_225 : i32
      %add3A_227 = arith.constant 2 : i32
      %add3A_228 = arith.addi %mul3A_226, %add3A_227 : i32
      %get3A_229 = arith.index_cast %add3A_228 : i32 to index
      %get3A_230 = arith.constant 16 : index
      %get3A_231 = tpu.vector_load %arg10[%get3A_229, %get3A_230] {strides = array<i32>} : memref<512x64xf32, #tpu.memory_space<vmem>>, vector<1x16xf32>,
      %get3A_232 = vector.shape_cast %get3A_231 : vector<1x16xf32> to vector<16xf32>
      %add3A_233 = arith.addf %add3A_224, %get3A_232 : vector<16xf32>
      %mul3A_234 = arith.constant 8 : i32
      %mul3A_235 = arith.muli %scan3A_133, %mul3A_234 : i32
      %add3A_236 = arith.constant 3 : i32
      %add3A_237 = arith.addi %mul3A_235, %add3A_236 : i32
      %get3A_238 = arith.index_cast %add3A_237 : i32 to index
      %get3A_239 = arith.constant 16 : index
      %get3A_240 = tpu.vector_load %arg10[%get3A_238, %get3A_239] {strides = array<i32>} : memref<512x64xf32, #tpu.memory_space<vmem>>, vector<1x16xf32>,
      %get3A_241 = vector.shape_cast %get3A_240 : vector<1x16xf32> to vector<16xf32>
      %add3A_242 = arith.addf %add3A_233, %get3A_241 : vector<16xf32>
      %mul3A_243 = arith.constant 8 : i32
      %mul3A_244 = arith.muli %scan3A_133, %mul3A_243 : i32
      %add3A_245 = arith.constant 4 : i32
      %add3A_246 = arith.addi %mul3A_244, %add3A_245 : i32
      %get3A_247 = arith.index_cast %add3A_246 : i32 to index
      %get3A_248 = arith.constant 16 : index
      %get3A_249 = tpu.vector_load %arg10[%get3A_247, %get3A_248] {strides = array<i32>} : memref<512x64xf32, #tpu.memory_space<vmem>>, vector<1x16xf32>,
      %get3A_250 = vector.shape_cast %get3A_249 : vector<1x16xf32> to vector<16xf32>
      %add3A_251 = arith.addf %add3A_242, %get3A_250 : vector<16xf32>
      %mul3A_252 = arith.constant 8 : i32
      %mul3A_253 = arith.muli %scan3A_133, %mul3A_252 : i32
      %add3A_254 = arith.constant 5 : i32
      %add3A_255 = arith.addi %mul3A_253, %add3A_254 : i32
      %get3A_256 = arith.index_cast %add3A_255 : i32 to index
      %get3A_257 = arith.constant 16 : index
      %get3A_258 = tpu.vector_load %arg10[%get3A_256, %get3A_257] {strides = array<i32>} : memref<512x64xf32, #tpu.memory_space<vmem>>, vector<1x16xf32>,
      %get3A_259 = vector.shape_cast %get3A_258 : vector<1x16xf32> to vector<16xf32>
      %add3A_260 = arith.addf %add3A_251, %get3A_259 : vector<16xf32>
      %mul3A_261 = arith.constant 8 : i32
      %mul3A_262 = arith.muli %scan3A_133, %mul3A_261 : i32
      %add3A_263 = arith.constant 6 : i32
      %add3A_264 = arith.addi %mul3A_262, %add3A_263 : i32
      %get3A_265 = arith.index_cast %add3A_264 : i32 to index
      %get3A_266 = arith.constant 16 : index
      %get3A_267 = tpu.vector_load %arg10[%get3A_265, %get3A_266] {strides = array<i32>} : memref<512x64xf32, #tpu.memory_space<vmem>>, vector<1x16xf32>,
      %get3A_268 = vector.shape_cast %get3A_267 : vector<1x16xf32> to vector<16xf32>
      %add3A_269 = arith.addf %add3A_260, %get3A_268 : vector<16xf32>
      %mul3A_270 = arith.constant 8 : i32
      %mul3A_271 = arith.muli %scan3A_133, %mul3A_270 : i32
      %add3A_272 = arith.constant 7 : i32
      %add3A_273 = arith.addi %mul3A_271, %add3A_272 : i32
      %get3A_274 = arith.index_cast %add3A_273 : i32 to index
      %get3A_275 = arith.constant 16 : index
      %get3A_276 = tpu.vector_load %arg10[%get3A_274, %get3A_275] {strides = array<i32>} : memref<512x64xf32, #tpu.memory_space<vmem>>, vector<1x16xf32>,
      %get3A_277 = vector.shape_cast %get3A_276 : vector<1x16xf32> to vector<16xf32>
      %add3A_278 = arith.addf %add3A_269, %get3A_277 : vector<16xf32>
      %mul3A_279 = arith.constant 1.250000e-01 : f32
      %mul3A_280 = vector.broadcast %mul3A_279 : f32 to vector<16xf32>
      %mul3A_281 = arith.mulf %add3A_278, %mul3A_280 : vector<16xf32>
      %swap3A_282 = arith.index_cast %scan3A_133 : i32 to index
      %swap3A_283 = arith.constant 16 : index
      %swap3A_284 = tpu.vector_load %arg11[%swap3A_282, %swap3A_283] {strides = array<i32>} : memref<64x64xf32, #tpu.memory_space<vmem>>, vector<1x16xf32>,
      %swap3A_285 = vector.shape_cast %swap3A_284 : vector<1x16xf32> to vector<16xf32>
      %swap3A_286 = vector.shape_cast %mul3A_281 : vector<16xf32> to vector<1x16xf32>
      tpu.vector_store %arg11[%swap3A_282, %swap3A_283], %swap3A_286 {strides = array<i32>} : memref<64x64xf32, #tpu.memory_space<vmem>>, vector<1x16xf32>,
      %mul3A_287 = arith.constant 8 : i32
      %mul3A_288 = arith.muli %scan3A_133, %mul3A_287 : i32
      %get3A_289 = arith.index_cast %mul3A_288 : i32 to index
      %get3A_290 = arith.constant 32 : index
      %get3A_291 = tpu.vector_load %arg10[%get3A_289, %get3A_290] {strides = array<i32>} : memref<512x64xf32, #tpu.memory_space<vmem>>, vector<1x16xf32>,
      %get3A_292 = vector.shape_cast %get3A_291 : vector<1x16xf32> to vector<16xf32>
      %mul3A_293 = arith.constant 8 : i32
      %mul3A_294 = arith.muli %scan3A_133, %mul3A_293 : i32
      %add3A_295 = arith.constant 1 : i32
      %add3A_296 = arith.addi %mul3A_294, %add3A_295 : i32
      %get3A_297 = arith.index_cast %add3A_296 : i32 to index
      %get3A_298 = arith.constant 32 : index
      %get3A_299 = tpu.vector_load %arg10[%get3A_297, %get3A_298] {strides = array<i32>} : memref<512x64xf32, #tpu.memory_space<vmem>>, vector<1x16xf32>,
      %get3A_300 = vector.shape_cast %get3A_299 : vector<1x16xf32> to vector<16xf32>
      %add3A_301 = arith.addf %get3A_292, %get3A_300 : vector<16xf32>
      %mul3A_302 = arith.constant 8 : i32
      %mul3A_303 = arith.muli %scan3A_133, %mul3A_302 : i32
      %add3A_304 = arith.constant 2 : i32
      %add3A_305 = arith.addi %mul3A_303, %add3A_304 : i32
      %get3A_306 = arith.index_cast %add3A_305 : i32 to index
      %get3A_307 = arith.constant 32 : index
      %get3A_308 = tpu.vector_load %arg10[%get3A_306, %get3A_307] {strides = array<i32>} : memref<512x64xf32, #tpu.memory_space<vmem>>, vector<1x16xf32>,
      %get3A_309 = vector.shape_cast %get3A_308 : vector<1x16xf32> to vector<16xf32>
      %add3A_310 = arith.addf %add3A_301, %get3A_309 : vector<16xf32>
      %mul3A_311 = arith.constant 8 : i32
      %mul3A_312 = arith.muli %scan3A_133, %mul3A_311 : i32
      %add3A_313 = arith.constant 3 : i32
      %add3A_314 = arith.addi %mul3A_312, %add3A_313 : i32
      %get3A_315 = arith.index_cast %add3A_314 : i32 to index
      %get3A_316 = arith.constant 32 : index
      %get3A_317 = tpu.vector_load %arg10[%get3A_315, %get3A_316] {strides = array<i32>} : memref<512x64xf32, #tpu.memory_space<vmem>>, vector<1x16xf32>,
      %get3A_318 = vector.shape_cast %get3A_317 : vector<1x16xf32> to vector<16xf32>
      %add3A_319 = arith.addf %add3A_310, %get3A_318 : vector<16xf32>
      %mul3A_320 = arith.constant 8 : i32
      %mul3A_321 = arith.muli %scan3A_133, %mul3A_320 : i32
      %add3A_322 = arith.constant 4 : i32
      %add3A_323 = arith.addi %mul3A_321, %add3A_322 : i32
      %get3A_324 = arith.index_cast %add3A_323 : i32 to index
      %get3A_325 = arith.constant 32 : index
      %get3A_326 = tpu.vector_load %arg10[%get3A_324, %get3A_325] {strides = array<i32>} : memref<512x64xf32, #tpu.memory_space<vmem>>, vector<1x16xf32>,
      %get3A_327 = vector.shape_cast %get3A_326 : vector<1x16xf32> to vector<16xf32>
      %add3A_328 = arith.addf %add3A_319, %get3A_327 : vector<16xf32>
      %mul3A_329 = arith.constant 8 : i32
      %mul3A_330 = arith.muli %scan3A_133, %mul3A_329 : i32
      %add3A_331 = arith.constant 5 : i32
      %add3A_332 = arith.addi %mul3A_330, %add3A_331 : i32
      %get3A_333 = arith.index_cast %add3A_332 : i32 to index
      %get3A_334 = arith.constant 32 : index
      %get3A_335 = tpu.vector_load %arg10[%get3A_333, %get3A_334] {strides = array<i32>} : memref<512x64xf32, #tpu.memory_space<vmem>>, vector<1x16xf32>,
      %get3A_336 = vector.shape_cast %get3A_335 : vector<1x16xf32> to vector<16xf32>
      %add3A_337 = arith.addf %add3A_328, %get3A_336 : vector<16xf32>
      %mul3A_338 = arith.constant 8 : i32
      %mul3A_339 = arith.muli %scan3A_133, %mul3A_338 : i32
      %add3A_340 = arith.constant 6 : i32
      %add3A_341 = arith.addi %mul3A_339, %add3A_340 : i32
      %get3A_342 = arith.index_cast %add3A_341 : i32 to index
      %get3A_343 = arith.constant 32 : index
      %get3A_344 = tpu.vector_load %arg10[%get3A_342, %get3A_343] {strides = array<i32>} : memref<512x64xf32, #tpu.memory_space<vmem>>, vector<1x16xf32>,
      %get3A_345 = vector.shape_cast %get3A_344 : vector<1x16xf32> to vector<16xf32>
      %add3A_346 = arith.addf %add3A_337, %get3A_345 : vector<16xf32>
      %mul3A_347 = arith.constant 8 : i32
      %mul3A_348 = arith.muli %scan3A_133, %mul3A_347 : i32
      %add3A_349 = arith.constant 7 : i32
      %add3A_350 = arith.addi %mul3A_348, %add3A_349 : i32
      %get3A_351 = arith.index_cast %add3A_350 : i32 to index
      %get3A_352 = arith.constant 32 : index
      %get3A_353 = tpu.vector_load %arg10[%get3A_351, %get3A_352] {strides = array<i32>} : memref<512x64xf32, #tpu.memory_space<vmem>>, vector<1x16xf32>,
      %get3A_354 = vector.shape_cast %get3A_353 : vector<1x16xf32> to vector<16xf32>
      %add3A_355 = arith.addf %add3A_346, %get3A_354 : vector<16xf32>
      %mul3A_356 = arith.constant 1.250000e-01 : f32
      %mul3A_357 = vector.broadcast %mul3A_356 : f32 to vector<16xf32>
      %mul3A_358 = arith.mulf %add3A_355, %mul3A_357 : vector<16xf32>
      %swap3A_359 = arith.index_cast %scan3A_133 : i32 to index
      %swap3A_360 = arith.constant 32 : index
      %swap3A_361 = tpu.vector_load %arg11[%swap3A_359, %swap3A_360] {strides = array<i32>} : memref<64x64xf32, #tpu.memory_space<vmem>>, vector<1x16xf32>,
      %swap3A_362 = vector.shape_cast %swap3A_361 : vector<1x16xf32> to vector<16xf32>
      %swap3A_363 = vector.shape_cast %mul3A_358 : vector<16xf32> to vector<1x16xf32>
      tpu.vector_store %arg11[%swap3A_359, %swap3A_360], %swap3A_363 {strides = array<i32>} : memref<64x64xf32, #tpu.memory_space<vmem>>, vector<1x16xf32>,
      %mul3A_364 = arith.constant 8 : i32
      %mul3A_365 = arith.muli %scan3A_133, %mul3A_364 : i32
      %get3A_366 = arith.index_cast %mul3A_365 : i32 to index
      %get3A_367 = arith.constant 48 : index
      %get3A_368 = tpu.vector_load %arg10[%get3A_366, %get3A_367] {strides = array<i32>} : memref<512x64xf32, #tpu.memory_space<vmem>>, vector<1x16xf32>,
      %get3A_369 = vector.shape_cast %get3A_368 : vector<1x16xf32> to vector<16xf32>
      %mul3A_370 = arith.constant 8 : i32
      %mul3A_371 = arith.muli %scan3A_133, %mul3A_370 : i32
      %add3A_372 = arith.constant 1 : i32
      %add3A_373 = arith.addi %mul3A_371, %add3A_372 : i32
      %get3A_374 = arith.index_cast %add3A_373 : i32 to index
      %get3A_375 = arith.constant 48 : index
      %get3A_376 = tpu.vector_load %arg10[%get3A_374, %get3A_375] {strides = array<i32>} : memref<512x64xf32, #tpu.memory_space<vmem>>, vector<1x16xf32>,
      %get3A_377 = vector.shape_cast %get3A_376 : vector<1x16xf32> to vector<16xf32>
      %add3A_378 = arith.addf %get3A_369, %get3A_377 : vector<16xf32>
      %mul3A_379 = arith.constant 8 : i32
      %mul3A_380 = arith.muli %scan3A_133, %mul3A_379 : i32
      %add3A_381 = arith.constant 2 : i32
      %add3A_382 = arith.addi %mul3A_380, %add3A_381 : i32
      %get3A_383 = arith.index_cast %add3A_382 : i32 to index
      %get3A_384 = arith.constant 48 : index
      %get3A_385 = tpu.vector_load %arg10[%get3A_383, %get3A_384] {strides = array<i32>} : memref<512x64xf32, #tpu.memory_space<vmem>>, vector<1x16xf32>,
      %get3A_386 = vector.shape_cast %get3A_385 : vector<1x16xf32> to vector<16xf32>
      %add3A_387 = arith.addf %add3A_378, %get3A_386 : vector<16xf32>
      %mul3A_388 = arith.constant 8 : i32
      %mul3A_389 = arith.muli %scan3A_133, %mul3A_388 : i32
      %add3A_390 = arith.constant 3 : i32
      %add3A_391 = arith.addi %mul3A_389, %add3A_390 : i32
      %get3A_392 = arith.index_cast %add3A_391 : i32 to index
      %get3A_393 = arith.constant 48 : index
      %get3A_394 = tpu.vector_load %arg10[%get3A_392, %get3A_393] {strides = array<i32>} : memref<512x64xf32, #tpu.memory_space<vmem>>, vector<1x16xf32>,
      %get3A_395 = vector.shape_cast %get3A_394 : vector<1x16xf32> to vector<16xf32>
      %add3A_396 = arith.addf %add3A_387, %get3A_395 : vector<16xf32>
      %mul3A_397 = arith.constant 8 : i32
      %mul3A_398 = arith.muli %scan3A_133, %mul3A_397 : i32
      %add3A_399 = arith.constant 4 : i32
      %add3A_400 = arith.addi %mul3A_398, %add3A_399 : i32
      %get3A_401 = arith.index_cast %add3A_400 : i32 to index
      %get3A_402 = arith.constant 48 : index
      %get3A_403 = tpu.vector_load %arg10[%get3A_401, %get3A_402] {strides = array<i32>} : memref<512x64xf32, #tpu.memory_space<vmem>>, vector<1x16xf32>,
      %get3A_404 = vector.shape_cast %get3A_403 : vector<1x16xf32> to vector<16xf32>
      %add3A_405 = arith.addf %add3A_396, %get3A_404 : vector<16xf32>
      %mul3A_406 = arith.constant 8 : i32
      %mul3A_407 = arith.muli %scan3A_133, %mul3A_406 : i32
      %add3A_408 = arith.constant 5 : i32
      %add3A_409 = arith.addi %mul3A_407, %add3A_408 : i32
      %get3A_410 = arith.index_cast %add3A_409 : i32 to index
      %get3A_411 = arith.constant 48 : index
      %get3A_412 = tpu.vector_load %arg10[%get3A_410, %get3A_411] {strides = array<i32>} : memref<512x64xf32, #tpu.memory_space<vmem>>, vector<1x16xf32>,
      %get3A_413 = vector.shape_cast %get3A_412 : vector<1x16xf32> to vector<16xf32>
      %add3A_414 = arith.addf %add3A_405, %get3A_413 : vector<16xf32>
      %mul3A_415 = arith.constant 8 : i32
      %mul3A_416 = arith.muli %scan3A_133, %mul3A_415 : i32
      %add3A_417 = arith.constant 6 : i32
      %add3A_418 = arith.addi %mul3A_416, %add3A_417 : i32
      %get3A_419 = arith.index_cast %add3A_418 : i32 to index
      %get3A_420 = arith.constant 48 : index
      %get3A_421 = tpu.vector_load %arg10[%get3A_419, %get3A_420] {strides = array<i32>} : memref<512x64xf32, #tpu.memory_space<vmem>>, vector<1x16xf32>,
      %get3A_422 = vector.shape_cast %get3A_421 : vector<1x16xf32> to vector<16xf32>
      %add3A_423 = arith.addf %add3A_414, %get3A_422 : vector<16xf32>
      %mul3A_424 = arith.constant 8 : i32
      %mul3A_425 = arith.muli %scan3A_133, %mul3A_424 : i32
      %add3A_426 = arith.constant 7 : i32
      %add3A_427 = arith.addi %mul3A_425, %add3A_426 : i32
      %get3A_428 = arith.index_cast %add3A_427 : i32 to index
      %get3A_429 = arith.constant 48 : index
      %get3A_430 = tpu.vector_load %arg10[%get3A_428, %get3A_429] {strides = array<i32>} : memref<512x64xf32, #tpu.memory_space<vmem>>, vector<1x16xf32>,
      %get3A_431 = vector.shape_cast %get3A_430 : vector<1x16xf32> to vector<16xf32>
      %add3A_432 = arith.addf %add3A_423, %get3A_431 : vector<16xf32>
      %mul3A_433 = arith.constant 1.250000e-01 : f32
      %mul3A_434 = vector.broadcast %mul3A_433 : f32 to vector<16xf32>
      %mul3A_435 = arith.mulf %add3A_432, %mul3A_434 : vector<16xf32>
      %swap3A_436 = arith.index_cast %scan3A_133 : i32 to index
      %swap3A_437 = arith.constant 48 : index
      %swap3A_438 = tpu.vector_load %arg11[%swap3A_436, %swap3A_437] {strides = array<i32>} : memref<64x64xf32, #tpu.memory_space<vmem>>, vector<1x16xf32>,
      %swap3A_439 = vector.shape_cast %swap3A_438 : vector<1x16xf32> to vector<16xf32>
      %swap3A_440 = vector.shape_cast %mul3A_435 : vector<16xf32> to vector<1x16xf32>
      tpu.vector_store %arg11[%swap3A_436, %swap3A_437], %swap3A_440 {strides = array<i32>} : memref<64x64xf32, #tpu.memory_space<vmem>>, vector<1x16xf32>,
      %scan3A_441 = arith.constant 0 : i32
      scf.yield %scan3A_441 : i32
    }
    %scan3A_108 = arith.constant 64 : i32
    %mul3A_109 = arith.constant 64 : i32
    %mul3A_110 = arith.muli %add3A, %mul3A_109 : i32
    "tpu.region"() ({
      %run_scoped3A = tpu.sem_alloc : memref<!tpu.dma_semaphore, #tpu.memory_space<semaphore_mem>>
      %dma_start3A_133 = arith.constant 0 : i32
      %dma_start3A_134 = tpu.memref_slice %arg6[%mul3A_110, %dma_start3A_133] : memref<2048x64xf32, #tpu.memory_space<hbm>> -> memref<64x64xf32, #tpu.memory_space<hbm>>
      %dma_start3A_135 = arith.constant 0 : i32
      %dma_start3A_136 = tpu.memref_slice %arg6[%mul3A_110, %dma_start3A_135] : memref<2048x64xf32, #tpu.memory_space<hbm>> -> memref<64x64xf32, #tpu.memory_space<hbm>>
      tpu.enqueue_dma source(%arg11 : memref<64x64xf32, #tpu.memory_space<vmem>>) target(%dma_start3A_136 : memref<64x64xf32, #tpu.memory_space<hbm>>) target_semaphore(%run_scoped3A : memref<!tpu.dma_semaphore, #tpu.memory_space<semaphore_mem>>)
      %dma_wait3A_137 = arith.constant 0 : i32
      %dma_wait3A_138 = tpu.memref_slice %arg6[%mul3A_110, %dma_wait3A_137] : memref<2048x64xf32, #tpu.memory_space<hbm>> -> memref<64x64xf32, #tpu.memory_space<hbm>>
      %dma_wait3A_139 = arith.constant 0 : i32
      %dma_wait3A_140 = tpu.memref_slice %arg6[%mul3A_110, %dma_wait3A_139] : memref<2048x64xf32, #tpu.memory_space<hbm>> -> memref<64x64xf32, #tpu.memory_space<hbm>>
      tpu.wait_dma2 semaphore(%run_scoped3A : memref<!tpu.dma_semaphore, #tpu.memory_space<semaphore_mem>>) src(%arg11 : memref<64x64xf32, #tpu.memory_space<vmem>>) dst(%dma_wait3A_140 : memref<64x64xf32, #tpu.memory_space<hbm>>)
      tpu.yield
    }) : () -> ()
    %dma_wait3A_111 = arith.constant 0 : i32
    %dma_wait3A_112 = arith.constant 0 : i32
    %dma_wait3A_113 = arith.constant 0 : i32
    %dma_wait3A_114 = tpu.memref_slice %arg12[%dma_wait3A_112, %dma_wait3A_113] : memref<200x8xi32, #tpu.memory_space<vmem>> -> memref<100x8xi32, #tpu.memory_space<vmem>>
    %dma_wait3A_115 = arith.constant 0 : i32
    %dma_wait3A_116 = tpu.memref_slice %arg9[%dma_wait3A_111, %dma_wait3A_115] : memref<2x100xi32, #tpu.memory_space<vmem>> -> memref<1x100xi32, #tpu.memory_space<vmem>>
    %dma_wait3A_117 = tpu.memref_squeeze %dma_wait3A_116 : memref<1x100xi32, #tpu.memory_space<vmem>> -> memref<100xi32, #tpu.memory_space<vmem>>
    %dma_wait3A_118 = arith.constant 0 : i32
    %dma_wait3A_119 = arith.constant 0 : i32
    %dma_wait3A_120 = tpu.memref_slice %arg3[%dma_wait3A_118, %dma_wait3A_119] : memref<100000x8xi32, #tpu.memory_space<hbm>> -> memref<100000x8xi32, #tpu.memory_space<hbm>>
    tpu.wait_indirect_dma semaphore(%arg14 : memref<!tpu.dma_semaphore, #tpu.memory_space<semaphore_mem>>) src(%dma_wait3A_120 : memref<100000x8xi32, #tpu.memory_space<hbm>>) dst(%dma_wait3A_114 : memref<100x8xi32, #tpu.memory_space<vmem>>)
    %dma_wait3A_121 = arith.constant 1 : i32
    %dma_wait3A_122 = arith.constant 100 : i32
    %dma_wait3A_123 = arith.constant 0 : i32
    %dma_wait3A_124 = tpu.memref_slice %arg12[%dma_wait3A_122, %dma_wait3A_123] : memref<200x8xi32, #tpu.memory_space<vmem>> -> memref<100x8xi32, #tpu.memory_space<vmem>>
    %dma_wait3A_125 = arith.constant 0 : i32
    %dma_wait3A_126 = tpu.memref_slice %arg9[%dma_wait3A_121, %dma_wait3A_125] : memref<2x100xi32, #tpu.memory_space<vmem>> -> memref<1x100xi32, #tpu.memory_space<vmem>>
    %dma_wait3A_127 = tpu.memref_squeeze %dma_wait3A_126 : memref<1x100xi32, #tpu.memory_space<vmem>> -> memref<100xi32, #tpu.memory_space<vmem>>
    %dma_wait3A_128 = arith.constant 0 : i32
    %dma_wait3A_129 = arith.constant 0 : i32
    %dma_wait3A_130 = tpu.memref_slice %arg3[%dma_wait3A_128, %dma_wait3A_129] : memref<100000x8xi32, #tpu.memory_space<hbm>> -> memref<100000x8xi32, #tpu.memory_space<hbm>>
    tpu.wait_indirect_dma semaphore(%arg14 : memref<!tpu.dma_semaphore, #tpu.memory_space<semaphore_mem>>) src(%dma_wait3A_130 : memref<100000x8xi32, #tpu.memory_space<hbm>>) dst(%dma_wait3A_124 : memref<100x8xi32, #tpu.memory_space<vmem>>)
    %mul3A_131 = arith.constant 200 : i32
    %mul3A_132 = arith.muli %add3A, %mul3A_131 : i32
    "tpu.region"() ({
      %run_scoped3A = tpu.sem_alloc : memref<!tpu.dma_semaphore, #tpu.memory_space<semaphore_mem>>
      %dma_start3A_133 = arith.constant 0 : i32
      %dma_start3A_134 = tpu.memref_slice %arg7[%mul3A_132, %dma_start3A_133] : memref<6400x8xi32, #tpu.memory_space<hbm>> -> memref<200x8xi32, #tpu.memory_space<hbm>>
      %dma_start3A_135 = arith.constant 0 : i32
      %dma_start3A_136 = tpu.memref_slice %arg7[%mul3A_132, %dma_start3A_135] : memref<6400x8xi32, #tpu.memory_space<hbm>> -> memref<200x8xi32, #tpu.memory_space<hbm>>
      tpu.enqueue_dma source(%arg12 : memref<200x8xi32, #tpu.memory_space<vmem>>) target(%dma_start3A_136 : memref<200x8xi32, #tpu.memory_space<hbm>>) target_semaphore(%run_scoped3A : memref<!tpu.dma_semaphore, #tpu.memory_space<semaphore_mem>>)
      %dma_wait3A_137 = arith.constant 0 : i32
      %dma_wait3A_138 = tpu.memref_slice %arg7[%mul3A_132, %dma_wait3A_137] : memref<6400x8xi32, #tpu.memory_space<hbm>> -> memref<200x8xi32, #tpu.memory_space<hbm>>
      %dma_wait3A_139 = arith.constant 0 : i32
      %dma_wait3A_140 = tpu.memref_slice %arg7[%mul3A_132, %dma_wait3A_139] : memref<6400x8xi32, #tpu.memory_space<hbm>> -> memref<200x8xi32, #tpu.memory_space<hbm>>
      tpu.wait_dma2 semaphore(%run_scoped3A : memref<!tpu.dma_semaphore, #tpu.memory_space<semaphore_mem>>) src(%arg12 : memref<200x8xi32, #tpu.memory_space<vmem>>) dst(%dma_wait3A_140 : memref<200x8xi32, #tpu.memory_space<hbm>>)
      tpu.yield
    }) : () -> ()
    return
  }
}

#map = affine_map<(d0, d1) -> (0, 0)>
module attributes {stable_mosaic.version = 14 : i64} {
  func.func @_k3_body(%arg0: i32, %arg1: i32, %arg2: memref<2000x64xf32, #tpu.memory_space<hbm>>, %arg3: memref<512x100xi32, #tpu.memory_space<hbm>>, %arg4: memref<100000x64xf32, #tpu.memory_space<hbm>>, %arg5: memref<64x100xi32, #tpu.memory_space<hbm>>, %arg6: memref<6400x64xf32, #tpu.memory_space<hbm>>, %arg7: memref<6400x64xf32, #tpu.memory_space<hbm>>, %arg8: memref<16x100xi32, #tpu.memory_space<vmem>>, %arg9: memref<2x100xi32, #tpu.memory_space<vmem>>, %arg10: memref<400x64xf32, #tpu.memory_space<vmem>>, %arg11: memref<400x64xf32, #tpu.memory_space<vmem>>, %arg12: memref<200x64xf32, #tpu.memory_space<vmem>>, %arg13: memref<200x64xf32, #tpu.memory_space<vmem>>, %arg14: memref<2000x64xf32, #tpu.memory_space<vmem_shared>>, %arg15: memref<!tpu.dma_semaphore, #tpu.memory_space<semaphore_mem>>, %arg16: memref<!tpu.dma_semaphore, #tpu.memory_space<semaphore_mem>>, %arg17: memref<!tpu.dma_semaphore, #tpu.memory_space<semaphore_mem>>) attributes {dimension_semantics = [#tpu.dimension_semantics<core_parallel>, #tpu.dimension_semantics<subcore_parallel>], iteration_bounds = array<i64: 2, 16>, scalar_prefetch = 0 : i64, scratch_operands = 10 : i64, tpu.core_type = #tpu.core_type<sc_vector_subcore>, window_params = [{transform_indices = #map}, {transform_indices = #map}, {transform_indices = #map}, {transform_indices = #map}, {transform_indices = #map}, {transform_indices = #map}]} {
    %mul3A = arith.constant 2 : i32
    %mul3A_0 = arith.muli %arg1, %mul3A : i32
    %add3A = arith.addi %mul3A_0, %arg0 : i32
    %mul3A_1 = arith.constant 2 : i32
    %mul3A_2 = arith.muli %add3A, %mul3A_1 : i32
    "tpu.region"() ({
      %run_scoped3A = tpu.sem_alloc : memref<!tpu.dma_semaphore, #tpu.memory_space<semaphore_mem>>
      %dma_start3A_396 = arith.constant 0 : i32
      %dma_start3A_397 = tpu.memref_slice %arg5[%mul3A_2, %dma_start3A_396] : memref<64x100xi32, #tpu.memory_space<hbm>> -> memref<2x100xi32, #tpu.memory_space<hbm>>
      %dma_start3A_398 = arith.constant 0 : i32
      %dma_start3A_399 = tpu.memref_slice %arg5[%mul3A_2, %dma_start3A_398] : memref<64x100xi32, #tpu.memory_space<hbm>> -> memref<2x100xi32, #tpu.memory_space<hbm>>
      tpu.enqueue_dma source(%dma_start3A_399 : memref<2x100xi32, #tpu.memory_space<hbm>>) target(%arg9 : memref<2x100xi32, #tpu.memory_space<vmem>>) target_semaphore(%run_scoped3A : memref<!tpu.dma_semaphore, #tpu.memory_space<semaphore_mem>>)
      %dma_wait3A_400 = arith.constant 0 : i32
      %dma_wait3A_401 = tpu.memref_slice %arg5[%mul3A_2, %dma_wait3A_400] : memref<64x100xi32, #tpu.memory_space<hbm>> -> memref<2x100xi32, #tpu.memory_space<hbm>>
      %dma_wait3A_402 = arith.constant 0 : i32
      %dma_wait3A_403 = tpu.memref_slice %arg5[%mul3A_2, %dma_wait3A_402] : memref<64x100xi32, #tpu.memory_space<hbm>> -> memref<2x100xi32, #tpu.memory_space<hbm>>
      tpu.wait_dma2 semaphore(%run_scoped3A : memref<!tpu.dma_semaphore, #tpu.memory_space<semaphore_mem>>) src(%dma_wait3A_403 : memref<2x100xi32, #tpu.memory_space<hbm>>) dst(%arg9 : memref<2x100xi32, #tpu.memory_space<vmem>>)
      tpu.yield
    }) : () -> ()
    %dma_start3A = arith.constant 0 : i32
    %dma_start3A_3 = arith.constant 0 : i32
    %dma_start3A_4 = arith.constant 0 : i32
    %dma_start3A_5 = tpu.memref_slice %arg13[%dma_start3A_3, %dma_start3A_4] : memref<200x64xf32, #tpu.memory_space<vmem>> -> memref<100x64xf32, #tpu.memory_space<vmem>>
    %dma_start3A_6 = arith.constant 0 : i32
    %dma_start3A_7 = tpu.memref_slice %arg9[%dma_start3A, %dma_start3A_6] : memref<2x100xi32, #tpu.memory_space<vmem>> -> memref<1x100xi32, #tpu.memory_space<vmem>>
    %dma_start3A_8 = tpu.memref_squeeze %dma_start3A_7 : memref<1x100xi32, #tpu.memory_space<vmem>> -> memref<100xi32, #tpu.memory_space<vmem>>
    %dma_start3A_9 = arith.constant 0 : i32
    %dma_start3A_10 = arith.constant 0 : i32
    %dma_start3A_11 = tpu.memref_slice %arg4[%dma_start3A_9, %dma_start3A_10] : memref<100000x64xf32, #tpu.memory_space<hbm>> -> memref<100000x64xf32, #tpu.memory_space<hbm>>
    tpu.enqueue_indirect_dma source(%dma_start3A_11 : memref<100000x64xf32, #tpu.memory_space<hbm>>) target(%dma_start3A_5 : memref<100x64xf32, #tpu.memory_space<vmem>>) offsets(%dma_start3A_8 : memref<100xi32, #tpu.memory_space<vmem>>) semaphore(%arg17 : memref<!tpu.dma_semaphore, #tpu.memory_space<semaphore_mem>>)
    %dma_start3A_12 = arith.constant 1 : i32
    %dma_start3A_13 = arith.constant 100 : i32
    %dma_start3A_14 = arith.constant 0 : i32
    %dma_start3A_15 = tpu.memref_slice %arg13[%dma_start3A_13, %dma_start3A_14] : memref<200x64xf32, #tpu.memory_space<vmem>> -> memref<100x64xf32, #tpu.memory_space<vmem>>
    %dma_start3A_16 = arith.constant 0 : i32
    %dma_start3A_17 = tpu.memref_slice %arg9[%dma_start3A_12, %dma_start3A_16] : memref<2x100xi32, #tpu.memory_space<vmem>> -> memref<1x100xi32, #tpu.memory_space<vmem>>
    %dma_start3A_18 = tpu.memref_squeeze %dma_start3A_17 : memref<1x100xi32, #tpu.memory_space<vmem>> -> memref<100xi32, #tpu.memory_space<vmem>>
    %dma_start3A_19 = arith.constant 0 : i32
    %dma_start3A_20 = arith.constant 0 : i32
    %dma_start3A_21 = tpu.memref_slice %arg4[%dma_start3A_19, %dma_start3A_20] : memref<100000x64xf32, #tpu.memory_space<hbm>> -> memref<100000x64xf32, #tpu.memory_space<hbm>>
    tpu.enqueue_indirect_dma source(%dma_start3A_21 : memref<100000x64xf32, #tpu.memory_space<hbm>>) target(%dma_start3A_15 : memref<100x64xf32, #tpu.memory_space<vmem>>) offsets(%dma_start3A_18 : memref<100xi32, #tpu.memory_space<vmem>>) semaphore(%arg17 : memref<!tpu.dma_semaphore, #tpu.memory_space<semaphore_mem>>)
    %eq3A = arith.constant 0 : i32
    %eq3A_22 = arith.cmpi eq, %arg1, %eq3A : i32
    %convert_element_type3A = arith.extui %eq3A_22 : i1 to i32
    %cond3A = arith.constant 0 : i32
    %cond3A_23 = arith.cmpi ne, %convert_element_type3A, %cond3A : i32
    scf.if %cond3A_23 {
      "tpu.region"() ({
        %run_scoped3A = tpu.sem_alloc : memref<!tpu.dma_semaphore, #tpu.memory_space<semaphore_mem>>
        tpu.enqueue_dma source(%arg2 : memref<2000x64xf32, #tpu.memory_space<hbm>>) target(%arg14 : memref<2000x64xf32, #tpu.memory_space<vmem_shared>>) target_semaphore(%run_scoped3A : memref<!tpu.dma_semaphore, #tpu.memory_space<semaphore_mem>>)
        tpu.wait_dma2 semaphore(%run_scoped3A : memref<!tpu.dma_semaphore, #tpu.memory_space<semaphore_mem>>) src(%arg2 : memref<2000x64xf32, #tpu.memory_space<hbm>>) dst(%arg14 : memref<2000x64xf32, #tpu.memory_space<vmem_shared>>)
        tpu.yield
      }) : () -> ()
    } else {
    }
    %mul3A_24 = arith.constant 16 : i32
    %mul3A_25 = arith.muli %add3A, %mul3A_24 : i32
    "tpu.region"() ({
      %run_scoped3A = tpu.sem_alloc : memref<!tpu.dma_semaphore, #tpu.memory_space<semaphore_mem>>
      %dma_start3A_396 = arith.constant 0 : i32
      %dma_start3A_397 = tpu.memref_slice %arg3[%mul3A_25, %dma_start3A_396] : memref<512x100xi32, #tpu.memory_space<hbm>> -> memref<16x100xi32, #tpu.memory_space<hbm>>
      %dma_start3A_398 = arith.constant 0 : i32
      %dma_start3A_399 = tpu.memref_slice %arg3[%mul3A_25, %dma_start3A_398] : memref<512x100xi32, #tpu.memory_space<hbm>> -> memref<16x100xi32, #tpu.memory_space<hbm>>
      tpu.enqueue_dma source(%dma_start3A_399 : memref<16x100xi32, #tpu.memory_space<hbm>>) target(%arg8 : memref<16x100xi32, #tpu.memory_space<vmem>>) target_semaphore(%run_scoped3A : memref<!tpu.dma_semaphore, #tpu.memory_space<semaphore_mem>>)
      %dma_wait3A_400 = arith.constant 0 : i32
      %dma_wait3A_401 = tpu.memref_slice %arg3[%mul3A_25, %dma_wait3A_400] : memref<512x100xi32, #tpu.memory_space<hbm>> -> memref<16x100xi32, #tpu.memory_space<hbm>>
      %dma_wait3A_402 = arith.constant 0 : i32
      %dma_wait3A_403 = tpu.memref_slice %arg3[%mul3A_25, %dma_wait3A_402] : memref<512x100xi32, #tpu.memory_space<hbm>> -> memref<16x100xi32, #tpu.memory_space<hbm>>
      tpu.wait_dma2 semaphore(%run_scoped3A : memref<!tpu.dma_semaphore, #tpu.memory_space<semaphore_mem>>) src(%dma_wait3A_403 : memref<16x100xi32, #tpu.memory_space<hbm>>) dst(%arg8 : memref<16x100xi32, #tpu.memory_space<vmem>>)
      tpu.yield
    }) : () -> ()
    %barrier3A = arith.constant 0 : index
    tpu.barrier barrier_id(%barrier3A)
    %dma_start3A_26 = arith.constant 0 : i32
    %dma_start3A_27 = arith.constant 0 : i32
    %dma_start3A_28 = arith.constant 0 : i32
    %dma_start3A_29 = tpu.memref_slice %arg10[%dma_start3A_27, %dma_start3A_28] : memref<400x64xf32, #tpu.memory_space<vmem>> -> memref<100x64xf32, #tpu.memory_space<vmem>>
    %dma_start3A_30 = arith.constant 0 : i32
    %dma_start3A_31 = tpu.memref_slice %arg8[%dma_start3A_26, %dma_start3A_30] : memref<16x100xi32, #tpu.memory_space<vmem>> -> memref<1x100xi32, #tpu.memory_space<vmem>>
    %dma_start3A_32 = tpu.memref_squeeze %dma_start3A_31 : memref<1x100xi32, #tpu.memory_space<vmem>> -> memref<100xi32, #tpu.memory_space<vmem>>
    %dma_start3A_33 = arith.constant 0 : i32
    %dma_start3A_34 = arith.constant 0 : i32
    %dma_start3A_35 = tpu.memref_slice %arg14[%dma_start3A_33, %dma_start3A_34] : memref<2000x64xf32, #tpu.memory_space<vmem_shared>> -> memref<2000x64xf32, #tpu.memory_space<vmem_shared>>
    tpu.enqueue_indirect_dma source(%dma_start3A_35 : memref<2000x64xf32, #tpu.memory_space<vmem_shared>>) target(%dma_start3A_29 : memref<100x64xf32, #tpu.memory_space<vmem>>) offsets(%dma_start3A_32 : memref<100xi32, #tpu.memory_space<vmem>>) semaphore(%arg15 : memref<!tpu.dma_semaphore, #tpu.memory_space<semaphore_mem>>)
    %dma_start3A_36 = arith.constant 1 : i32
    %dma_start3A_37 = arith.constant 100 : i32
    %dma_start3A_38 = arith.constant 0 : i32
    %dma_start3A_39 = tpu.memref_slice %arg10[%dma_start3A_37, %dma_start3A_38] : memref<400x64xf32, #tpu.memory_space<vmem>> -> memref<100x64xf32, #tpu.memory_space<vmem>>
    %dma_start3A_40 = arith.constant 0 : i32
    %dma_start3A_41 = tpu.memref_slice %arg8[%dma_start3A_36, %dma_start3A_40] : memref<16x100xi32, #tpu.memory_space<vmem>> -> memref<1x100xi32, #tpu.memory_space<vmem>>
    %dma_start3A_42 = tpu.memref_squeeze %dma_start3A_41 : memref<1x100xi32, #tpu.memory_space<vmem>> -> memref<100xi32, #tpu.memory_space<vmem>>
    %dma_start3A_43 = arith.constant 0 : i32
    %dma_start3A_44 = arith.constant 0 : i32
    %dma_start3A_45 = tpu.memref_slice %arg14[%dma_start3A_43, %dma_start3A_44] : memref<2000x64xf32, #tpu.memory_space<vmem_shared>> -> memref<2000x64xf32, #tpu.memory_space<vmem_shared>>
    tpu.enqueue_indirect_dma source(%dma_start3A_45 : memref<2000x64xf32, #tpu.memory_space<vmem_shared>>) target(%dma_start3A_39 : memref<100x64xf32, #tpu.memory_space<vmem>>) offsets(%dma_start3A_42 : memref<100xi32, #tpu.memory_space<vmem>>) semaphore(%arg15 : memref<!tpu.dma_semaphore, #tpu.memory_space<semaphore_mem>>)
    %dma_start3A_46 = arith.constant 2 : i32
    %dma_start3A_47 = arith.constant 200 : i32
    %dma_start3A_48 = arith.constant 0 : i32
    %dma_start3A_49 = tpu.memref_slice %arg10[%dma_start3A_47, %dma_start3A_48] : memref<400x64xf32, #tpu.memory_space<vmem>> -> memref<100x64xf32, #tpu.memory_space<vmem>>
    %dma_start3A_50 = arith.constant 0 : i32
    %dma_start3A_51 = tpu.memref_slice %arg8[%dma_start3A_46, %dma_start3A_50] : memref<16x100xi32, #tpu.memory_space<vmem>> -> memref<1x100xi32, #tpu.memory_space<vmem>>
    %dma_start3A_52 = tpu.memref_squeeze %dma_start3A_51 : memref<1x100xi32, #tpu.memory_space<vmem>> -> memref<100xi32, #tpu.memory_space<vmem>>
    %dma_start3A_53 = arith.constant 0 : i32
    %dma_start3A_54 = arith.constant 0 : i32
    %dma_start3A_55 = tpu.memref_slice %arg14[%dma_start3A_53, %dma_start3A_54] : memref<2000x64xf32, #tpu.memory_space<vmem_shared>> -> memref<2000x64xf32, #tpu.memory_space<vmem_shared>>
    tpu.enqueue_indirect_dma source(%dma_start3A_55 : memref<2000x64xf32, #tpu.memory_space<vmem_shared>>) target(%dma_start3A_49 : memref<100x64xf32, #tpu.memory_space<vmem>>) offsets(%dma_start3A_52 : memref<100xi32, #tpu.memory_space<vmem>>) semaphore(%arg15 : memref<!tpu.dma_semaphore, #tpu.memory_space<semaphore_mem>>)
    %dma_start3A_56 = arith.constant 3 : i32
    %dma_start3A_57 = arith.constant 300 : i32
    %dma_start3A_58 = arith.constant 0 : i32
    %dma_start3A_59 = tpu.memref_slice %arg10[%dma_start3A_57, %dma_start3A_58] : memref<400x64xf32, #tpu.memory_space<vmem>> -> memref<100x64xf32, #tpu.memory_space<vmem>>
    %dma_start3A_60 = arith.constant 0 : i32
    %dma_start3A_61 = tpu.memref_slice %arg8[%dma_start3A_56, %dma_start3A_60] : memref<16x100xi32, #tpu.memory_space<vmem>> -> memref<1x100xi32, #tpu.memory_space<vmem>>
    %dma_start3A_62 = tpu.memref_squeeze %dma_start3A_61 : memref<1x100xi32, #tpu.memory_space<vmem>> -> memref<100xi32, #tpu.memory_space<vmem>>
    %dma_start3A_63 = arith.constant 0 : i32
    %dma_start3A_64 = arith.constant 0 : i32
    %dma_start3A_65 = tpu.memref_slice %arg14[%dma_start3A_63, %dma_start3A_64] : memref<2000x64xf32, #tpu.memory_space<vmem_shared>> -> memref<2000x64xf32, #tpu.memory_space<vmem_shared>>
    tpu.enqueue_indirect_dma source(%dma_start3A_65 : memref<2000x64xf32, #tpu.memory_space<vmem_shared>>) target(%dma_start3A_59 : memref<100x64xf32, #tpu.memory_space<vmem>>) offsets(%dma_start3A_62 : memref<100xi32, #tpu.memory_space<vmem>>) semaphore(%arg15 : memref<!tpu.dma_semaphore, #tpu.memory_space<semaphore_mem>>)
    %dma_wait3A = arith.constant 0 : i32
    %dma_wait3A_66 = arith.constant 0 : i32
    %dma_wait3A_67 = arith.constant 0 : i32
    %dma_wait3A_68 = tpu.memref_slice %arg10[%dma_wait3A_66, %dma_wait3A_67] : memref<400x64xf32, #tpu.memory_space<vmem>> -> memref<100x64xf32, #tpu.memory_space<vmem>>
    %dma_wait3A_69 = arith.constant 0 : i32
    %dma_wait3A_70 = tpu.memref_slice %arg8[%dma_wait3A, %dma_wait3A_69] : memref<16x100xi32, #tpu.memory_space<vmem>> -> memref<1x100xi32, #tpu.memory_space<vmem>>
    %dma_wait3A_71 = tpu.memref_squeeze %dma_wait3A_70 : memref<1x100xi32, #tpu.memory_space<vmem>> -> memref<100xi32, #tpu.memory_space<vmem>>
    %dma_wait3A_72 = arith.constant 0 : i32
    %dma_wait3A_73 = arith.constant 0 : i32
    %dma_wait3A_74 = tpu.memref_slice %arg14[%dma_wait3A_72, %dma_wait3A_73] : memref<2000x64xf32, #tpu.memory_space<vmem_shared>> -> memref<2000x64xf32, #tpu.memory_space<vmem_shared>>
    tpu.wait_indirect_dma semaphore(%arg15 : memref<!tpu.dma_semaphore, #tpu.memory_space<semaphore_mem>>) src(%dma_wait3A_74 : memref<2000x64xf32, #tpu.memory_space<vmem_shared>>) dst(%dma_wait3A_68 : memref<100x64xf32, #tpu.memory_space<vmem>>)
    %dma_wait3A_75 = arith.constant 1 : i32
    %dma_wait3A_76 = arith.constant 100 : i32
    %dma_wait3A_77 = arith.constant 0 : i32
    %dma_wait3A_78 = tpu.memref_slice %arg10[%dma_wait3A_76, %dma_wait3A_77] : memref<400x64xf32, #tpu.memory_space<vmem>> -> memref<100x64xf32, #tpu.memory_space<vmem>>
    %dma_wait3A_79 = arith.constant 0 : i32
    %dma_wait3A_80 = tpu.memref_slice %arg8[%dma_wait3A_75, %dma_wait3A_79] : memref<16x100xi32, #tpu.memory_space<vmem>> -> memref<1x100xi32, #tpu.memory_space<vmem>>
    %dma_wait3A_81 = tpu.memref_squeeze %dma_wait3A_80 : memref<1x100xi32, #tpu.memory_space<vmem>> -> memref<100xi32, #tpu.memory_space<vmem>>
    %dma_wait3A_82 = arith.constant 0 : i32
    %dma_wait3A_83 = arith.constant 0 : i32
    %dma_wait3A_84 = tpu.memref_slice %arg14[%dma_wait3A_82, %dma_wait3A_83] : memref<2000x64xf32, #tpu.memory_space<vmem_shared>> -> memref<2000x64xf32, #tpu.memory_space<vmem_shared>>
    tpu.wait_indirect_dma semaphore(%arg15 : memref<!tpu.dma_semaphore, #tpu.memory_space<semaphore_mem>>) src(%dma_wait3A_84 : memref<2000x64xf32, #tpu.memory_space<vmem_shared>>) dst(%dma_wait3A_78 : memref<100x64xf32, #tpu.memory_space<vmem>>)
    %dma_wait3A_85 = arith.constant 2 : i32
    %dma_wait3A_86 = arith.constant 200 : i32
    %dma_wait3A_87 = arith.constant 0 : i32
    %dma_wait3A_88 = tpu.memref_slice %arg10[%dma_wait3A_86, %dma_wait3A_87] : memref<400x64xf32, #tpu.memory_space<vmem>> -> memref<100x64xf32, #tpu.memory_space<vmem>>
    %dma_wait3A_89 = arith.constant 0 : i32
    %dma_wait3A_90 = tpu.memref_slice %arg8[%dma_wait3A_85, %dma_wait3A_89] : memref<16x100xi32, #tpu.memory_space<vmem>> -> memref<1x100xi32, #tpu.memory_space<vmem>>
    %dma_wait3A_91 = tpu.memref_squeeze %dma_wait3A_90 : memref<1x100xi32, #tpu.memory_space<vmem>> -> memref<100xi32, #tpu.memory_space<vmem>>
    %dma_wait3A_92 = arith.constant 0 : i32
    %dma_wait3A_93 = arith.constant 0 : i32
    %dma_wait3A_94 = tpu.memref_slice %arg14[%dma_wait3A_92, %dma_wait3A_93] : memref<2000x64xf32, #tpu.memory_space<vmem_shared>> -> memref<2000x64xf32, #tpu.memory_space<vmem_shared>>
    tpu.wait_indirect_dma semaphore(%arg15 : memref<!tpu.dma_semaphore, #tpu.memory_space<semaphore_mem>>) src(%dma_wait3A_94 : memref<2000x64xf32, #tpu.memory_space<vmem_shared>>) dst(%dma_wait3A_88 : memref<100x64xf32, #tpu.memory_space<vmem>>)
    %dma_wait3A_95 = arith.constant 3 : i32
    %dma_wait3A_96 = arith.constant 300 : i32
    %dma_wait3A_97 = arith.constant 0 : i32
    %dma_wait3A_98 = tpu.memref_slice %arg10[%dma_wait3A_96, %dma_wait3A_97] : memref<400x64xf32, #tpu.memory_space<vmem>> -> memref<100x64xf32, #tpu.memory_space<vmem>>
    %dma_wait3A_99 = arith.constant 0 : i32
    %dma_wait3A_100 = tpu.memref_slice %arg8[%dma_wait3A_95, %dma_wait3A_99] : memref<16x100xi32, #tpu.memory_space<vmem>> -> memref<1x100xi32, #tpu.memory_space<vmem>>
    %dma_wait3A_101 = tpu.memref_squeeze %dma_wait3A_100 : memref<1x100xi32, #tpu.memory_space<vmem>> -> memref<100xi32, #tpu.memory_space<vmem>>
    %dma_wait3A_102 = arith.constant 0 : i32
    %dma_wait3A_103 = arith.constant 0 : i32
    %dma_wait3A_104 = tpu.memref_slice %arg14[%dma_wait3A_102, %dma_wait3A_103] : memref<2000x64xf32, #tpu.memory_space<vmem_shared>> -> memref<2000x64xf32, #tpu.memory_space<vmem_shared>>
    tpu.wait_indirect_dma semaphore(%arg15 : memref<!tpu.dma_semaphore, #tpu.memory_space<semaphore_mem>>) src(%dma_wait3A_104 : memref<2000x64xf32, #tpu.memory_space<vmem_shared>>) dst(%dma_wait3A_98 : memref<100x64xf32, #tpu.memory_space<vmem>>)
    %dma_start3A_105 = arith.constant 4 : i32
    %dma_start3A_106 = arith.constant 0 : i32
    %dma_start3A_107 = arith.constant 0 : i32
    %dma_start3A_108 = tpu.memref_slice %arg11[%dma_start3A_106, %dma_start3A_107] : memref<400x64xf32, #tpu.memory_space<vmem>> -> memref<100x64xf32, #tpu.memory_space<vmem>>
    %dma_start3A_109 = arith.constant 0 : i32
    %dma_start3A_110 = tpu.memref_slice %arg8[%dma_start3A_105, %dma_start3A_109] : memref<16x100xi32, #tpu.memory_space<vmem>> -> memref<1x100xi32, #tpu.memory_space<vmem>>
    %dma_start3A_111 = tpu.memref_squeeze %dma_start3A_110 : memref<1x100xi32, #tpu.memory_space<vmem>> -> memref<100xi32, #tpu.memory_space<vmem>>
    %dma_start3A_112 = arith.constant 0 : i32
    %dma_start3A_113 = arith.constant 0 : i32
    %dma_start3A_114 = tpu.memref_slice %arg14[%dma_start3A_112, %dma_start3A_113] : memref<2000x64xf32, #tpu.memory_space<vmem_shared>> -> memref<2000x64xf32, #tpu.memory_space<vmem_shared>>
    tpu.enqueue_indirect_dma source(%dma_start3A_114 : memref<2000x64xf32, #tpu.memory_space<vmem_shared>>) target(%dma_start3A_108 : memref<100x64xf32, #tpu.memory_space<vmem>>) offsets(%dma_start3A_111 : memref<100xi32, #tpu.memory_space<vmem>>) semaphore(%arg16 : memref<!tpu.dma_semaphore, #tpu.memory_space<semaphore_mem>>)
    %dma_start3A_115 = arith.constant 5 : i32
    %dma_start3A_116 = arith.constant 100 : i32
    %dma_start3A_117 = arith.constant 0 : i32
    %dma_start3A_118 = tpu.memref_slice %arg11[%dma_start3A_116, %dma_start3A_117] : memref<400x64xf32, #tpu.memory_space<vmem>> -> memref<100x64xf32, #tpu.memory_space<vmem>>
    %dma_start3A_119 = arith.constant 0 : i32
    %dma_start3A_120 = tpu.memref_slice %arg8[%dma_start3A_115, %dma_start3A_119] : memref<16x100xi32, #tpu.memory_space<vmem>> -> memref<1x100xi32, #tpu.memory_space<vmem>>
    %dma_start3A_121 = tpu.memref_squeeze %dma_start3A_120 : memref<1x100xi32, #tpu.memory_space<vmem>> -> memref<100xi32, #tpu.memory_space<vmem>>
    %dma_start3A_122 = arith.constant 0 : i32
    %dma_start3A_123 = arith.constant 0 : i32
    %dma_start3A_124 = tpu.memref_slice %arg14[%dma_start3A_122, %dma_start3A_123] : memref<2000x64xf32, #tpu.memory_space<vmem_shared>> -> memref<2000x64xf32, #tpu.memory_space<vmem_shared>>
    tpu.enqueue_indirect_dma source(%dma_start3A_124 : memref<2000x64xf32, #tpu.memory_space<vmem_shared>>) target(%dma_start3A_118 : memref<100x64xf32, #tpu.memory_space<vmem>>) offsets(%dma_start3A_121 : memref<100xi32, #tpu.memory_space<vmem>>) semaphore(%arg16 : memref<!tpu.dma_semaphore, #tpu.memory_space<semaphore_mem>>)
    %dma_start3A_125 = arith.constant 6 : i32
    %dma_start3A_126 = arith.constant 200 : i32
    %dma_start3A_127 = arith.constant 0 : i32
    %dma_start3A_128 = tpu.memref_slice %arg11[%dma_start3A_126, %dma_start3A_127] : memref<400x64xf32, #tpu.memory_space<vmem>> -> memref<100x64xf32, #tpu.memory_space<vmem>>
    %dma_start3A_129 = arith.constant 0 : i32
    %dma_start3A_130 = tpu.memref_slice %arg8[%dma_start3A_125, %dma_start3A_129] : memref<16x100xi32, #tpu.memory_space<vmem>> -> memref<1x100xi32, #tpu.memory_space<vmem>>
    %dma_start3A_131 = tpu.memref_squeeze %dma_start3A_130 : memref<1x100xi32, #tpu.memory_space<vmem>> -> memref<100xi32, #tpu.memory_space<vmem>>
    %dma_start3A_132 = arith.constant 0 : i32
    %dma_start3A_133 = arith.constant 0 : i32
    %dma_start3A_134 = tpu.memref_slice %arg14[%dma_start3A_132, %dma_start3A_133] : memref<2000x64xf32, #tpu.memory_space<vmem_shared>> -> memref<2000x64xf32, #tpu.memory_space<vmem_shared>>
    tpu.enqueue_indirect_dma source(%dma_start3A_134 : memref<2000x64xf32, #tpu.memory_space<vmem_shared>>) target(%dma_start3A_128 : memref<100x64xf32, #tpu.memory_space<vmem>>) offsets(%dma_start3A_131 : memref<100xi32, #tpu.memory_space<vmem>>) semaphore(%arg16 : memref<!tpu.dma_semaphore, #tpu.memory_space<semaphore_mem>>)
    %dma_start3A_135 = arith.constant 7 : i32
    %dma_start3A_136 = arith.constant 300 : i32
    %dma_start3A_137 = arith.constant 0 : i32
    %dma_start3A_138 = tpu.memref_slice %arg11[%dma_start3A_136, %dma_start3A_137] : memref<400x64xf32, #tpu.memory_space<vmem>> -> memref<100x64xf32, #tpu.memory_space<vmem>>
    %dma_start3A_139 = arith.constant 0 : i32
    %dma_start3A_140 = tpu.memref_slice %arg8[%dma_start3A_135, %dma_start3A_139] : memref<16x100xi32, #tpu.memory_space<vmem>> -> memref<1x100xi32, #tpu.memory_space<vmem>>
    %dma_start3A_141 = tpu.memref_squeeze %dma_start3A_140 : memref<1x100xi32, #tpu.memory_space<vmem>> -> memref<100xi32, #tpu.memory_space<vmem>>
    %dma_start3A_142 = arith.constant 0 : i32
    %dma_start3A_143 = arith.constant 0 : i32
    %dma_start3A_144 = tpu.memref_slice %arg14[%dma_start3A_142, %dma_start3A_143] : memref<2000x64xf32, #tpu.memory_space<vmem_shared>> -> memref<2000x64xf32, #tpu.memory_space<vmem_shared>>
    tpu.enqueue_indirect_dma source(%dma_start3A_144 : memref<2000x64xf32, #tpu.memory_space<vmem_shared>>) target(%dma_start3A_138 : memref<100x64xf32, #tpu.memory_space<vmem>>) offsets(%dma_start3A_141 : memref<100xi32, #tpu.memory_space<vmem>>) semaphore(%arg16 : memref<!tpu.dma_semaphore, #tpu.memory_space<semaphore_mem>>)
    %scan3A = arith.constant 0 : i32
    %scan3A_145 = arith.constant 0 : i32
    %scan3A_146 = arith.constant 50 : i32
    %scan3A_147 = arith.addi %scan3A_145, %scan3A_146 : i32
    %scan3A_148 = arith.constant 1 : i32
    %scan3A_149 = scf.for %scan3A_396 = %scan3A_145 to %scan3A_147 step %scan3A_148 iter_args(%scan3A_397 = %scan3A) -> (i32)  : i32 {
      %mul3A_398 = arith.constant 8 : i32
      %mul3A_399 = arith.muli %scan3A_396, %mul3A_398 : i32
      %get3A = arith.index_cast %mul3A_399 : i32 to index
      %get3A_400 = arith.constant 0 : index
      %get3A_401 = tpu.vector_load %arg10[%get3A, %get3A_400] {strides = array<i32>} : memref<400x64xf32, #tpu.memory_space<vmem>>, vector<1x16xf32>,
      %get3A_402 = vector.shape_cast %get3A_401 : vector<1x16xf32> to vector<16xf32>
      %mul3A_403 = arith.constant 8 : i32
      %mul3A_404 = arith.muli %scan3A_396, %mul3A_403 : i32
      %add3A_405 = arith.constant 1 : i32
      %add3A_406 = arith.addi %mul3A_404, %add3A_405 : i32
      %get3A_407 = arith.index_cast %add3A_406 : i32 to index
      %get3A_408 = arith.constant 0 : index
      %get3A_409 = tpu.vector_load %arg10[%get3A_407, %get3A_408] {strides = array<i32>} : memref<400x64xf32, #tpu.memory_space<vmem>>, vector<1x16xf32>,
      %get3A_410 = vector.shape_cast %get3A_409 : vector<1x16xf32> to vector<16xf32>
      %add3A_411 = arith.addf %get3A_402, %get3A_410 : vector<16xf32>
      %mul3A_412 = arith.constant 8 : i32
      %mul3A_413 = arith.muli %scan3A_396, %mul3A_412 : i32
      %add3A_414 = arith.constant 2 : i32
      %add3A_415 = arith.addi %mul3A_413, %add3A_414 : i32
      %get3A_416 = arith.index_cast %add3A_415 : i32 to index
      %get3A_417 = arith.constant 0 : index
      %get3A_418 = tpu.vector_load %arg10[%get3A_416, %get3A_417] {strides = array<i32>} : memref<400x64xf32, #tpu.memory_space<vmem>>, vector<1x16xf32>,
      %get3A_419 = vector.shape_cast %get3A_418 : vector<1x16xf32> to vector<16xf32>
      %add3A_420 = arith.addf %add3A_411, %get3A_419 : vector<16xf32>
      %mul3A_421 = arith.constant 8 : i32
      %mul3A_422 = arith.muli %scan3A_396, %mul3A_421 : i32
      %add3A_423 = arith.constant 3 : i32
      %add3A_424 = arith.addi %mul3A_422, %add3A_423 : i32
      %get3A_425 = arith.index_cast %add3A_424 : i32 to index
      %get3A_426 = arith.constant 0 : index
      %get3A_427 = tpu.vector_load %arg10[%get3A_425, %get3A_426] {strides = array<i32>} : memref<400x64xf32, #tpu.memory_space<vmem>>, vector<1x16xf32>,
      %get3A_428 = vector.shape_cast %get3A_427 : vector<1x16xf32> to vector<16xf32>
      %add3A_429 = arith.addf %add3A_420, %get3A_428 : vector<16xf32>
      %mul3A_430 = arith.constant 8 : i32
      %mul3A_431 = arith.muli %scan3A_396, %mul3A_430 : i32
      %add3A_432 = arith.constant 4 : i32
      %add3A_433 = arith.addi %mul3A_431, %add3A_432 : i32
      %get3A_434 = arith.index_cast %add3A_433 : i32 to index
      %get3A_435 = arith.constant 0 : index
      %get3A_436 = tpu.vector_load %arg10[%get3A_434, %get3A_435] {strides = array<i32>} : memref<400x64xf32, #tpu.memory_space<vmem>>, vector<1x16xf32>,
      %get3A_437 = vector.shape_cast %get3A_436 : vector<1x16xf32> to vector<16xf32>
      %add3A_438 = arith.addf %add3A_429, %get3A_437 : vector<16xf32>
      %mul3A_439 = arith.constant 8 : i32
      %mul3A_440 = arith.muli %scan3A_396, %mul3A_439 : i32
      %add3A_441 = arith.constant 5 : i32
      %add3A_442 = arith.addi %mul3A_440, %add3A_441 : i32
      %get3A_443 = arith.index_cast %add3A_442 : i32 to index
      %get3A_444 = arith.constant 0 : index
      %get3A_445 = tpu.vector_load %arg10[%get3A_443, %get3A_444] {strides = array<i32>} : memref<400x64xf32, #tpu.memory_space<vmem>>, vector<1x16xf32>,
      %get3A_446 = vector.shape_cast %get3A_445 : vector<1x16xf32> to vector<16xf32>
      %add3A_447 = arith.addf %add3A_438, %get3A_446 : vector<16xf32>
      %mul3A_448 = arith.constant 8 : i32
      %mul3A_449 = arith.muli %scan3A_396, %mul3A_448 : i32
      %add3A_450 = arith.constant 6 : i32
      %add3A_451 = arith.addi %mul3A_449, %add3A_450 : i32
      %get3A_452 = arith.index_cast %add3A_451 : i32 to index
      %get3A_453 = arith.constant 0 : index
      %get3A_454 = tpu.vector_load %arg10[%get3A_452, %get3A_453] {strides = array<i32>} : memref<400x64xf32, #tpu.memory_space<vmem>>, vector<1x16xf32>,
      %get3A_455 = vector.shape_cast %get3A_454 : vector<1x16xf32> to vector<16xf32>
      %add3A_456 = arith.addf %add3A_447, %get3A_455 : vector<16xf32>
      %mul3A_457 = arith.constant 8 : i32
      %mul3A_458 = arith.muli %scan3A_396, %mul3A_457 : i32
      %add3A_459 = arith.constant 7 : i32
      %add3A_460 = arith.addi %mul3A_458, %add3A_459 : i32
      %get3A_461 = arith.index_cast %add3A_460 : i32 to index
      %get3A_462 = arith.constant 0 : index
      %get3A_463 = tpu.vector_load %arg10[%get3A_461, %get3A_462] {strides = array<i32>} : memref<400x64xf32, #tpu.memory_space<vmem>>, vector<1x16xf32>,
      %get3A_464 = vector.shape_cast %get3A_463 : vector<1x16xf32> to vector<16xf32>
      %add3A_465 = arith.addf %add3A_456, %get3A_464 : vector<16xf32>
      %mul3A_466 = arith.constant 1.250000e-01 : f32
      %mul3A_467 = vector.broadcast %mul3A_466 : f32 to vector<16xf32>
      %mul3A_468 = arith.mulf %add3A_465, %mul3A_467 : vector<16xf32>
      %add3A_469 = arith.constant 0 : i32
      %add3A_470 = arith.addi %add3A_469, %scan3A_396 : i32
      %swap3A = arith.index_cast %add3A_470 : i32 to index
      %swap3A_471 = arith.constant 0 : index
      %swap3A_472 = tpu.vector_load %arg12[%swap3A, %swap3A_471] {strides = array<i32>} : memref<200x64xf32, #tpu.memory_space<vmem>>, vector<1x16xf32>,
      %swap3A_473 = vector.shape_cast %swap3A_472 : vector<1x16xf32> to vector<16xf32>
      %swap3A_474 = vector.shape_cast %mul3A_468 : vector<16xf32> to vector<1x16xf32>
      tpu.vector_store %arg12[%swap3A, %swap3A_471], %swap3A_474 {strides = array<i32>} : memref<200x64xf32, #tpu.memory_space<vmem>>, vector<1x16xf32>,
      %mul3A_475 = arith.constant 8 : i32
      %mul3A_476 = arith.muli %scan3A_396, %mul3A_475 : i32
      %get3A_477 = arith.index_cast %mul3A_476 : i32 to index
      %get3A_478 = arith.constant 16 : index
      %get3A_479 = tpu.vector_load %arg10[%get3A_477, %get3A_478] {strides = array<i32>} : memref<400x64xf32, #tpu.memory_space<vmem>>, vector<1x16xf32>,
      %get3A_480 = vector.shape_cast %get3A_479 : vector<1x16xf32> to vector<16xf32>
      %mul3A_481 = arith.constant 8 : i32
      %mul3A_482 = arith.muli %scan3A_396, %mul3A_481 : i32
      %add3A_483 = arith.constant 1 : i32
      %add3A_484 = arith.addi %mul3A_482, %add3A_483 : i32
      %get3A_485 = arith.index_cast %add3A_484 : i32 to index
      %get3A_486 = arith.constant 16 : index
      %get3A_487 = tpu.vector_load %arg10[%get3A_485, %get3A_486] {strides = array<i32>} : memref<400x64xf32, #tpu.memory_space<vmem>>, vector<1x16xf32>,
      %get3A_488 = vector.shape_cast %get3A_487 : vector<1x16xf32> to vector<16xf32>
      %add3A_489 = arith.addf %get3A_480, %get3A_488 : vector<16xf32>
      %mul3A_490 = arith.constant 8 : i32
      %mul3A_491 = arith.muli %scan3A_396, %mul3A_490 : i32
      %add3A_492 = arith.constant 2 : i32
      %add3A_493 = arith.addi %mul3A_491, %add3A_492 : i32
      %get3A_494 = arith.index_cast %add3A_493 : i32 to index
      %get3A_495 = arith.constant 16 : index
      %get3A_496 = tpu.vector_load %arg10[%get3A_494, %get3A_495] {strides = array<i32>} : memref<400x64xf32, #tpu.memory_space<vmem>>, vector<1x16xf32>,
      %get3A_497 = vector.shape_cast %get3A_496 : vector<1x16xf32> to vector<16xf32>
      %add3A_498 = arith.addf %add3A_489, %get3A_497 : vector<16xf32>
      %mul3A_499 = arith.constant 8 : i32
      %mul3A_500 = arith.muli %scan3A_396, %mul3A_499 : i32
      %add3A_501 = arith.constant 3 : i32
      %add3A_502 = arith.addi %mul3A_500, %add3A_501 : i32
      %get3A_503 = arith.index_cast %add3A_502 : i32 to index
      %get3A_504 = arith.constant 16 : index
      %get3A_505 = tpu.vector_load %arg10[%get3A_503, %get3A_504] {strides = array<i32>} : memref<400x64xf32, #tpu.memory_space<vmem>>, vector<1x16xf32>,
      %get3A_506 = vector.shape_cast %get3A_505 : vector<1x16xf32> to vector<16xf32>
      %add3A_507 = arith.addf %add3A_498, %get3A_506 : vector<16xf32>
      %mul3A_508 = arith.constant 8 : i32
      %mul3A_509 = arith.muli %scan3A_396, %mul3A_508 : i32
      %add3A_510 = arith.constant 4 : i32
      %add3A_511 = arith.addi %mul3A_509, %add3A_510 : i32
      %get3A_512 = arith.index_cast %add3A_511 : i32 to index
      %get3A_513 = arith.constant 16 : index
      %get3A_514 = tpu.vector_load %arg10[%get3A_512, %get3A_513] {strides = array<i32>} : memref<400x64xf32, #tpu.memory_space<vmem>>, vector<1x16xf32>,
      %get3A_515 = vector.shape_cast %get3A_514 : vector<1x16xf32> to vector<16xf32>
      %add3A_516 = arith.addf %add3A_507, %get3A_515 : vector<16xf32>
      %mul3A_517 = arith.constant 8 : i32
      %mul3A_518 = arith.muli %scan3A_396, %mul3A_517 : i32
      %add3A_519 = arith.constant 5 : i32
      %add3A_520 = arith.addi %mul3A_518, %add3A_519 : i32
      %get3A_521 = arith.index_cast %add3A_520 : i32 to index
      %get3A_522 = arith.constant 16 : index
      %get3A_523 = tpu.vector_load %arg10[%get3A_521, %get3A_522] {strides = array<i32>} : memref<400x64xf32, #tpu.memory_space<vmem>>, vector<1x16xf32>,
      %get3A_524 = vector.shape_cast %get3A_523 : vector<1x16xf32> to vector<16xf32>
      %add3A_525 = arith.addf %add3A_516, %get3A_524 : vector<16xf32>
      %mul3A_526 = arith.constant 8 : i32
      %mul3A_527 = arith.muli %scan3A_396, %mul3A_526 : i32
      %add3A_528 = arith.constant 6 : i32
      %add3A_529 = arith.addi %mul3A_527, %add3A_528 : i32
      %get3A_530 = arith.index_cast %add3A_529 : i32 to index
      %get3A_531 = arith.constant 16 : index
      %get3A_532 = tpu.vector_load %arg10[%get3A_530, %get3A_531] {strides = array<i32>} : memref<400x64xf32, #tpu.memory_space<vmem>>, vector<1x16xf32>,
      %get3A_533 = vector.shape_cast %get3A_532 : vector<1x16xf32> to vector<16xf32>
      %add3A_534 = arith.addf %add3A_525, %get3A_533 : vector<16xf32>
      %mul3A_535 = arith.constant 8 : i32
      %mul3A_536 = arith.muli %scan3A_396, %mul3A_535 : i32
      %add3A_537 = arith.constant 7 : i32
      %add3A_538 = arith.addi %mul3A_536, %add3A_537 : i32
      %get3A_539 = arith.index_cast %add3A_538 : i32 to index
      %get3A_540 = arith.constant 16 : index
      %get3A_541 = tpu.vector_load %arg10[%get3A_539, %get3A_540] {strides = array<i32>} : memref<400x64xf32, #tpu.memory_space<vmem>>, vector<1x16xf32>,
      %get3A_542 = vector.shape_cast %get3A_541 : vector<1x16xf32> to vector<16xf32>
      %add3A_543 = arith.addf %add3A_534, %get3A_542 : vector<16xf32>
      %mul3A_544 = arith.constant 1.250000e-01 : f32
      %mul3A_545 = vector.broadcast %mul3A_544 : f32 to vector<16xf32>
      %mul3A_546 = arith.mulf %add3A_543, %mul3A_545 : vector<16xf32>
      %add3A_547 = arith.constant 0 : i32
      %add3A_548 = arith.addi %add3A_547, %scan3A_396 : i32
      %swap3A_549 = arith.index_cast %add3A_548 : i32 to index
      %swap3A_550 = arith.constant 16 : index
      %swap3A_551 = tpu.vector_load %arg12[%swap3A_549, %swap3A_550] {strides = array<i32>} : memref<200x64xf32, #tpu.memory_space<vmem>>, vector<1x16xf32>,
      %swap3A_552 = vector.shape_cast %swap3A_551 : vector<1x16xf32> to vector<16xf32>
      %swap3A_553 = vector.shape_cast %mul3A_546 : vector<16xf32> to vector<1x16xf32>
      tpu.vector_store %arg12[%swap3A_549, %swap3A_550], %swap3A_553 {strides = array<i32>} : memref<200x64xf32, #tpu.memory_space<vmem>>, vector<1x16xf32>,
      %mul3A_554 = arith.constant 8 : i32
      %mul3A_555 = arith.muli %scan3A_396, %mul3A_554 : i32
      %get3A_556 = arith.index_cast %mul3A_555 : i32 to index
      %get3A_557 = arith.constant 32 : index
      %get3A_558 = tpu.vector_load %arg10[%get3A_556, %get3A_557] {strides = array<i32>} : memref<400x64xf32, #tpu.memory_space<vmem>>, vector<1x16xf32>,
      %get3A_559 = vector.shape_cast %get3A_558 : vector<1x16xf32> to vector<16xf32>
      %mul3A_560 = arith.constant 8 : i32
      %mul3A_561 = arith.muli %scan3A_396, %mul3A_560 : i32
      %add3A_562 = arith.constant 1 : i32
      %add3A_563 = arith.addi %mul3A_561, %add3A_562 : i32
      %get3A_564 = arith.index_cast %add3A_563 : i32 to index
      %get3A_565 = arith.constant 32 : index
      %get3A_566 = tpu.vector_load %arg10[%get3A_564, %get3A_565] {strides = array<i32>} : memref<400x64xf32, #tpu.memory_space<vmem>>, vector<1x16xf32>,
      %get3A_567 = vector.shape_cast %get3A_566 : vector<1x16xf32> to vector<16xf32>
      %add3A_568 = arith.addf %get3A_559, %get3A_567 : vector<16xf32>
      %mul3A_569 = arith.constant 8 : i32
      %mul3A_570 = arith.muli %scan3A_396, %mul3A_569 : i32
      %add3A_571 = arith.constant 2 : i32
      %add3A_572 = arith.addi %mul3A_570, %add3A_571 : i32
      %get3A_573 = arith.index_cast %add3A_572 : i32 to index
      %get3A_574 = arith.constant 32 : index
      %get3A_575 = tpu.vector_load %arg10[%get3A_573, %get3A_574] {strides = array<i32>} : memref<400x64xf32, #tpu.memory_space<vmem>>, vector<1x16xf32>,
      %get3A_576 = vector.shape_cast %get3A_575 : vector<1x16xf32> to vector<16xf32>
      %add3A_577 = arith.addf %add3A_568, %get3A_576 : vector<16xf32>
      %mul3A_578 = arith.constant 8 : i32
      %mul3A_579 = arith.muli %scan3A_396, %mul3A_578 : i32
      %add3A_580 = arith.constant 3 : i32
      %add3A_581 = arith.addi %mul3A_579, %add3A_580 : i32
      %get3A_582 = arith.index_cast %add3A_581 : i32 to index
      %get3A_583 = arith.constant 32 : index
      %get3A_584 = tpu.vector_load %arg10[%get3A_582, %get3A_583] {strides = array<i32>} : memref<400x64xf32, #tpu.memory_space<vmem>>, vector<1x16xf32>,
      %get3A_585 = vector.shape_cast %get3A_584 : vector<1x16xf32> to vector<16xf32>
      %add3A_586 = arith.addf %add3A_577, %get3A_585 : vector<16xf32>
      %mul3A_587 = arith.constant 8 : i32
      %mul3A_588 = arith.muli %scan3A_396, %mul3A_587 : i32
      %add3A_589 = arith.constant 4 : i32
      %add3A_590 = arith.addi %mul3A_588, %add3A_589 : i32
      %get3A_591 = arith.index_cast %add3A_590 : i32 to index
      %get3A_592 = arith.constant 32 : index
      %get3A_593 = tpu.vector_load %arg10[%get3A_591, %get3A_592] {strides = array<i32>} : memref<400x64xf32, #tpu.memory_space<vmem>>, vector<1x16xf32>,
      %get3A_594 = vector.shape_cast %get3A_593 : vector<1x16xf32> to vector<16xf32>
      %add3A_595 = arith.addf %add3A_586, %get3A_594 : vector<16xf32>
      %mul3A_596 = arith.constant 8 : i32
      %mul3A_597 = arith.muli %scan3A_396, %mul3A_596 : i32
      %add3A_598 = arith.constant 5 : i32
      %add3A_599 = arith.addi %mul3A_597, %add3A_598 : i32
      %get3A_600 = arith.index_cast %add3A_599 : i32 to index
      %get3A_601 = arith.constant 32 : index
      %get3A_602 = tpu.vector_load %arg10[%get3A_600, %get3A_601] {strides = array<i32>} : memref<400x64xf32, #tpu.memory_space<vmem>>, vector<1x16xf32>,
      %get3A_603 = vector.shape_cast %get3A_602 : vector<1x16xf32> to vector<16xf32>
      %add3A_604 = arith.addf %add3A_595, %get3A_603 : vector<16xf32>
      %mul3A_605 = arith.constant 8 : i32
      %mul3A_606 = arith.muli %scan3A_396, %mul3A_605 : i32
      %add3A_607 = arith.constant 6 : i32
      %add3A_608 = arith.addi %mul3A_606, %add3A_607 : i32
      %get3A_609 = arith.index_cast %add3A_608 : i32 to index
      %get3A_610 = arith.constant 32 : index
      %get3A_611 = tpu.vector_load %arg10[%get3A_609, %get3A_610] {strides = array<i32>} : memref<400x64xf32, #tpu.memory_space<vmem>>, vector<1x16xf32>,
      %get3A_612 = vector.shape_cast %get3A_611 : vector<1x16xf32> to vector<16xf32>
      %add3A_613 = arith.addf %add3A_604, %get3A_612 : vector<16xf32>
      %mul3A_614 = arith.constant 8 : i32
      %mul3A_615 = arith.muli %scan3A_396, %mul3A_614 : i32
      %add3A_616 = arith.constant 7 : i32
      %add3A_617 = arith.addi %mul3A_615, %add3A_616 : i32
      %get3A_618 = arith.index_cast %add3A_617 : i32 to index
      %get3A_619 = arith.constant 32 : index
      %get3A_620 = tpu.vector_load %arg10[%get3A_618, %get3A_619] {strides = array<i32>} : memref<400x64xf32, #tpu.memory_space<vmem>>, vector<1x16xf32>,
      %get3A_621 = vector.shape_cast %get3A_620 : vector<1x16xf32> to vector<16xf32>
      %add3A_622 = arith.addf %add3A_613, %get3A_621 : vector<16xf32>
      %mul3A_623 = arith.constant 1.250000e-01 : f32
      %mul3A_624 = vector.broadcast %mul3A_623 : f32 to vector<16xf32>
      %mul3A_625 = arith.mulf %add3A_622, %mul3A_624 : vector<16xf32>
      %add3A_626 = arith.constant 0 : i32
      %add3A_627 = arith.addi %add3A_626, %scan3A_396 : i32
      %swap3A_628 = arith.index_cast %add3A_627 : i32 to index
      %swap3A_629 = arith.constant 32 : index
      %swap3A_630 = tpu.vector_load %arg12[%swap3A_628, %swap3A_629] {strides = array<i32>} : memref<200x64xf32, #tpu.memory_space<vmem>>, vector<1x16xf32>,
      %swap3A_631 = vector.shape_cast %swap3A_630 : vector<1x16xf32> to vector<16xf32>
      %swap3A_632 = vector.shape_cast %mul3A_625 : vector<16xf32> to vector<1x16xf32>
      tpu.vector_store %arg12[%swap3A_628, %swap3A_629], %swap3A_632 {strides = array<i32>} : memref<200x64xf32, #tpu.memory_space<vmem>>, vector<1x16xf32>,
      %mul3A_633 = arith.constant 8 : i32
      %mul3A_634 = arith.muli %scan3A_396, %mul3A_633 : i32
      %get3A_635 = arith.index_cast %mul3A_634 : i32 to index
      %get3A_636 = arith.constant 48 : index
      %get3A_637 = tpu.vector_load %arg10[%get3A_635, %get3A_636] {strides = array<i32>} : memref<400x64xf32, #tpu.memory_space<vmem>>, vector<1x16xf32>,
      %get3A_638 = vector.shape_cast %get3A_637 : vector<1x16xf32> to vector<16xf32>
      %mul3A_639 = arith.constant 8 : i32
      %mul3A_640 = arith.muli %scan3A_396, %mul3A_639 : i32
      %add3A_641 = arith.constant 1 : i32
      %add3A_642 = arith.addi %mul3A_640, %add3A_641 : i32
      %get3A_643 = arith.index_cast %add3A_642 : i32 to index
      %get3A_644 = arith.constant 48 : index
      %get3A_645 = tpu.vector_load %arg10[%get3A_643, %get3A_644] {strides = array<i32>} : memref<400x64xf32, #tpu.memory_space<vmem>>, vector<1x16xf32>,
      %get3A_646 = vector.shape_cast %get3A_645 : vector<1x16xf32> to vector<16xf32>
      %add3A_647 = arith.addf %get3A_638, %get3A_646 : vector<16xf32>
      %mul3A_648 = arith.constant 8 : i32
      %mul3A_649 = arith.muli %scan3A_396, %mul3A_648 : i32
      %add3A_650 = arith.constant 2 : i32
      %add3A_651 = arith.addi %mul3A_649, %add3A_650 : i32
      %get3A_652 = arith.index_cast %add3A_651 : i32 to index
      %get3A_653 = arith.constant 48 : index
      %get3A_654 = tpu.vector_load %arg10[%get3A_652, %get3A_653] {strides = array<i32>} : memref<400x64xf32, #tpu.memory_space<vmem>>, vector<1x16xf32>,
      %get3A_655 = vector.shape_cast %get3A_654 : vector<1x16xf32> to vector<16xf32>
      %add3A_656 = arith.addf %add3A_647, %get3A_655 : vector<16xf32>
      %mul3A_657 = arith.constant 8 : i32
      %mul3A_658 = arith.muli %scan3A_396, %mul3A_657 : i32
      %add3A_659 = arith.constant 3 : i32
      %add3A_660 = arith.addi %mul3A_658, %add3A_659 : i32
      %get3A_661 = arith.index_cast %add3A_660 : i32 to index
      %get3A_662 = arith.constant 48 : index
      %get3A_663 = tpu.vector_load %arg10[%get3A_661, %get3A_662] {strides = array<i32>} : memref<400x64xf32, #tpu.memory_space<vmem>>, vector<1x16xf32>,
      %get3A_664 = vector.shape_cast %get3A_663 : vector<1x16xf32> to vector<16xf32>
      %add3A_665 = arith.addf %add3A_656, %get3A_664 : vector<16xf32>
      %mul3A_666 = arith.constant 8 : i32
      %mul3A_667 = arith.muli %scan3A_396, %mul3A_666 : i32
      %add3A_668 = arith.constant 4 : i32
      %add3A_669 = arith.addi %mul3A_667, %add3A_668 : i32
      %get3A_670 = arith.index_cast %add3A_669 : i32 to index
      %get3A_671 = arith.constant 48 : index
      %get3A_672 = tpu.vector_load %arg10[%get3A_670, %get3A_671] {strides = array<i32>} : memref<400x64xf32, #tpu.memory_space<vmem>>, vector<1x16xf32>,
      %get3A_673 = vector.shape_cast %get3A_672 : vector<1x16xf32> to vector<16xf32>
      %add3A_674 = arith.addf %add3A_665, %get3A_673 : vector<16xf32>
      %mul3A_675 = arith.constant 8 : i32
      %mul3A_676 = arith.muli %scan3A_396, %mul3A_675 : i32
      %add3A_677 = arith.constant 5 : i32
      %add3A_678 = arith.addi %mul3A_676, %add3A_677 : i32
      %get3A_679 = arith.index_cast %add3A_678 : i32 to index
      %get3A_680 = arith.constant 48 : index
      %get3A_681 = tpu.vector_load %arg10[%get3A_679, %get3A_680] {strides = array<i32>} : memref<400x64xf32, #tpu.memory_space<vmem>>, vector<1x16xf32>,
      %get3A_682 = vector.shape_cast %get3A_681 : vector<1x16xf32> to vector<16xf32>
      %add3A_683 = arith.addf %add3A_674, %get3A_682 : vector<16xf32>
      %mul3A_684 = arith.constant 8 : i32
      %mul3A_685 = arith.muli %scan3A_396, %mul3A_684 : i32
      %add3A_686 = arith.constant 6 : i32
      %add3A_687 = arith.addi %mul3A_685, %add3A_686 : i32
      %get3A_688 = arith.index_cast %add3A_687 : i32 to index
      %get3A_689 = arith.constant 48 : index
      %get3A_690 = tpu.vector_load %arg10[%get3A_688, %get3A_689] {strides = array<i32>} : memref<400x64xf32, #tpu.memory_space<vmem>>, vector<1x16xf32>,
      %get3A_691 = vector.shape_cast %get3A_690 : vector<1x16xf32> to vector<16xf32>
      %add3A_692 = arith.addf %add3A_683, %get3A_691 : vector<16xf32>
      %mul3A_693 = arith.constant 8 : i32
      %mul3A_694 = arith.muli %scan3A_396, %mul3A_693 : i32
      %add3A_695 = arith.constant 7 : i32
      %add3A_696 = arith.addi %mul3A_694, %add3A_695 : i32
      %get3A_697 = arith.index_cast %add3A_696 : i32 to index
      %get3A_698 = arith.constant 48 : index
      %get3A_699 = tpu.vector_load %arg10[%get3A_697, %get3A_698] {strides = array<i32>} : memref<400x64xf32, #tpu.memory_space<vmem>>, vector<1x16xf32>,
      %get3A_700 = vector.shape_cast %get3A_699 : vector<1x16xf32> to vector<16xf32>
      %add3A_701 = arith.addf %add3A_692, %get3A_700 : vector<16xf32>
      %mul3A_702 = arith.constant 1.250000e-01 : f32
      %mul3A_703 = vector.broadcast %mul3A_702 : f32 to vector<16xf32>
      %mul3A_704 = arith.mulf %add3A_701, %mul3A_703 : vector<16xf32>
      %add3A_705 = arith.constant 0 : i32
      %add3A_706 = arith.addi %add3A_705, %scan3A_396 : i32
      %swap3A_707 = arith.index_cast %add3A_706 : i32 to index
      %swap3A_708 = arith.constant 48 : index
      %swap3A_709 = tpu.vector_load %arg12[%swap3A_707, %swap3A_708] {strides = array<i32>} : memref<200x64xf32, #tpu.memory_space<vmem>>, vector<1x16xf32>,
      %swap3A_710 = vector.shape_cast %swap3A_709 : vector<1x16xf32> to vector<16xf32>
      %swap3A_711 = vector.shape_cast %mul3A_704 : vector<16xf32> to vector<1x16xf32>
      tpu.vector_store %arg12[%swap3A_707, %swap3A_708], %swap3A_711 {strides = array<i32>} : memref<200x64xf32, #tpu.memory_space<vmem>>, vector<1x16xf32>,
      %scan3A_712 = arith.constant 0 : i32
      scf.yield %scan3A_712 : i32
    }
    %scan3A_150 = arith.constant 50 : i32
    %dma_wait3A_151 = arith.constant 4 : i32
    %dma_wait3A_152 = arith.constant 0 : i32
    %dma_wait3A_153 = arith.constant 0 : i32
    %dma_wait3A_154 = tpu.memref_slice %arg11[%dma_wait3A_152, %dma_wait3A_153] : memref<400x64xf32, #tpu.memory_space<vmem>> -> memref<100x64xf32, #tpu.memory_space<vmem>>
    %dma_wait3A_155 = arith.constant 0 : i32
    %dma_wait3A_156 = tpu.memref_slice %arg8[%dma_wait3A_151, %dma_wait3A_155] : memref<16x100xi32, #tpu.memory_space<vmem>> -> memref<1x100xi32, #tpu.memory_space<vmem>>
    %dma_wait3A_157 = tpu.memref_squeeze %dma_wait3A_156 : memref<1x100xi32, #tpu.memory_space<vmem>> -> memref<100xi32, #tpu.memory_space<vmem>>
    %dma_wait3A_158 = arith.constant 0 : i32
    %dma_wait3A_159 = arith.constant 0 : i32
    %dma_wait3A_160 = tpu.memref_slice %arg14[%dma_wait3A_158, %dma_wait3A_159] : memref<2000x64xf32, #tpu.memory_space<vmem_shared>> -> memref<2000x64xf32, #tpu.memory_space<vmem_shared>>
    tpu.wait_indirect_dma semaphore(%arg16 : memref<!tpu.dma_semaphore, #tpu.memory_space<semaphore_mem>>) src(%dma_wait3A_160 : memref<2000x64xf32, #tpu.memory_space<vmem_shared>>) dst(%dma_wait3A_154 : memref<100x64xf32, #tpu.memory_space<vmem>>)
    %dma_wait3A_161 = arith.constant 5 : i32
    %dma_wait3A_162 = arith.constant 100 : i32
    %dma_wait3A_163 = arith.constant 0 : i32
    %dma_wait3A_164 = tpu.memref_slice %arg11[%dma_wait3A_162, %dma_wait3A_163] : memref<400x64xf32, #tpu.memory_space<vmem>> -> memref<100x64xf32, #tpu.memory_space<vmem>>
    %dma_wait3A_165 = arith.constant 0 : i32
    %dma_wait3A_166 = tpu.memref_slice %arg8[%dma_wait3A_161, %dma_wait3A_165] : memref<16x100xi32, #tpu.memory_space<vmem>> -> memref<1x100xi32, #tpu.memory_space<vmem>>
    %dma_wait3A_167 = tpu.memref_squeeze %dma_wait3A_166 : memref<1x100xi32, #tpu.memory_space<vmem>> -> memref<100xi32, #tpu.memory_space<vmem>>
    %dma_wait3A_168 = arith.constant 0 : i32
    %dma_wait3A_169 = arith.constant 0 : i32
    %dma_wait3A_170 = tpu.memref_slice %arg14[%dma_wait3A_168, %dma_wait3A_169] : memref<2000x64xf32, #tpu.memory_space<vmem_shared>> -> memref<2000x64xf32, #tpu.memory_space<vmem_shared>>
    tpu.wait_indirect_dma semaphore(%arg16 : memref<!tpu.dma_semaphore, #tpu.memory_space<semaphore_mem>>) src(%dma_wait3A_170 : memref<2000x64xf32, #tpu.memory_space<vmem_shared>>) dst(%dma_wait3A_164 : memref<100x64xf32, #tpu.memory_space<vmem>>)
    %dma_wait3A_171 = arith.constant 6 : i32
    %dma_wait3A_172 = arith.constant 200 : i32
    %dma_wait3A_173 = arith.constant 0 : i32
    %dma_wait3A_174 = tpu.memref_slice %arg11[%dma_wait3A_172, %dma_wait3A_173] : memref<400x64xf32, #tpu.memory_space<vmem>> -> memref<100x64xf32, #tpu.memory_space<vmem>>
    %dma_wait3A_175 = arith.constant 0 : i32
    %dma_wait3A_176 = tpu.memref_slice %arg8[%dma_wait3A_171, %dma_wait3A_175] : memref<16x100xi32, #tpu.memory_space<vmem>> -> memref<1x100xi32, #tpu.memory_space<vmem>>
    %dma_wait3A_177 = tpu.memref_squeeze %dma_wait3A_176 : memref<1x100xi32, #tpu.memory_space<vmem>> -> memref<100xi32, #tpu.memory_space<vmem>>
    %dma_wait3A_178 = arith.constant 0 : i32
    %dma_wait3A_179 = arith.constant 0 : i32
    %dma_wait3A_180 = tpu.memref_slice %arg14[%dma_wait3A_178, %dma_wait3A_179] : memref<2000x64xf32, #tpu.memory_space<vmem_shared>> -> memref<2000x64xf32, #tpu.memory_space<vmem_shared>>
    tpu.wait_indirect_dma semaphore(%arg16 : memref<!tpu.dma_semaphore, #tpu.memory_space<semaphore_mem>>) src(%dma_wait3A_180 : memref<2000x64xf32, #tpu.memory_space<vmem_shared>>) dst(%dma_wait3A_174 : memref<100x64xf32, #tpu.memory_space<vmem>>)
    %dma_wait3A_181 = arith.constant 7 : i32
    %dma_wait3A_182 = arith.constant 300 : i32
    %dma_wait3A_183 = arith.constant 0 : i32
    %dma_wait3A_184 = tpu.memref_slice %arg11[%dma_wait3A_182, %dma_wait3A_183] : memref<400x64xf32, #tpu.memory_space<vmem>> -> memref<100x64xf32, #tpu.memory_space<vmem>>
    %dma_wait3A_185 = arith.constant 0 : i32
    %dma_wait3A_186 = tpu.memref_slice %arg8[%dma_wait3A_181, %dma_wait3A_185] : memref<16x100xi32, #tpu.memory_space<vmem>> -> memref<1x100xi32, #tpu.memory_space<vmem>>
    %dma_wait3A_187 = tpu.memref_squeeze %dma_wait3A_186 : memref<1x100xi32, #tpu.memory_space<vmem>> -> memref<100xi32, #tpu.memory_space<vmem>>
    %dma_wait3A_188 = arith.constant 0 : i32
    %dma_wait3A_189 = arith.constant 0 : i32
    %dma_wait3A_190 = tpu.memref_slice %arg14[%dma_wait3A_188, %dma_wait3A_189] : memref<2000x64xf32, #tpu.memory_space<vmem_shared>> -> memref<2000x64xf32, #tpu.memory_space<vmem_shared>>
    tpu.wait_indirect_dma semaphore(%arg16 : memref<!tpu.dma_semaphore, #tpu.memory_space<semaphore_mem>>) src(%dma_wait3A_190 : memref<2000x64xf32, #tpu.memory_space<vmem_shared>>) dst(%dma_wait3A_184 : memref<100x64xf32, #tpu.memory_space<vmem>>)
    %dma_start3A_191 = arith.constant 8 : i32
    %dma_start3A_192 = arith.constant 0 : i32
    %dma_start3A_193 = arith.constant 0 : i32
    %dma_start3A_194 = tpu.memref_slice %arg10[%dma_start3A_192, %dma_start3A_193] : memref<400x64xf32, #tpu.memory_space<vmem>> -> memref<100x64xf32, #tpu.memory_space<vmem>>
    %dma_start3A_195 = arith.constant 0 : i32
    %dma_start3A_196 = tpu.memref_slice %arg8[%dma_start3A_191, %dma_start3A_195] : memref<16x100xi32, #tpu.memory_space<vmem>> -> memref<1x100xi32, #tpu.memory_space<vmem>>
    %dma_start3A_197 = tpu.memref_squeeze %dma_start3A_196 : memref<1x100xi32, #tpu.memory_space<vmem>> -> memref<100xi32, #tpu.memory_space<vmem>>
    %dma_start3A_198 = arith.constant 0 : i32
    %dma_start3A_199 = arith.constant 0 : i32
    %dma_start3A_200 = tpu.memref_slice %arg14[%dma_start3A_198, %dma_start3A_199] : memref<2000x64xf32, #tpu.memory_space<vmem_shared>> -> memref<2000x64xf32, #tpu.memory_space<vmem_shared>>
    tpu.enqueue_indirect_dma source(%dma_start3A_200 : memref<2000x64xf32, #tpu.memory_space<vmem_shared>>) target(%dma_start3A_194 : memref<100x64xf32, #tpu.memory_space<vmem>>) offsets(%dma_start3A_197 : memref<100xi32, #tpu.memory_space<vmem>>) semaphore(%arg15 : memref<!tpu.dma_semaphore, #tpu.memory_space<semaphore_mem>>)
    %dma_start3A_201 = arith.constant 9 : i32
    %dma_start3A_202 = arith.constant 100 : i32
    %dma_start3A_203 = arith.constant 0 : i32
    %dma_start3A_204 = tpu.memref_slice %arg10[%dma_start3A_202, %dma_start3A_203] : memref<400x64xf32, #tpu.memory_space<vmem>> -> memref<100x64xf32, #tpu.memory_space<vmem>>
    %dma_start3A_205 = arith.constant 0 : i32
    %dma_start3A_206 = tpu.memref_slice %arg8[%dma_start3A_201, %dma_start3A_205] : memref<16x100xi32, #tpu.memory_space<vmem>> -> memref<1x100xi32, #tpu.memory_space<vmem>>
    %dma_start3A_207 = tpu.memref_squeeze %dma_start3A_206 : memref<1x100xi32, #tpu.memory_space<vmem>> -> memref<100xi32, #tpu.memory_space<vmem>>
    %dma_start3A_208 = arith.constant 0 : i32
    %dma_start3A_209 = arith.constant 0 : i32
    %dma_start3A_210 = tpu.memref_slice %arg14[%dma_start3A_208, %dma_start3A_209] : memref<2000x64xf32, #tpu.memory_space<vmem_shared>> -> memref<2000x64xf32, #tpu.memory_space<vmem_shared>>
    tpu.enqueue_indirect_dma source(%dma_start3A_210 : memref<2000x64xf32, #tpu.memory_space<vmem_shared>>) target(%dma_start3A_204 : memref<100x64xf32, #tpu.memory_space<vmem>>) offsets(%dma_start3A_207 : memref<100xi32, #tpu.memory_space<vmem>>) semaphore(%arg15 : memref<!tpu.dma_semaphore, #tpu.memory_space<semaphore_mem>>)
    %dma_start3A_211 = arith.constant 10 : i32
    %dma_start3A_212 = arith.constant 200 : i32
    %dma_start3A_213 = arith.constant 0 : i32
    %dma_start3A_214 = tpu.memref_slice %arg10[%dma_start3A_212, %dma_start3A_213] : memref<400x64xf32, #tpu.memory_space<vmem>> -> memref<100x64xf32, #tpu.memory_space<vmem>>
    %dma_start3A_215 = arith.constant 0 : i32
    %dma_start3A_216 = tpu.memref_slice %arg8[%dma_start3A_211, %dma_start3A_215] : memref<16x100xi32, #tpu.memory_space<vmem>> -> memref<1x100xi32, #tpu.memory_space<vmem>>
    %dma_start3A_217 = tpu.memref_squeeze %dma_start3A_216 : memref<1x100xi32, #tpu.memory_space<vmem>> -> memref<100xi32, #tpu.memory_space<vmem>>
    %dma_start3A_218 = arith.constant 0 : i32
    %dma_start3A_219 = arith.constant 0 : i32
    %dma_start3A_220 = tpu.memref_slice %arg14[%dma_start3A_218, %dma_start3A_219] : memref<2000x64xf32, #tpu.memory_space<vmem_shared>> -> memref<2000x64xf32, #tpu.memory_space<vmem_shared>>
    tpu.enqueue_indirect_dma source(%dma_start3A_220 : memref<2000x64xf32, #tpu.memory_space<vmem_shared>>) target(%dma_start3A_214 : memref<100x64xf32, #tpu.memory_space<vmem>>) offsets(%dma_start3A_217 : memref<100xi32, #tpu.memory_space<vmem>>) semaphore(%arg15 : memref<!tpu.dma_semaphore, #tpu.memory_space<semaphore_mem>>)
    %dma_start3A_221 = arith.constant 11 : i32
    %dma_start3A_222 = arith.constant 300 : i32
    %dma_start3A_223 = arith.constant 0 : i32
    %dma_start3A_224 = tpu.memref_slice %arg10[%dma_start3A_222, %dma_start3A_223] : memref<400x64xf32, #tpu.memory_space<vmem>> -> memref<100x64xf32, #tpu.memory_space<vmem>>
    %dma_start3A_225 = arith.constant 0 : i32
    %dma_start3A_226 = tpu.memref_slice %arg8[%dma_start3A_221, %dma_start3A_225] : memref<16x100xi32, #tpu.memory_space<vmem>> -> memref<1x100xi32, #tpu.memory_space<vmem>>
    %dma_start3A_227 = tpu.memref_squeeze %dma_start3A_226 : memref<1x100xi32, #tpu.memory_space<vmem>> -> memref<100xi32, #tpu.memory_space<vmem>>
    %dma_start3A_228 = arith.constant 0 : i32
    %dma_start3A_229 = arith.constant 0 : i32
    %dma_start3A_230 = tpu.memref_slice %arg14[%dma_start3A_228, %dma_start3A_229] : memref<2000x64xf32, #tpu.memory_space<vmem_shared>> -> memref<2000x64xf32, #tpu.memory_space<vmem_shared>>
    tpu.enqueue_indirect_dma source(%dma_start3A_230 : memref<2000x64xf32, #tpu.memory_space<vmem_shared>>) target(%dma_start3A_224 : memref<100x64xf32, #tpu.memory_space<vmem>>) offsets(%dma_start3A_227 : memref<100xi32, #tpu.memory_space<vmem>>) semaphore(%arg15 : memref<!tpu.dma_semaphore, #tpu.memory_space<semaphore_mem>>)
    %scan3A_231 = arith.constant 0 : i32
    %scan3A_232 = arith.constant 0 : i32
    %scan3A_233 = arith.constant 50 : i32
    %scan3A_234 = arith.addi %scan3A_232, %scan3A_233 : i32
    %scan3A_235 = arith.constant 1 : i32
    %scan3A_236 = scf.for %scan3A_396 = %scan3A_232 to %scan3A_234 step %scan3A_235 iter_args(%scan3A_397 = %scan3A_231) -> (i32)  : i32 {
      %mul3A_398 = arith.constant 8 : i32
      %mul3A_399 = arith.muli %scan3A_396, %mul3A_398 : i32
      %get3A = arith.index_cast %mul3A_399 : i32 to index
      %get3A_400 = arith.constant 0 : index
      %get3A_401 = tpu.vector_load %arg11[%get3A, %get3A_400] {strides = array<i32>} : memref<400x64xf32, #tpu.memory_space<vmem>>, vector<1x16xf32>,
      %get3A_402 = vector.shape_cast %get3A_401 : vector<1x16xf32> to vector<16xf32>
      %mul3A_403 = arith.constant 8 : i32
      %mul3A_404 = arith.muli %scan3A_396, %mul3A_403 : i32
      %add3A_405 = arith.constant 1 : i32
      %add3A_406 = arith.addi %mul3A_404, %add3A_405 : i32
      %get3A_407 = arith.index_cast %add3A_406 : i32 to index
      %get3A_408 = arith.constant 0 : index
      %get3A_409 = tpu.vector_load %arg11[%get3A_407, %get3A_408] {strides = array<i32>} : memref<400x64xf32, #tpu.memory_space<vmem>>, vector<1x16xf32>,
      %get3A_410 = vector.shape_cast %get3A_409 : vector<1x16xf32> to vector<16xf32>
      %add3A_411 = arith.addf %get3A_402, %get3A_410 : vector<16xf32>
      %mul3A_412 = arith.constant 8 : i32
      %mul3A_413 = arith.muli %scan3A_396, %mul3A_412 : i32
      %add3A_414 = arith.constant 2 : i32
      %add3A_415 = arith.addi %mul3A_413, %add3A_414 : i32
      %get3A_416 = arith.index_cast %add3A_415 : i32 to index
      %get3A_417 = arith.constant 0 : index
      %get3A_418 = tpu.vector_load %arg11[%get3A_416, %get3A_417] {strides = array<i32>} : memref<400x64xf32, #tpu.memory_space<vmem>>, vector<1x16xf32>,
      %get3A_419 = vector.shape_cast %get3A_418 : vector<1x16xf32> to vector<16xf32>
      %add3A_420 = arith.addf %add3A_411, %get3A_419 : vector<16xf32>
      %mul3A_421 = arith.constant 8 : i32
      %mul3A_422 = arith.muli %scan3A_396, %mul3A_421 : i32
      %add3A_423 = arith.constant 3 : i32
      %add3A_424 = arith.addi %mul3A_422, %add3A_423 : i32
      %get3A_425 = arith.index_cast %add3A_424 : i32 to index
      %get3A_426 = arith.constant 0 : index
      %get3A_427 = tpu.vector_load %arg11[%get3A_425, %get3A_426] {strides = array<i32>} : memref<400x64xf32, #tpu.memory_space<vmem>>, vector<1x16xf32>,
      %get3A_428 = vector.shape_cast %get3A_427 : vector<1x16xf32> to vector<16xf32>
      %add3A_429 = arith.addf %add3A_420, %get3A_428 : vector<16xf32>
      %mul3A_430 = arith.constant 8 : i32
      %mul3A_431 = arith.muli %scan3A_396, %mul3A_430 : i32
      %add3A_432 = arith.constant 4 : i32
      %add3A_433 = arith.addi %mul3A_431, %add3A_432 : i32
      %get3A_434 = arith.index_cast %add3A_433 : i32 to index
      %get3A_435 = arith.constant 0 : index
      %get3A_436 = tpu.vector_load %arg11[%get3A_434, %get3A_435] {strides = array<i32>} : memref<400x64xf32, #tpu.memory_space<vmem>>, vector<1x16xf32>,
      %get3A_437 = vector.shape_cast %get3A_436 : vector<1x16xf32> to vector<16xf32>
      %add3A_438 = arith.addf %add3A_429, %get3A_437 : vector<16xf32>
      %mul3A_439 = arith.constant 8 : i32
      %mul3A_440 = arith.muli %scan3A_396, %mul3A_439 : i32
      %add3A_441 = arith.constant 5 : i32
      %add3A_442 = arith.addi %mul3A_440, %add3A_441 : i32
      %get3A_443 = arith.index_cast %add3A_442 : i32 to index
      %get3A_444 = arith.constant 0 : index
      %get3A_445 = tpu.vector_load %arg11[%get3A_443, %get3A_444] {strides = array<i32>} : memref<400x64xf32, #tpu.memory_space<vmem>>, vector<1x16xf32>,
      %get3A_446 = vector.shape_cast %get3A_445 : vector<1x16xf32> to vector<16xf32>
      %add3A_447 = arith.addf %add3A_438, %get3A_446 : vector<16xf32>
      %mul3A_448 = arith.constant 8 : i32
      %mul3A_449 = arith.muli %scan3A_396, %mul3A_448 : i32
      %add3A_450 = arith.constant 6 : i32
      %add3A_451 = arith.addi %mul3A_449, %add3A_450 : i32
      %get3A_452 = arith.index_cast %add3A_451 : i32 to index
      %get3A_453 = arith.constant 0 : index
      %get3A_454 = tpu.vector_load %arg11[%get3A_452, %get3A_453] {strides = array<i32>} : memref<400x64xf32, #tpu.memory_space<vmem>>, vector<1x16xf32>,
      %get3A_455 = vector.shape_cast %get3A_454 : vector<1x16xf32> to vector<16xf32>
      %add3A_456 = arith.addf %add3A_447, %get3A_455 : vector<16xf32>
      %mul3A_457 = arith.constant 8 : i32
      %mul3A_458 = arith.muli %scan3A_396, %mul3A_457 : i32
      %add3A_459 = arith.constant 7 : i32
      %add3A_460 = arith.addi %mul3A_458, %add3A_459 : i32
      %get3A_461 = arith.index_cast %add3A_460 : i32 to index
      %get3A_462 = arith.constant 0 : index
      %get3A_463 = tpu.vector_load %arg11[%get3A_461, %get3A_462] {strides = array<i32>} : memref<400x64xf32, #tpu.memory_space<vmem>>, vector<1x16xf32>,
      %get3A_464 = vector.shape_cast %get3A_463 : vector<1x16xf32> to vector<16xf32>
      %add3A_465 = arith.addf %add3A_456, %get3A_464 : vector<16xf32>
      %mul3A_466 = arith.constant 1.250000e-01 : f32
      %mul3A_467 = vector.broadcast %mul3A_466 : f32 to vector<16xf32>
      %mul3A_468 = arith.mulf %add3A_465, %mul3A_467 : vector<16xf32>
      %add3A_469 = arith.constant 50 : i32
      %add3A_470 = arith.addi %add3A_469, %scan3A_396 : i32
      %swap3A = arith.index_cast %add3A_470 : i32 to index
      %swap3A_471 = arith.constant 0 : index
      %swap3A_472 = tpu.vector_load %arg12[%swap3A, %swap3A_471] {strides = array<i32>} : memref<200x64xf32, #tpu.memory_space<vmem>>, vector<1x16xf32>,
      %swap3A_473 = vector.shape_cast %swap3A_472 : vector<1x16xf32> to vector<16xf32>
      %swap3A_474 = vector.shape_cast %mul3A_468 : vector<16xf32> to vector<1x16xf32>
      tpu.vector_store %arg12[%swap3A, %swap3A_471], %swap3A_474 {strides = array<i32>} : memref<200x64xf32, #tpu.memory_space<vmem>>, vector<1x16xf32>,
      %mul3A_475 = arith.constant 8 : i32
      %mul3A_476 = arith.muli %scan3A_396, %mul3A_475 : i32
      %get3A_477 = arith.index_cast %mul3A_476 : i32 to index
      %get3A_478 = arith.constant 16 : index
      %get3A_479 = tpu.vector_load %arg11[%get3A_477, %get3A_478] {strides = array<i32>} : memref<400x64xf32, #tpu.memory_space<vmem>>, vector<1x16xf32>,
      %get3A_480 = vector.shape_cast %get3A_479 : vector<1x16xf32> to vector<16xf32>
      %mul3A_481 = arith.constant 8 : i32
      %mul3A_482 = arith.muli %scan3A_396, %mul3A_481 : i32
      %add3A_483 = arith.constant 1 : i32
      %add3A_484 = arith.addi %mul3A_482, %add3A_483 : i32
      %get3A_485 = arith.index_cast %add3A_484 : i32 to index
      %get3A_486 = arith.constant 16 : index
      %get3A_487 = tpu.vector_load %arg11[%get3A_485, %get3A_486] {strides = array<i32>} : memref<400x64xf32, #tpu.memory_space<vmem>>, vector<1x16xf32>,
      %get3A_488 = vector.shape_cast %get3A_487 : vector<1x16xf32> to vector<16xf32>
      %add3A_489 = arith.addf %get3A_480, %get3A_488 : vector<16xf32>
      %mul3A_490 = arith.constant 8 : i32
      %mul3A_491 = arith.muli %scan3A_396, %mul3A_490 : i32
      %add3A_492 = arith.constant 2 : i32
      %add3A_493 = arith.addi %mul3A_491, %add3A_492 : i32
      %get3A_494 = arith.index_cast %add3A_493 : i32 to index
      %get3A_495 = arith.constant 16 : index
      %get3A_496 = tpu.vector_load %arg11[%get3A_494, %get3A_495] {strides = array<i32>} : memref<400x64xf32, #tpu.memory_space<vmem>>, vector<1x16xf32>,
      %get3A_497 = vector.shape_cast %get3A_496 : vector<1x16xf32> to vector<16xf32>
      %add3A_498 = arith.addf %add3A_489, %get3A_497 : vector<16xf32>
      %mul3A_499 = arith.constant 8 : i32
      %mul3A_500 = arith.muli %scan3A_396, %mul3A_499 : i32
      %add3A_501 = arith.constant 3 : i32
      %add3A_502 = arith.addi %mul3A_500, %add3A_501 : i32
      %get3A_503 = arith.index_cast %add3A_502 : i32 to index
      %get3A_504 = arith.constant 16 : index
      %get3A_505 = tpu.vector_load %arg11[%get3A_503, %get3A_504] {strides = array<i32>} : memref<400x64xf32, #tpu.memory_space<vmem>>, vector<1x16xf32>,
      %get3A_506 = vector.shape_cast %get3A_505 : vector<1x16xf32> to vector<16xf32>
      %add3A_507 = arith.addf %add3A_498, %get3A_506 : vector<16xf32>
      %mul3A_508 = arith.constant 8 : i32
      %mul3A_509 = arith.muli %scan3A_396, %mul3A_508 : i32
      %add3A_510 = arith.constant 4 : i32
      %add3A_511 = arith.addi %mul3A_509, %add3A_510 : i32
      %get3A_512 = arith.index_cast %add3A_511 : i32 to index
      %get3A_513 = arith.constant 16 : index
      %get3A_514 = tpu.vector_load %arg11[%get3A_512, %get3A_513] {strides = array<i32>} : memref<400x64xf32, #tpu.memory_space<vmem>>, vector<1x16xf32>,
      %get3A_515 = vector.shape_cast %get3A_514 : vector<1x16xf32> to vector<16xf32>
      %add3A_516 = arith.addf %add3A_507, %get3A_515 : vector<16xf32>
      %mul3A_517 = arith.constant 8 : i32
      %mul3A_518 = arith.muli %scan3A_396, %mul3A_517 : i32
      %add3A_519 = arith.constant 5 : i32
      %add3A_520 = arith.addi %mul3A_518, %add3A_519 : i32
      %get3A_521 = arith.index_cast %add3A_520 : i32 to index
      %get3A_522 = arith.constant 16 : index
      %get3A_523 = tpu.vector_load %arg11[%get3A_521, %get3A_522] {strides = array<i32>} : memref<400x64xf32, #tpu.memory_space<vmem>>, vector<1x16xf32>,
      %get3A_524 = vector.shape_cast %get3A_523 : vector<1x16xf32> to vector<16xf32>
      %add3A_525 = arith.addf %add3A_516, %get3A_524 : vector<16xf32>
      %mul3A_526 = arith.constant 8 : i32
      %mul3A_527 = arith.muli %scan3A_396, %mul3A_526 : i32
      %add3A_528 = arith.constant 6 : i32
      %add3A_529 = arith.addi %mul3A_527, %add3A_528 : i32
      %get3A_530 = arith.index_cast %add3A_529 : i32 to index
      %get3A_531 = arith.constant 16 : index
      %get3A_532 = tpu.vector_load %arg11[%get3A_530, %get3A_531] {strides = array<i32>} : memref<400x64xf32, #tpu.memory_space<vmem>>, vector<1x16xf32>,
      %get3A_533 = vector.shape_cast %get3A_532 : vector<1x16xf32> to vector<16xf32>
      %add3A_534 = arith.addf %add3A_525, %get3A_533 : vector<16xf32>
      %mul3A_535 = arith.constant 8 : i32
      %mul3A_536 = arith.muli %scan3A_396, %mul3A_535 : i32
      %add3A_537 = arith.constant 7 : i32
      %add3A_538 = arith.addi %mul3A_536, %add3A_537 : i32
      %get3A_539 = arith.index_cast %add3A_538 : i32 to index
      %get3A_540 = arith.constant 16 : index
      %get3A_541 = tpu.vector_load %arg11[%get3A_539, %get3A_540] {strides = array<i32>} : memref<400x64xf32, #tpu.memory_space<vmem>>, vector<1x16xf32>,
      %get3A_542 = vector.shape_cast %get3A_541 : vector<1x16xf32> to vector<16xf32>
      %add3A_543 = arith.addf %add3A_534, %get3A_542 : vector<16xf32>
      %mul3A_544 = arith.constant 1.250000e-01 : f32
      %mul3A_545 = vector.broadcast %mul3A_544 : f32 to vector<16xf32>
      %mul3A_546 = arith.mulf %add3A_543, %mul3A_545 : vector<16xf32>
      %add3A_547 = arith.constant 50 : i32
      %add3A_548 = arith.addi %add3A_547, %scan3A_396 : i32
      %swap3A_549 = arith.index_cast %add3A_548 : i32 to index
      %swap3A_550 = arith.constant 16 : index
      %swap3A_551 = tpu.vector_load %arg12[%swap3A_549, %swap3A_550] {strides = array<i32>} : memref<200x64xf32, #tpu.memory_space<vmem>>, vector<1x16xf32>,
      %swap3A_552 = vector.shape_cast %swap3A_551 : vector<1x16xf32> to vector<16xf32>
      %swap3A_553 = vector.shape_cast %mul3A_546 : vector<16xf32> to vector<1x16xf32>
      tpu.vector_store %arg12[%swap3A_549, %swap3A_550], %swap3A_553 {strides = array<i32>} : memref<200x64xf32, #tpu.memory_space<vmem>>, vector<1x16xf32>,
      %mul3A_554 = arith.constant 8 : i32
      %mul3A_555 = arith.muli %scan3A_396, %mul3A_554 : i32
      %get3A_556 = arith.index_cast %mul3A_555 : i32 to index
      %get3A_557 = arith.constant 32 : index
      %get3A_558 = tpu.vector_load %arg11[%get3A_556, %get3A_557] {strides = array<i32>} : memref<400x64xf32, #tpu.memory_space<vmem>>, vector<1x16xf32>,
      %get3A_559 = vector.shape_cast %get3A_558 : vector<1x16xf32> to vector<16xf32>
      %mul3A_560 = arith.constant 8 : i32
      %mul3A_561 = arith.muli %scan3A_396, %mul3A_560 : i32
      %add3A_562 = arith.constant 1 : i32
      %add3A_563 = arith.addi %mul3A_561, %add3A_562 : i32
      %get3A_564 = arith.index_cast %add3A_563 : i32 to index
      %get3A_565 = arith.constant 32 : index
      %get3A_566 = tpu.vector_load %arg11[%get3A_564, %get3A_565] {strides = array<i32>} : memref<400x64xf32, #tpu.memory_space<vmem>>, vector<1x16xf32>,
      %get3A_567 = vector.shape_cast %get3A_566 : vector<1x16xf32> to vector<16xf32>
      %add3A_568 = arith.addf %get3A_559, %get3A_567 : vector<16xf32>
      %mul3A_569 = arith.constant 8 : i32
      %mul3A_570 = arith.muli %scan3A_396, %mul3A_569 : i32
      %add3A_571 = arith.constant 2 : i32
      %add3A_572 = arith.addi %mul3A_570, %add3A_571 : i32
      %get3A_573 = arith.index_cast %add3A_572 : i32 to index
      %get3A_574 = arith.constant 32 : index
      %get3A_575 = tpu.vector_load %arg11[%get3A_573, %get3A_574] {strides = array<i32>} : memref<400x64xf32, #tpu.memory_space<vmem>>, vector<1x16xf32>,
      %get3A_576 = vector.shape_cast %get3A_575 : vector<1x16xf32> to vector<16xf32>
      %add3A_577 = arith.addf %add3A_568, %get3A_576 : vector<16xf32>
      %mul3A_578 = arith.constant 8 : i32
      %mul3A_579 = arith.muli %scan3A_396, %mul3A_578 : i32
      %add3A_580 = arith.constant 3 : i32
      %add3A_581 = arith.addi %mul3A_579, %add3A_580 : i32
      %get3A_582 = arith.index_cast %add3A_581 : i32 to index
      %get3A_583 = arith.constant 32 : index
      %get3A_584 = tpu.vector_load %arg11[%get3A_582, %get3A_583] {strides = array<i32>} : memref<400x64xf32, #tpu.memory_space<vmem>>, vector<1x16xf32>,
      %get3A_585 = vector.shape_cast %get3A_584 : vector<1x16xf32> to vector<16xf32>
      %add3A_586 = arith.addf %add3A_577, %get3A_585 : vector<16xf32>
      %mul3A_587 = arith.constant 8 : i32
      %mul3A_588 = arith.muli %scan3A_396, %mul3A_587 : i32
      %add3A_589 = arith.constant 4 : i32
      %add3A_590 = arith.addi %mul3A_588, %add3A_589 : i32
      %get3A_591 = arith.index_cast %add3A_590 : i32 to index
      %get3A_592 = arith.constant 32 : index
      %get3A_593 = tpu.vector_load %arg11[%get3A_591, %get3A_592] {strides = array<i32>} : memref<400x64xf32, #tpu.memory_space<vmem>>, vector<1x16xf32>,
      %get3A_594 = vector.shape_cast %get3A_593 : vector<1x16xf32> to vector<16xf32>
      %add3A_595 = arith.addf %add3A_586, %get3A_594 : vector<16xf32>
      %mul3A_596 = arith.constant 8 : i32
      %mul3A_597 = arith.muli %scan3A_396, %mul3A_596 : i32
      %add3A_598 = arith.constant 5 : i32
      %add3A_599 = arith.addi %mul3A_597, %add3A_598 : i32
      %get3A_600 = arith.index_cast %add3A_599 : i32 to index
      %get3A_601 = arith.constant 32 : index
      %get3A_602 = tpu.vector_load %arg11[%get3A_600, %get3A_601] {strides = array<i32>} : memref<400x64xf32, #tpu.memory_space<vmem>>, vector<1x16xf32>,
      %get3A_603 = vector.shape_cast %get3A_602 : vector<1x16xf32> to vector<16xf32>
      %add3A_604 = arith.addf %add3A_595, %get3A_603 : vector<16xf32>
      %mul3A_605 = arith.constant 8 : i32
      %mul3A_606 = arith.muli %scan3A_396, %mul3A_605 : i32
      %add3A_607 = arith.constant 6 : i32
      %add3A_608 = arith.addi %mul3A_606, %add3A_607 : i32
      %get3A_609 = arith.index_cast %add3A_608 : i32 to index
      %get3A_610 = arith.constant 32 : index
      %get3A_611 = tpu.vector_load %arg11[%get3A_609, %get3A_610] {strides = array<i32>} : memref<400x64xf32, #tpu.memory_space<vmem>>, vector<1x16xf32>,
      %get3A_612 = vector.shape_cast %get3A_611 : vector<1x16xf32> to vector<16xf32>
      %add3A_613 = arith.addf %add3A_604, %get3A_612 : vector<16xf32>
      %mul3A_614 = arith.constant 8 : i32
      %mul3A_615 = arith.muli %scan3A_396, %mul3A_614 : i32
      %add3A_616 = arith.constant 7 : i32
      %add3A_617 = arith.addi %mul3A_615, %add3A_616 : i32
      %get3A_618 = arith.index_cast %add3A_617 : i32 to index
      %get3A_619 = arith.constant 32 : index
      %get3A_620 = tpu.vector_load %arg11[%get3A_618, %get3A_619] {strides = array<i32>} : memref<400x64xf32, #tpu.memory_space<vmem>>, vector<1x16xf32>,
      %get3A_621 = vector.shape_cast %get3A_620 : vector<1x16xf32> to vector<16xf32>
      %add3A_622 = arith.addf %add3A_613, %get3A_621 : vector<16xf32>
      %mul3A_623 = arith.constant 1.250000e-01 : f32
      %mul3A_624 = vector.broadcast %mul3A_623 : f32 to vector<16xf32>
      %mul3A_625 = arith.mulf %add3A_622, %mul3A_624 : vector<16xf32>
      %add3A_626 = arith.constant 50 : i32
      %add3A_627 = arith.addi %add3A_626, %scan3A_396 : i32
      %swap3A_628 = arith.index_cast %add3A_627 : i32 to index
      %swap3A_629 = arith.constant 32 : index
      %swap3A_630 = tpu.vector_load %arg12[%swap3A_628, %swap3A_629] {strides = array<i32>} : memref<200x64xf32, #tpu.memory_space<vmem>>, vector<1x16xf32>,
      %swap3A_631 = vector.shape_cast %swap3A_630 : vector<1x16xf32> to vector<16xf32>
      %swap3A_632 = vector.shape_cast %mul3A_625 : vector<16xf32> to vector<1x16xf32>
      tpu.vector_store %arg12[%swap3A_628, %swap3A_629], %swap3A_632 {strides = array<i32>} : memref<200x64xf32, #tpu.memory_space<vmem>>, vector<1x16xf32>,
      %mul3A_633 = arith.constant 8 : i32
      %mul3A_634 = arith.muli %scan3A_396, %mul3A_633 : i32
      %get3A_635 = arith.index_cast %mul3A_634 : i32 to index
      %get3A_636 = arith.constant 48 : index
      %get3A_637 = tpu.vector_load %arg11[%get3A_635, %get3A_636] {strides = array<i32>} : memref<400x64xf32, #tpu.memory_space<vmem>>, vector<1x16xf32>,
      %get3A_638 = vector.shape_cast %get3A_637 : vector<1x16xf32> to vector<16xf32>
      %mul3A_639 = arith.constant 8 : i32
      %mul3A_640 = arith.muli %scan3A_396, %mul3A_639 : i32
      %add3A_641 = arith.constant 1 : i32
      %add3A_642 = arith.addi %mul3A_640, %add3A_641 : i32
      %get3A_643 = arith.index_cast %add3A_642 : i32 to index
      %get3A_644 = arith.constant 48 : index
      %get3A_645 = tpu.vector_load %arg11[%get3A_643, %get3A_644] {strides = array<i32>} : memref<400x64xf32, #tpu.memory_space<vmem>>, vector<1x16xf32>,
      %get3A_646 = vector.shape_cast %get3A_645 : vector<1x16xf32> to vector<16xf32>
      %add3A_647 = arith.addf %get3A_638, %get3A_646 : vector<16xf32>
      %mul3A_648 = arith.constant 8 : i32
      %mul3A_649 = arith.muli %scan3A_396, %mul3A_648 : i32
      %add3A_650 = arith.constant 2 : i32
      %add3A_651 = arith.addi %mul3A_649, %add3A_650 : i32
      %get3A_652 = arith.index_cast %add3A_651 : i32 to index
      %get3A_653 = arith.constant 48 : index
      %get3A_654 = tpu.vector_load %arg11[%get3A_652, %get3A_653] {strides = array<i32>} : memref<400x64xf32, #tpu.memory_space<vmem>>, vector<1x16xf32>,
      %get3A_655 = vector.shape_cast %get3A_654 : vector<1x16xf32> to vector<16xf32>
      %add3A_656 = arith.addf %add3A_647, %get3A_655 : vector<16xf32>
      %mul3A_657 = arith.constant 8 : i32
      %mul3A_658 = arith.muli %scan3A_396, %mul3A_657 : i32
      %add3A_659 = arith.constant 3 : i32
      %add3A_660 = arith.addi %mul3A_658, %add3A_659 : i32
      %get3A_661 = arith.index_cast %add3A_660 : i32 to index
      %get3A_662 = arith.constant 48 : index
      %get3A_663 = tpu.vector_load %arg11[%get3A_661, %get3A_662] {strides = array<i32>} : memref<400x64xf32, #tpu.memory_space<vmem>>, vector<1x16xf32>,
      %get3A_664 = vector.shape_cast %get3A_663 : vector<1x16xf32> to vector<16xf32>
      %add3A_665 = arith.addf %add3A_656, %get3A_664 : vector<16xf32>
      %mul3A_666 = arith.constant 8 : i32
      %mul3A_667 = arith.muli %scan3A_396, %mul3A_666 : i32
      %add3A_668 = arith.constant 4 : i32
      %add3A_669 = arith.addi %mul3A_667, %add3A_668 : i32
      %get3A_670 = arith.index_cast %add3A_669 : i32 to index
      %get3A_671 = arith.constant 48 : index
      %get3A_672 = tpu.vector_load %arg11[%get3A_670, %get3A_671] {strides = array<i32>} : memref<400x64xf32, #tpu.memory_space<vmem>>, vector<1x16xf32>,
      %get3A_673 = vector.shape_cast %get3A_672 : vector<1x16xf32> to vector<16xf32>
      %add3A_674 = arith.addf %add3A_665, %get3A_673 : vector<16xf32>
      %mul3A_675 = arith.constant 8 : i32
      %mul3A_676 = arith.muli %scan3A_396, %mul3A_675 : i32
      %add3A_677 = arith.constant 5 : i32
      %add3A_678 = arith.addi %mul3A_676, %add3A_677 : i32
      %get3A_679 = arith.index_cast %add3A_678 : i32 to index
      %get3A_680 = arith.constant 48 : index
      %get3A_681 = tpu.vector_load %arg11[%get3A_679, %get3A_680] {strides = array<i32>} : memref<400x64xf32, #tpu.memory_space<vmem>>, vector<1x16xf32>,
      %get3A_682 = vector.shape_cast %get3A_681 : vector<1x16xf32> to vector<16xf32>
      %add3A_683 = arith.addf %add3A_674, %get3A_682 : vector<16xf32>
      %mul3A_684 = arith.constant 8 : i32
      %mul3A_685 = arith.muli %scan3A_396, %mul3A_684 : i32
      %add3A_686 = arith.constant 6 : i32
      %add3A_687 = arith.addi %mul3A_685, %add3A_686 : i32
      %get3A_688 = arith.index_cast %add3A_687 : i32 to index
      %get3A_689 = arith.constant 48 : index
      %get3A_690 = tpu.vector_load %arg11[%get3A_688, %get3A_689] {strides = array<i32>} : memref<400x64xf32, #tpu.memory_space<vmem>>, vector<1x16xf32>,
      %get3A_691 = vector.shape_cast %get3A_690 : vector<1x16xf32> to vector<16xf32>
      %add3A_692 = arith.addf %add3A_683, %get3A_691 : vector<16xf32>
      %mul3A_693 = arith.constant 8 : i32
      %mul3A_694 = arith.muli %scan3A_396, %mul3A_693 : i32
      %add3A_695 = arith.constant 7 : i32
      %add3A_696 = arith.addi %mul3A_694, %add3A_695 : i32
      %get3A_697 = arith.index_cast %add3A_696 : i32 to index
      %get3A_698 = arith.constant 48 : index
      %get3A_699 = tpu.vector_load %arg11[%get3A_697, %get3A_698] {strides = array<i32>} : memref<400x64xf32, #tpu.memory_space<vmem>>, vector<1x16xf32>,
      %get3A_700 = vector.shape_cast %get3A_699 : vector<1x16xf32> to vector<16xf32>
      %add3A_701 = arith.addf %add3A_692, %get3A_700 : vector<16xf32>
      %mul3A_702 = arith.constant 1.250000e-01 : f32
      %mul3A_703 = vector.broadcast %mul3A_702 : f32 to vector<16xf32>
      %mul3A_704 = arith.mulf %add3A_701, %mul3A_703 : vector<16xf32>
      %add3A_705 = arith.constant 50 : i32
      %add3A_706 = arith.addi %add3A_705, %scan3A_396 : i32
      %swap3A_707 = arith.index_cast %add3A_706 : i32 to index
      %swap3A_708 = arith.constant 48 : index
      %swap3A_709 = tpu.vector_load %arg12[%swap3A_707, %swap3A_708] {strides = array<i32>} : memref<200x64xf32, #tpu.memory_space<vmem>>, vector<1x16xf32>,
      %swap3A_710 = vector.shape_cast %swap3A_709 : vector<1x16xf32> to vector<16xf32>
      %swap3A_711 = vector.shape_cast %mul3A_704 : vector<16xf32> to vector<1x16xf32>
      tpu.vector_store %arg12[%swap3A_707, %swap3A_708], %swap3A_711 {strides = array<i32>} : memref<200x64xf32, #tpu.memory_space<vmem>>, vector<1x16xf32>,
      %scan3A_712 = arith.constant 0 : i32
      scf.yield %scan3A_712 : i32
    }
    %scan3A_237 = arith.constant 50 : i32
    %dma_wait3A_238 = arith.constant 8 : i32
    %dma_wait3A_239 = arith.constant 0 : i32
    %dma_wait3A_240 = arith.constant 0 : i32
    %dma_wait3A_241 = tpu.memref_slice %arg10[%dma_wait3A_239, %dma_wait3A_240] : memref<400x64xf32, #tpu.memory_space<vmem>> -> memref<100x64xf32, #tpu.memory_space<vmem>>
    %dma_wait3A_242 = arith.constant 0 : i32
    %dma_wait3A_243 = tpu.memref_slice %arg8[%dma_wait3A_238, %dma_wait3A_242] : memref<16x100xi32, #tpu.memory_space<vmem>> -> memref<1x100xi32, #tpu.memory_space<vmem>>
    %dma_wait3A_244 = tpu.memref_squeeze %dma_wait3A_243 : memref<1x100xi32, #tpu.memory_space<vmem>> -> memref<100xi32, #tpu.memory_space<vmem>>
    %dma_wait3A_245 = arith.constant 0 : i32
    %dma_wait3A_246 = arith.constant 0 : i32
    %dma_wait3A_247 = tpu.memref_slice %arg14[%dma_wait3A_245, %dma_wait3A_246] : memref<2000x64xf32, #tpu.memory_space<vmem_shared>> -> memref<2000x64xf32, #tpu.memory_space<vmem_shared>>
    tpu.wait_indirect_dma semaphore(%arg15 : memref<!tpu.dma_semaphore, #tpu.memory_space<semaphore_mem>>) src(%dma_wait3A_247 : memref<2000x64xf32, #tpu.memory_space<vmem_shared>>) dst(%dma_wait3A_241 : memref<100x64xf32, #tpu.memory_space<vmem>>)
    %dma_wait3A_248 = arith.constant 9 : i32
    %dma_wait3A_249 = arith.constant 100 : i32
    %dma_wait3A_250 = arith.constant 0 : i32
    %dma_wait3A_251 = tpu.memref_slice %arg10[%dma_wait3A_249, %dma_wait3A_250] : memref<400x64xf32, #tpu.memory_space<vmem>> -> memref<100x64xf32, #tpu.memory_space<vmem>>
    %dma_wait3A_252 = arith.constant 0 : i32
    %dma_wait3A_253 = tpu.memref_slice %arg8[%dma_wait3A_248, %dma_wait3A_252] : memref<16x100xi32, #tpu.memory_space<vmem>> -> memref<1x100xi32, #tpu.memory_space<vmem>>
    %dma_wait3A_254 = tpu.memref_squeeze %dma_wait3A_253 : memref<1x100xi32, #tpu.memory_space<vmem>> -> memref<100xi32, #tpu.memory_space<vmem>>
    %dma_wait3A_255 = arith.constant 0 : i32
    %dma_wait3A_256 = arith.constant 0 : i32
    %dma_wait3A_257 = tpu.memref_slice %arg14[%dma_wait3A_255, %dma_wait3A_256] : memref<2000x64xf32, #tpu.memory_space<vmem_shared>> -> memref<2000x64xf32, #tpu.memory_space<vmem_shared>>
    tpu.wait_indirect_dma semaphore(%arg15 : memref<!tpu.dma_semaphore, #tpu.memory_space<semaphore_mem>>) src(%dma_wait3A_257 : memref<2000x64xf32, #tpu.memory_space<vmem_shared>>) dst(%dma_wait3A_251 : memref<100x64xf32, #tpu.memory_space<vmem>>)
    %dma_wait3A_258 = arith.constant 10 : i32
    %dma_wait3A_259 = arith.constant 200 : i32
    %dma_wait3A_260 = arith.constant 0 : i32
    %dma_wait3A_261 = tpu.memref_slice %arg10[%dma_wait3A_259, %dma_wait3A_260] : memref<400x64xf32, #tpu.memory_space<vmem>> -> memref<100x64xf32, #tpu.memory_space<vmem>>
    %dma_wait3A_262 = arith.constant 0 : i32
    %dma_wait3A_263 = tpu.memref_slice %arg8[%dma_wait3A_258, %dma_wait3A_262] : memref<16x100xi32, #tpu.memory_space<vmem>> -> memref<1x100xi32, #tpu.memory_space<vmem>>
    %dma_wait3A_264 = tpu.memref_squeeze %dma_wait3A_263 : memref<1x100xi32, #tpu.memory_space<vmem>> -> memref<100xi32, #tpu.memory_space<vmem>>
    %dma_wait3A_265 = arith.constant 0 : i32
    %dma_wait3A_266 = arith.constant 0 : i32
    %dma_wait3A_267 = tpu.memref_slice %arg14[%dma_wait3A_265, %dma_wait3A_266] : memref<2000x64xf32, #tpu.memory_space<vmem_shared>> -> memref<2000x64xf32, #tpu.memory_space<vmem_shared>>
    tpu.wait_indirect_dma semaphore(%arg15 : memref<!tpu.dma_semaphore, #tpu.memory_space<semaphore_mem>>) src(%dma_wait3A_267 : memref<2000x64xf32, #tpu.memory_space<vmem_shared>>) dst(%dma_wait3A_261 : memref<100x64xf32, #tpu.memory_space<vmem>>)
    %dma_wait3A_268 = arith.constant 11 : i32
    %dma_wait3A_269 = arith.constant 300 : i32
    %dma_wait3A_270 = arith.constant 0 : i32
    %dma_wait3A_271 = tpu.memref_slice %arg10[%dma_wait3A_269, %dma_wait3A_270] : memref<400x64xf32, #tpu.memory_space<vmem>> -> memref<100x64xf32, #tpu.memory_space<vmem>>
    %dma_wait3A_272 = arith.constant 0 : i32
    %dma_wait3A_273 = tpu.memref_slice %arg8[%dma_wait3A_268, %dma_wait3A_272] : memref<16x100xi32, #tpu.memory_space<vmem>> -> memref<1x100xi32, #tpu.memory_space<vmem>>
    %dma_wait3A_274 = tpu.memref_squeeze %dma_wait3A_273 : memref<1x100xi32, #tpu.memory_space<vmem>> -> memref<100xi32, #tpu.memory_space<vmem>>
    %dma_wait3A_275 = arith.constant 0 : i32
    %dma_wait3A_276 = arith.constant 0 : i32
    %dma_wait3A_277 = tpu.memref_slice %arg14[%dma_wait3A_275, %dma_wait3A_276] : memref<2000x64xf32, #tpu.memory_space<vmem_shared>> -> memref<2000x64xf32, #tpu.memory_space<vmem_shared>>
    tpu.wait_indirect_dma semaphore(%arg15 : memref<!tpu.dma_semaphore, #tpu.memory_space<semaphore_mem>>) src(%dma_wait3A_277 : memref<2000x64xf32, #tpu.memory_space<vmem_shared>>) dst(%dma_wait3A_271 : memref<100x64xf32, #tpu.memory_space<vmem>>)
    %dma_start3A_278 = arith.constant 12 : i32
    %dma_start3A_279 = arith.constant 0 : i32
    %dma_start3A_280 = arith.constant 0 : i32
    %dma_start3A_281 = tpu.memref_slice %arg11[%dma_start3A_279, %dma_start3A_280] : memref<400x64xf32, #tpu.memory_space<vmem>> -> memref<100x64xf32, #tpu.memory_space<vmem>>
    %dma_start3A_282 = arith.constant 0 : i32
    %dma_start3A_283 = tpu.memref_slice %arg8[%dma_start3A_278, %dma_start3A_282] : memref<16x100xi32, #tpu.memory_space<vmem>> -> memref<1x100xi32, #tpu.memory_space<vmem>>
    %dma_start3A_284 = tpu.memref_squeeze %dma_start3A_283 : memref<1x100xi32, #tpu.memory_space<vmem>> -> memref<100xi32, #tpu.memory_space<vmem>>
    %dma_start3A_285 = arith.constant 0 : i32
    %dma_start3A_286 = arith.constant 0 : i32
    %dma_start3A_287 = tpu.memref_slice %arg14[%dma_start3A_285, %dma_start3A_286] : memref<2000x64xf32, #tpu.memory_space<vmem_shared>> -> memref<2000x64xf32, #tpu.memory_space<vmem_shared>>
    tpu.enqueue_indirect_dma source(%dma_start3A_287 : memref<2000x64xf32, #tpu.memory_space<vmem_shared>>) target(%dma_start3A_281 : memref<100x64xf32, #tpu.memory_space<vmem>>) offsets(%dma_start3A_284 : memref<100xi32, #tpu.memory_space<vmem>>) semaphore(%arg16 : memref<!tpu.dma_semaphore, #tpu.memory_space<semaphore_mem>>)
    %dma_start3A_288 = arith.constant 13 : i32
    %dma_start3A_289 = arith.constant 100 : i32
    %dma_start3A_290 = arith.constant 0 : i32
    %dma_start3A_291 = tpu.memref_slice %arg11[%dma_start3A_289, %dma_start3A_290] : memref<400x64xf32, #tpu.memory_space<vmem>> -> memref<100x64xf32, #tpu.memory_space<vmem>>
    %dma_start3A_292 = arith.constant 0 : i32
    %dma_start3A_293 = tpu.memref_slice %arg8[%dma_start3A_288, %dma_start3A_292] : memref<16x100xi32, #tpu.memory_space<vmem>> -> memref<1x100xi32, #tpu.memory_space<vmem>>
    %dma_start3A_294 = tpu.memref_squeeze %dma_start3A_293 : memref<1x100xi32, #tpu.memory_space<vmem>> -> memref<100xi32, #tpu.memory_space<vmem>>
    %dma_start3A_295 = arith.constant 0 : i32
    %dma_start3A_296 = arith.constant 0 : i32
    %dma_start3A_297 = tpu.memref_slice %arg14[%dma_start3A_295, %dma_start3A_296] : memref<2000x64xf32, #tpu.memory_space<vmem_shared>> -> memref<2000x64xf32, #tpu.memory_space<vmem_shared>>
    tpu.enqueue_indirect_dma source(%dma_start3A_297 : memref<2000x64xf32, #tpu.memory_space<vmem_shared>>) target(%dma_start3A_291 : memref<100x64xf32, #tpu.memory_space<vmem>>) offsets(%dma_start3A_294 : memref<100xi32, #tpu.memory_space<vmem>>) semaphore(%arg16 : memref<!tpu.dma_semaphore, #tpu.memory_space<semaphore_mem>>)
    %dma_start3A_298 = arith.constant 14 : i32
    %dma_start3A_299 = arith.constant 200 : i32
    %dma_start3A_300 = arith.constant 0 : i32
    %dma_start3A_301 = tpu.memref_slice %arg11[%dma_start3A_299, %dma_start3A_300] : memref<400x64xf32, #tpu.memory_space<vmem>> -> memref<100x64xf32, #tpu.memory_space<vmem>>
    %dma_start3A_302 = arith.constant 0 : i32
    %dma_start3A_303 = tpu.memref_slice %arg8[%dma_start3A_298, %dma_start3A_302] : memref<16x100xi32, #tpu.memory_space<vmem>> -> memref<1x100xi32, #tpu.memory_space<vmem>>
    %dma_start3A_304 = tpu.memref_squeeze %dma_start3A_303 : memref<1x100xi32, #tpu.memory_space<vmem>> -> memref<100xi32, #tpu.memory_space<vmem>>
    %dma_start3A_305 = arith.constant 0 : i32
    %dma_start3A_306 = arith.constant 0 : i32
    %dma_start3A_307 = tpu.memref_slice %arg14[%dma_start3A_305, %dma_start3A_306] : memref<2000x64xf32, #tpu.memory_space<vmem_shared>> -> memref<2000x64xf32, #tpu.memory_space<vmem_shared>>
    tpu.enqueue_indirect_dma source(%dma_start3A_307 : memref<2000x64xf32, #tpu.memory_space<vmem_shared>>) target(%dma_start3A_301 : memref<100x64xf32, #tpu.memory_space<vmem>>) offsets(%dma_start3A_304 : memref<100xi32, #tpu.memory_space<vmem>>) semaphore(%arg16 : memref<!tpu.dma_semaphore, #tpu.memory_space<semaphore_mem>>)
    %dma_start3A_308 = arith.constant 15 : i32
    %dma_start3A_309 = arith.constant 300 : i32
    %dma_start3A_310 = arith.constant 0 : i32
    %dma_start3A_311 = tpu.memref_slice %arg11[%dma_start3A_309, %dma_start3A_310] : memref<400x64xf32, #tpu.memory_space<vmem>> -> memref<100x64xf32, #tpu.memory_space<vmem>>
    %dma_start3A_312 = arith.constant 0 : i32
    %dma_start3A_313 = tpu.memref_slice %arg8[%dma_start3A_308, %dma_start3A_312] : memref<16x100xi32, #tpu.memory_space<vmem>> -> memref<1x100xi32, #tpu.memory_space<vmem>>
    %dma_start3A_314 = tpu.memref_squeeze %dma_start3A_313 : memref<1x100xi32, #tpu.memory_space<vmem>> -> memref<100xi32, #tpu.memory_space<vmem>>
    %dma_start3A_315 = arith.constant 0 : i32
    %dma_start3A_316 = arith.constant 0 : i32
    %dma_start3A_317 = tpu.memref_slice %arg14[%dma_start3A_315, %dma_start3A_316] : memref<2000x64xf32, #tpu.memory_space<vmem_shared>> -> memref<2000x64xf32, #tpu.memory_space<vmem_shared>>
    tpu.enqueue_indirect_dma source(%dma_start3A_317 : memref<2000x64xf32, #tpu.memory_space<vmem_shared>>) target(%dma_start3A_311 : memref<100x64xf32, #tpu.memory_space<vmem>>) offsets(%dma_start3A_314 : memref<100xi32, #tpu.memory_space<vmem>>) semaphore(%arg16 : memref<!tpu.dma_semaphore, #tpu.memory_space<semaphore_mem>>)
    %scan3A_318 = arith.constant 0 : i32
    %scan3A_319 = arith.constant 0 : i32
    %scan3A_320 = arith.constant 50 : i32
    %scan3A_321 = arith.addi %scan3A_319, %scan3A_320 : i32
    %scan3A_322 = arith.constant 1 : i32
    %scan3A_323 = scf.for %scan3A_396 = %scan3A_319 to %scan3A_321 step %scan3A_322 iter_args(%scan3A_397 = %scan3A_318) -> (i32)  : i32 {
      %mul3A_398 = arith.constant 8 : i32
      %mul3A_399 = arith.muli %scan3A_396, %mul3A_398 : i32
      %get3A = arith.index_cast %mul3A_399 : i32 to index
      %get3A_400 = arith.constant 0 : index
      %get3A_401 = tpu.vector_load %arg10[%get3A, %get3A_400] {strides = array<i32>} : memref<400x64xf32, #tpu.memory_space<vmem>>, vector<1x16xf32>,
      %get3A_402 = vector.shape_cast %get3A_401 : vector<1x16xf32> to vector<16xf32>
      %mul3A_403 = arith.constant 8 : i32
      %mul3A_404 = arith.muli %scan3A_396, %mul3A_403 : i32
      %add3A_405 = arith.constant 1 : i32
      %add3A_406 = arith.addi %mul3A_404, %add3A_405 : i32
      %get3A_407 = arith.index_cast %add3A_406 : i32 to index
      %get3A_408 = arith.constant 0 : index
      %get3A_409 = tpu.vector_load %arg10[%get3A_407, %get3A_408] {strides = array<i32>} : memref<400x64xf32, #tpu.memory_space<vmem>>, vector<1x16xf32>,
      %get3A_410 = vector.shape_cast %get3A_409 : vector<1x16xf32> to vector<16xf32>
      %add3A_411 = arith.addf %get3A_402, %get3A_410 : vector<16xf32>
      %mul3A_412 = arith.constant 8 : i32
      %mul3A_413 = arith.muli %scan3A_396, %mul3A_412 : i32
      %add3A_414 = arith.constant 2 : i32
      %add3A_415 = arith.addi %mul3A_413, %add3A_414 : i32
      %get3A_416 = arith.index_cast %add3A_415 : i32 to index
      %get3A_417 = arith.constant 0 : index
      %get3A_418 = tpu.vector_load %arg10[%get3A_416, %get3A_417] {strides = array<i32>} : memref<400x64xf32, #tpu.memory_space<vmem>>, vector<1x16xf32>,
      %get3A_419 = vector.shape_cast %get3A_418 : vector<1x16xf32> to vector<16xf32>
      %add3A_420 = arith.addf %add3A_411, %get3A_419 : vector<16xf32>
      %mul3A_421 = arith.constant 8 : i32
      %mul3A_422 = arith.muli %scan3A_396, %mul3A_421 : i32
      %add3A_423 = arith.constant 3 : i32
      %add3A_424 = arith.addi %mul3A_422, %add3A_423 : i32
      %get3A_425 = arith.index_cast %add3A_424 : i32 to index
      %get3A_426 = arith.constant 0 : index
      %get3A_427 = tpu.vector_load %arg10[%get3A_425, %get3A_426] {strides = array<i32>} : memref<400x64xf32, #tpu.memory_space<vmem>>, vector<1x16xf32>,
      %get3A_428 = vector.shape_cast %get3A_427 : vector<1x16xf32> to vector<16xf32>
      %add3A_429 = arith.addf %add3A_420, %get3A_428 : vector<16xf32>
      %mul3A_430 = arith.constant 8 : i32
      %mul3A_431 = arith.muli %scan3A_396, %mul3A_430 : i32
      %add3A_432 = arith.constant 4 : i32
      %add3A_433 = arith.addi %mul3A_431, %add3A_432 : i32
      %get3A_434 = arith.index_cast %add3A_433 : i32 to index
      %get3A_435 = arith.constant 0 : index
      %get3A_436 = tpu.vector_load %arg10[%get3A_434, %get3A_435] {strides = array<i32>} : memref<400x64xf32, #tpu.memory_space<vmem>>, vector<1x16xf32>,
      %get3A_437 = vector.shape_cast %get3A_436 : vector<1x16xf32> to vector<16xf32>
      %add3A_438 = arith.addf %add3A_429, %get3A_437 : vector<16xf32>
      %mul3A_439 = arith.constant 8 : i32
      %mul3A_440 = arith.muli %scan3A_396, %mul3A_439 : i32
      %add3A_441 = arith.constant 5 : i32
      %add3A_442 = arith.addi %mul3A_440, %add3A_441 : i32
      %get3A_443 = arith.index_cast %add3A_442 : i32 to index
      %get3A_444 = arith.constant 0 : index
      %get3A_445 = tpu.vector_load %arg10[%get3A_443, %get3A_444] {strides = array<i32>} : memref<400x64xf32, #tpu.memory_space<vmem>>, vector<1x16xf32>,
      %get3A_446 = vector.shape_cast %get3A_445 : vector<1x16xf32> to vector<16xf32>
      %add3A_447 = arith.addf %add3A_438, %get3A_446 : vector<16xf32>
      %mul3A_448 = arith.constant 8 : i32
      %mul3A_449 = arith.muli %scan3A_396, %mul3A_448 : i32
      %add3A_450 = arith.constant 6 : i32
      %add3A_451 = arith.addi %mul3A_449, %add3A_450 : i32
      %get3A_452 = arith.index_cast %add3A_451 : i32 to index
      %get3A_453 = arith.constant 0 : index
      %get3A_454 = tpu.vector_load %arg10[%get3A_452, %get3A_453] {strides = array<i32>} : memref<400x64xf32, #tpu.memory_space<vmem>>, vector<1x16xf32>,
      %get3A_455 = vector.shape_cast %get3A_454 : vector<1x16xf32> to vector<16xf32>
      %add3A_456 = arith.addf %add3A_447, %get3A_455 : vector<16xf32>
      %mul3A_457 = arith.constant 8 : i32
      %mul3A_458 = arith.muli %scan3A_396, %mul3A_457 : i32
      %add3A_459 = arith.constant 7 : i32
      %add3A_460 = arith.addi %mul3A_458, %add3A_459 : i32
      %get3A_461 = arith.index_cast %add3A_460 : i32 to index
      %get3A_462 = arith.constant 0 : index
      %get3A_463 = tpu.vector_load %arg10[%get3A_461, %get3A_462] {strides = array<i32>} : memref<400x64xf32, #tpu.memory_space<vmem>>, vector<1x16xf32>,
      %get3A_464 = vector.shape_cast %get3A_463 : vector<1x16xf32> to vector<16xf32>
      %add3A_465 = arith.addf %add3A_456, %get3A_464 : vector<16xf32>
      %mul3A_466 = arith.constant 1.250000e-01 : f32
      %mul3A_467 = vector.broadcast %mul3A_466 : f32 to vector<16xf32>
      %mul3A_468 = arith.mulf %add3A_465, %mul3A_467 : vector<16xf32>
      %add3A_469 = arith.constant 100 : i32
      %add3A_470 = arith.addi %add3A_469, %scan3A_396 : i32
      %swap3A = arith.index_cast %add3A_470 : i32 to index
      %swap3A_471 = arith.constant 0 : index
      %swap3A_472 = tpu.vector_load %arg12[%swap3A, %swap3A_471] {strides = array<i32>} : memref<200x64xf32, #tpu.memory_space<vmem>>, vector<1x16xf32>,
      %swap3A_473 = vector.shape_cast %swap3A_472 : vector<1x16xf32> to vector<16xf32>
      %swap3A_474 = vector.shape_cast %mul3A_468 : vector<16xf32> to vector<1x16xf32>
      tpu.vector_store %arg12[%swap3A, %swap3A_471], %swap3A_474 {strides = array<i32>} : memref<200x64xf32, #tpu.memory_space<vmem>>, vector<1x16xf32>,
      %mul3A_475 = arith.constant 8 : i32
      %mul3A_476 = arith.muli %scan3A_396, %mul3A_475 : i32
      %get3A_477 = arith.index_cast %mul3A_476 : i32 to index
      %get3A_478 = arith.constant 16 : index
      %get3A_479 = tpu.vector_load %arg10[%get3A_477, %get3A_478] {strides = array<i32>} : memref<400x64xf32, #tpu.memory_space<vmem>>, vector<1x16xf32>,
      %get3A_480 = vector.shape_cast %get3A_479 : vector<1x16xf32> to vector<16xf32>
      %mul3A_481 = arith.constant 8 : i32
      %mul3A_482 = arith.muli %scan3A_396, %mul3A_481 : i32
      %add3A_483 = arith.constant 1 : i32
      %add3A_484 = arith.addi %mul3A_482, %add3A_483 : i32
      %get3A_485 = arith.index_cast %add3A_484 : i32 to index
      %get3A_486 = arith.constant 16 : index
      %get3A_487 = tpu.vector_load %arg10[%get3A_485, %get3A_486] {strides = array<i32>} : memref<400x64xf32, #tpu.memory_space<vmem>>, vector<1x16xf32>,
      %get3A_488 = vector.shape_cast %get3A_487 : vector<1x16xf32> to vector<16xf32>
      %add3A_489 = arith.addf %get3A_480, %get3A_488 : vector<16xf32>
      %mul3A_490 = arith.constant 8 : i32
      %mul3A_491 = arith.muli %scan3A_396, %mul3A_490 : i32
      %add3A_492 = arith.constant 2 : i32
      %add3A_493 = arith.addi %mul3A_491, %add3A_492 : i32
      %get3A_494 = arith.index_cast %add3A_493 : i32 to index
      %get3A_495 = arith.constant 16 : index
      %get3A_496 = tpu.vector_load %arg10[%get3A_494, %get3A_495] {strides = array<i32>} : memref<400x64xf32, #tpu.memory_space<vmem>>, vector<1x16xf32>,
      %get3A_497 = vector.shape_cast %get3A_496 : vector<1x16xf32> to vector<16xf32>
      %add3A_498 = arith.addf %add3A_489, %get3A_497 : vector<16xf32>
      %mul3A_499 = arith.constant 8 : i32
      %mul3A_500 = arith.muli %scan3A_396, %mul3A_499 : i32
      %add3A_501 = arith.constant 3 : i32
      %add3A_502 = arith.addi %mul3A_500, %add3A_501 : i32
      %get3A_503 = arith.index_cast %add3A_502 : i32 to index
      %get3A_504 = arith.constant 16 : index
      %get3A_505 = tpu.vector_load %arg10[%get3A_503, %get3A_504] {strides = array<i32>} : memref<400x64xf32, #tpu.memory_space<vmem>>, vector<1x16xf32>,
      %get3A_506 = vector.shape_cast %get3A_505 : vector<1x16xf32> to vector<16xf32>
      %add3A_507 = arith.addf %add3A_498, %get3A_506 : vector<16xf32>
      %mul3A_508 = arith.constant 8 : i32
      %mul3A_509 = arith.muli %scan3A_396, %mul3A_508 : i32
      %add3A_510 = arith.constant 4 : i32
      %add3A_511 = arith.addi %mul3A_509, %add3A_510 : i32
      %get3A_512 = arith.index_cast %add3A_511 : i32 to index
      %get3A_513 = arith.constant 16 : index
      %get3A_514 = tpu.vector_load %arg10[%get3A_512, %get3A_513] {strides = array<i32>} : memref<400x64xf32, #tpu.memory_space<vmem>>, vector<1x16xf32>,
      %get3A_515 = vector.shape_cast %get3A_514 : vector<1x16xf32> to vector<16xf32>
      %add3A_516 = arith.addf %add3A_507, %get3A_515 : vector<16xf32>
      %mul3A_517 = arith.constant 8 : i32
      %mul3A_518 = arith.muli %scan3A_396, %mul3A_517 : i32
      %add3A_519 = arith.constant 5 : i32
      %add3A_520 = arith.addi %mul3A_518, %add3A_519 : i32
      %get3A_521 = arith.index_cast %add3A_520 : i32 to index
      %get3A_522 = arith.constant 16 : index
      %get3A_523 = tpu.vector_load %arg10[%get3A_521, %get3A_522] {strides = array<i32>} : memref<400x64xf32, #tpu.memory_space<vmem>>, vector<1x16xf32>,
      %get3A_524 = vector.shape_cast %get3A_523 : vector<1x16xf32> to vector<16xf32>
      %add3A_525 = arith.addf %add3A_516, %get3A_524 : vector<16xf32>
      %mul3A_526 = arith.constant 8 : i32
      %mul3A_527 = arith.muli %scan3A_396, %mul3A_526 : i32
      %add3A_528 = arith.constant 6 : i32
      %add3A_529 = arith.addi %mul3A_527, %add3A_528 : i32
      %get3A_530 = arith.index_cast %add3A_529 : i32 to index
      %get3A_531 = arith.constant 16 : index
      %get3A_532 = tpu.vector_load %arg10[%get3A_530, %get3A_531] {strides = array<i32>} : memref<400x64xf32, #tpu.memory_space<vmem>>, vector<1x16xf32>,
      %get3A_533 = vector.shape_cast %get3A_532 : vector<1x16xf32> to vector<16xf32>
      %add3A_534 = arith.addf %add3A_525, %get3A_533 : vector<16xf32>
      %mul3A_535 = arith.constant 8 : i32
      %mul3A_536 = arith.muli %scan3A_396, %mul3A_535 : i32
      %add3A_537 = arith.constant 7 : i32
      %add3A_538 = arith.addi %mul3A_536, %add3A_537 : i32
      %get3A_539 = arith.index_cast %add3A_538 : i32 to index
      %get3A_540 = arith.constant 16 : index
      %get3A_541 = tpu.vector_load %arg10[%get3A_539, %get3A_540] {strides = array<i32>} : memref<400x64xf32, #tpu.memory_space<vmem>>, vector<1x16xf32>,
      %get3A_542 = vector.shape_cast %get3A_541 : vector<1x16xf32> to vector<16xf32>
      %add3A_543 = arith.addf %add3A_534, %get3A_542 : vector<16xf32>
      %mul3A_544 = arith.constant 1.250000e-01 : f32
      %mul3A_545 = vector.broadcast %mul3A_544 : f32 to vector<16xf32>
      %mul3A_546 = arith.mulf %add3A_543, %mul3A_545 : vector<16xf32>
      %add3A_547 = arith.constant 100 : i32
      %add3A_548 = arith.addi %add3A_547, %scan3A_396 : i32
      %swap3A_549 = arith.index_cast %add3A_548 : i32 to index
      %swap3A_550 = arith.constant 16 : index
      %swap3A_551 = tpu.vector_load %arg12[%swap3A_549, %swap3A_550] {strides = array<i32>} : memref<200x64xf32, #tpu.memory_space<vmem>>, vector<1x16xf32>,
      %swap3A_552 = vector.shape_cast %swap3A_551 : vector<1x16xf32> to vector<16xf32>
      %swap3A_553 = vector.shape_cast %mul3A_546 : vector<16xf32> to vector<1x16xf32>
      tpu.vector_store %arg12[%swap3A_549, %swap3A_550], %swap3A_553 {strides = array<i32>} : memref<200x64xf32, #tpu.memory_space<vmem>>, vector<1x16xf32>,
      %mul3A_554 = arith.constant 8 : i32
      %mul3A_555 = arith.muli %scan3A_396, %mul3A_554 : i32
      %get3A_556 = arith.index_cast %mul3A_555 : i32 to index
      %get3A_557 = arith.constant 32 : index
      %get3A_558 = tpu.vector_load %arg10[%get3A_556, %get3A_557] {strides = array<i32>} : memref<400x64xf32, #tpu.memory_space<vmem>>, vector<1x16xf32>,
      %get3A_559 = vector.shape_cast %get3A_558 : vector<1x16xf32> to vector<16xf32>
      %mul3A_560 = arith.constant 8 : i32
      %mul3A_561 = arith.muli %scan3A_396, %mul3A_560 : i32
      %add3A_562 = arith.constant 1 : i32
      %add3A_563 = arith.addi %mul3A_561, %add3A_562 : i32
      %get3A_564 = arith.index_cast %add3A_563 : i32 to index
      %get3A_565 = arith.constant 32 : index
      %get3A_566 = tpu.vector_load %arg10[%get3A_564, %get3A_565] {strides = array<i32>} : memref<400x64xf32, #tpu.memory_space<vmem>>, vector<1x16xf32>,
      %get3A_567 = vector.shape_cast %get3A_566 : vector<1x16xf32> to vector<16xf32>
      %add3A_568 = arith.addf %get3A_559, %get3A_567 : vector<16xf32>
      %mul3A_569 = arith.constant 8 : i32
      %mul3A_570 = arith.muli %scan3A_396, %mul3A_569 : i32
      %add3A_571 = arith.constant 2 : i32
      %add3A_572 = arith.addi %mul3A_570, %add3A_571 : i32
      %get3A_573 = arith.index_cast %add3A_572 : i32 to index
      %get3A_574 = arith.constant 32 : index
      %get3A_575 = tpu.vector_load %arg10[%get3A_573, %get3A_574] {strides = array<i32>} : memref<400x64xf32, #tpu.memory_space<vmem>>, vector<1x16xf32>,
      %get3A_576 = vector.shape_cast %get3A_575 : vector<1x16xf32> to vector<16xf32>
      %add3A_577 = arith.addf %add3A_568, %get3A_576 : vector<16xf32>
      %mul3A_578 = arith.constant 8 : i32
      %mul3A_579 = arith.muli %scan3A_396, %mul3A_578 : i32
      %add3A_580 = arith.constant 3 : i32
      %add3A_581 = arith.addi %mul3A_579, %add3A_580 : i32
      %get3A_582 = arith.index_cast %add3A_581 : i32 to index
      %get3A_583 = arith.constant 32 : index
      %get3A_584 = tpu.vector_load %arg10[%get3A_582, %get3A_583] {strides = array<i32>} : memref<400x64xf32, #tpu.memory_space<vmem>>, vector<1x16xf32>,
      %get3A_585 = vector.shape_cast %get3A_584 : vector<1x16xf32> to vector<16xf32>
      %add3A_586 = arith.addf %add3A_577, %get3A_585 : vector<16xf32>
      %mul3A_587 = arith.constant 8 : i32
      %mul3A_588 = arith.muli %scan3A_396, %mul3A_587 : i32
      %add3A_589 = arith.constant 4 : i32
      %add3A_590 = arith.addi %mul3A_588, %add3A_589 : i32
      %get3A_591 = arith.index_cast %add3A_590 : i32 to index
      %get3A_592 = arith.constant 32 : index
      %get3A_593 = tpu.vector_load %arg10[%get3A_591, %get3A_592] {strides = array<i32>} : memref<400x64xf32, #tpu.memory_space<vmem>>, vector<1x16xf32>,
      %get3A_594 = vector.shape_cast %get3A_593 : vector<1x16xf32> to vector<16xf32>
      %add3A_595 = arith.addf %add3A_586, %get3A_594 : vector<16xf32>
      %mul3A_596 = arith.constant 8 : i32
      %mul3A_597 = arith.muli %scan3A_396, %mul3A_596 : i32
      %add3A_598 = arith.constant 5 : i32
      %add3A_599 = arith.addi %mul3A_597, %add3A_598 : i32
      %get3A_600 = arith.index_cast %add3A_599 : i32 to index
      %get3A_601 = arith.constant 32 : index
      %get3A_602 = tpu.vector_load %arg10[%get3A_600, %get3A_601] {strides = array<i32>} : memref<400x64xf32, #tpu.memory_space<vmem>>, vector<1x16xf32>,
      %get3A_603 = vector.shape_cast %get3A_602 : vector<1x16xf32> to vector<16xf32>
      %add3A_604 = arith.addf %add3A_595, %get3A_603 : vector<16xf32>
      %mul3A_605 = arith.constant 8 : i32
      %mul3A_606 = arith.muli %scan3A_396, %mul3A_605 : i32
      %add3A_607 = arith.constant 6 : i32
      %add3A_608 = arith.addi %mul3A_606, %add3A_607 : i32
      %get3A_609 = arith.index_cast %add3A_608 : i32 to index
      %get3A_610 = arith.constant 32 : index
      %get3A_611 = tpu.vector_load %arg10[%get3A_609, %get3A_610] {strides = array<i32>} : memref<400x64xf32, #tpu.memory_space<vmem>>, vector<1x16xf32>,
      %get3A_612 = vector.shape_cast %get3A_611 : vector<1x16xf32> to vector<16xf32>
      %add3A_613 = arith.addf %add3A_604, %get3A_612 : vector<16xf32>
      %mul3A_614 = arith.constant 8 : i32
      %mul3A_615 = arith.muli %scan3A_396, %mul3A_614 : i32
      %add3A_616 = arith.constant 7 : i32
      %add3A_617 = arith.addi %mul3A_615, %add3A_616 : i32
      %get3A_618 = arith.index_cast %add3A_617 : i32 to index
      %get3A_619 = arith.constant 32 : index
      %get3A_620 = tpu.vector_load %arg10[%get3A_618, %get3A_619] {strides = array<i32>} : memref<400x64xf32, #tpu.memory_space<vmem>>, vector<1x16xf32>,
      %get3A_621 = vector.shape_cast %get3A_620 : vector<1x16xf32> to vector<16xf32>
      %add3A_622 = arith.addf %add3A_613, %get3A_621 : vector<16xf32>
      %mul3A_623 = arith.constant 1.250000e-01 : f32
      %mul3A_624 = vector.broadcast %mul3A_623 : f32 to vector<16xf32>
      %mul3A_625 = arith.mulf %add3A_622, %mul3A_624 : vector<16xf32>
      %add3A_626 = arith.constant 100 : i32
      %add3A_627 = arith.addi %add3A_626, %scan3A_396 : i32
      %swap3A_628 = arith.index_cast %add3A_627 : i32 to index
      %swap3A_629 = arith.constant 32 : index
      %swap3A_630 = tpu.vector_load %arg12[%swap3A_628, %swap3A_629] {strides = array<i32>} : memref<200x64xf32, #tpu.memory_space<vmem>>, vector<1x16xf32>,
      %swap3A_631 = vector.shape_cast %swap3A_630 : vector<1x16xf32> to vector<16xf32>
      %swap3A_632 = vector.shape_cast %mul3A_625 : vector<16xf32> to vector<1x16xf32>
      tpu.vector_store %arg12[%swap3A_628, %swap3A_629], %swap3A_632 {strides = array<i32>} : memref<200x64xf32, #tpu.memory_space<vmem>>, vector<1x16xf32>,
      %mul3A_633 = arith.constant 8 : i32
      %mul3A_634 = arith.muli %scan3A_396, %mul3A_633 : i32
      %get3A_635 = arith.index_cast %mul3A_634 : i32 to index
      %get3A_636 = arith.constant 48 : index
      %get3A_637 = tpu.vector_load %arg10[%get3A_635, %get3A_636] {strides = array<i32>} : memref<400x64xf32, #tpu.memory_space<vmem>>, vector<1x16xf32>,
      %get3A_638 = vector.shape_cast %get3A_637 : vector<1x16xf32> to vector<16xf32>
      %mul3A_639 = arith.constant 8 : i32
      %mul3A_640 = arith.muli %scan3A_396, %mul3A_639 : i32
      %add3A_641 = arith.constant 1 : i32
      %add3A_642 = arith.addi %mul3A_640, %add3A_641 : i32
      %get3A_643 = arith.index_cast %add3A_642 : i32 to index
      %get3A_644 = arith.constant 48 : index
      %get3A_645 = tpu.vector_load %arg10[%get3A_643, %get3A_644] {strides = array<i32>} : memref<400x64xf32, #tpu.memory_space<vmem>>, vector<1x16xf32>,
      %get3A_646 = vector.shape_cast %get3A_645 : vector<1x16xf32> to vector<16xf32>
      %add3A_647 = arith.addf %get3A_638, %get3A_646 : vector<16xf32>
      %mul3A_648 = arith.constant 8 : i32
      %mul3A_649 = arith.muli %scan3A_396, %mul3A_648 : i32
      %add3A_650 = arith.constant 2 : i32
      %add3A_651 = arith.addi %mul3A_649, %add3A_650 : i32
      %get3A_652 = arith.index_cast %add3A_651 : i32 to index
      %get3A_653 = arith.constant 48 : index
      %get3A_654 = tpu.vector_load %arg10[%get3A_652, %get3A_653] {strides = array<i32>} : memref<400x64xf32, #tpu.memory_space<vmem>>, vector<1x16xf32>,
      %get3A_655 = vector.shape_cast %get3A_654 : vector<1x16xf32> to vector<16xf32>
      %add3A_656 = arith.addf %add3A_647, %get3A_655 : vector<16xf32>
      %mul3A_657 = arith.constant 8 : i32
      %mul3A_658 = arith.muli %scan3A_396, %mul3A_657 : i32
      %add3A_659 = arith.constant 3 : i32
      %add3A_660 = arith.addi %mul3A_658, %add3A_659 : i32
      %get3A_661 = arith.index_cast %add3A_660 : i32 to index
      %get3A_662 = arith.constant 48 : index
      %get3A_663 = tpu.vector_load %arg10[%get3A_661, %get3A_662] {strides = array<i32>} : memref<400x64xf32, #tpu.memory_space<vmem>>, vector<1x16xf32>,
      %get3A_664 = vector.shape_cast %get3A_663 : vector<1x16xf32> to vector<16xf32>
      %add3A_665 = arith.addf %add3A_656, %get3A_664 : vector<16xf32>
      %mul3A_666 = arith.constant 8 : i32
      %mul3A_667 = arith.muli %scan3A_396, %mul3A_666 : i32
      %add3A_668 = arith.constant 4 : i32
      %add3A_669 = arith.addi %mul3A_667, %add3A_668 : i32
      %get3A_670 = arith.index_cast %add3A_669 : i32 to index
      %get3A_671 = arith.constant 48 : index
      %get3A_672 = tpu.vector_load %arg10[%get3A_670, %get3A_671] {strides = array<i32>} : memref<400x64xf32, #tpu.memory_space<vmem>>, vector<1x16xf32>,
      %get3A_673 = vector.shape_cast %get3A_672 : vector<1x16xf32> to vector<16xf32>
      %add3A_674 = arith.addf %add3A_665, %get3A_673 : vector<16xf32>
      %mul3A_675 = arith.constant 8 : i32
      %mul3A_676 = arith.muli %scan3A_396, %mul3A_675 : i32
      %add3A_677 = arith.constant 5 : i32
      %add3A_678 = arith.addi %mul3A_676, %add3A_677 : i32
      %get3A_679 = arith.index_cast %add3A_678 : i32 to index
      %get3A_680 = arith.constant 48 : index
      %get3A_681 = tpu.vector_load %arg10[%get3A_679, %get3A_680] {strides = array<i32>} : memref<400x64xf32, #tpu.memory_space<vmem>>, vector<1x16xf32>,
      %get3A_682 = vector.shape_cast %get3A_681 : vector<1x16xf32> to vector<16xf32>
      %add3A_683 = arith.addf %add3A_674, %get3A_682 : vector<16xf32>
      %mul3A_684 = arith.constant 8 : i32
      %mul3A_685 = arith.muli %scan3A_396, %mul3A_684 : i32
      %add3A_686 = arith.constant 6 : i32
      %add3A_687 = arith.addi %mul3A_685, %add3A_686 : i32
      %get3A_688 = arith.index_cast %add3A_687 : i32 to index
      %get3A_689 = arith.constant 48 : index
      %get3A_690 = tpu.vector_load %arg10[%get3A_688, %get3A_689] {strides = array<i32>} : memref<400x64xf32, #tpu.memory_space<vmem>>, vector<1x16xf32>,
      %get3A_691 = vector.shape_cast %get3A_690 : vector<1x16xf32> to vector<16xf32>
      %add3A_692 = arith.addf %add3A_683, %get3A_691 : vector<16xf32>
      %mul3A_693 = arith.constant 8 : i32
      %mul3A_694 = arith.muli %scan3A_396, %mul3A_693 : i32
      %add3A_695 = arith.constant 7 : i32
      %add3A_696 = arith.addi %mul3A_694, %add3A_695 : i32
      %get3A_697 = arith.index_cast %add3A_696 : i32 to index
      %get3A_698 = arith.constant 48 : index
      %get3A_699 = tpu.vector_load %arg10[%get3A_697, %get3A_698] {strides = array<i32>} : memref<400x64xf32, #tpu.memory_space<vmem>>, vector<1x16xf32>,
      %get3A_700 = vector.shape_cast %get3A_699 : vector<1x16xf32> to vector<16xf32>
      %add3A_701 = arith.addf %add3A_692, %get3A_700 : vector<16xf32>
      %mul3A_702 = arith.constant 1.250000e-01 : f32
      %mul3A_703 = vector.broadcast %mul3A_702 : f32 to vector<16xf32>
      %mul3A_704 = arith.mulf %add3A_701, %mul3A_703 : vector<16xf32>
      %add3A_705 = arith.constant 100 : i32
      %add3A_706 = arith.addi %add3A_705, %scan3A_396 : i32
      %swap3A_707 = arith.index_cast %add3A_706 : i32 to index
      %swap3A_708 = arith.constant 48 : index
      %swap3A_709 = tpu.vector_load %arg12[%swap3A_707, %swap3A_708] {strides = array<i32>} : memref<200x64xf32, #tpu.memory_space<vmem>>, vector<1x16xf32>,
      %swap3A_710 = vector.shape_cast %swap3A_709 : vector<1x16xf32> to vector<16xf32>
      %swap3A_711 = vector.shape_cast %mul3A_704 : vector<16xf32> to vector<1x16xf32>
      tpu.vector_store %arg12[%swap3A_707, %swap3A_708], %swap3A_711 {strides = array<i32>} : memref<200x64xf32, #tpu.memory_space<vmem>>, vector<1x16xf32>,
      %scan3A_712 = arith.constant 0 : i32
      scf.yield %scan3A_712 : i32
    }
    %scan3A_324 = arith.constant 50 : i32
    %dma_wait3A_325 = arith.constant 12 : i32
    %dma_wait3A_326 = arith.constant 0 : i32
    %dma_wait3A_327 = arith.constant 0 : i32
    %dma_wait3A_328 = tpu.memref_slice %arg11[%dma_wait3A_326, %dma_wait3A_327] : memref<400x64xf32, #tpu.memory_space<vmem>> -> memref<100x64xf32, #tpu.memory_space<vmem>>
    %dma_wait3A_329 = arith.constant 0 : i32
    %dma_wait3A_330 = tpu.memref_slice %arg8[%dma_wait3A_325, %dma_wait3A_329] : memref<16x100xi32, #tpu.memory_space<vmem>> -> memref<1x100xi32, #tpu.memory_space<vmem>>
    %dma_wait3A_331 = tpu.memref_squeeze %dma_wait3A_330 : memref<1x100xi32, #tpu.memory_space<vmem>> -> memref<100xi32, #tpu.memory_space<vmem>>
    %dma_wait3A_332 = arith.constant 0 : i32
    %dma_wait3A_333 = arith.constant 0 : i32
    %dma_wait3A_334 = tpu.memref_slice %arg14[%dma_wait3A_332, %dma_wait3A_333] : memref<2000x64xf32, #tpu.memory_space<vmem_shared>> -> memref<2000x64xf32, #tpu.memory_space<vmem_shared>>
    tpu.wait_indirect_dma semaphore(%arg16 : memref<!tpu.dma_semaphore, #tpu.memory_space<semaphore_mem>>) src(%dma_wait3A_334 : memref<2000x64xf32, #tpu.memory_space<vmem_shared>>) dst(%dma_wait3A_328 : memref<100x64xf32, #tpu.memory_space<vmem>>)
    %dma_wait3A_335 = arith.constant 13 : i32
    %dma_wait3A_336 = arith.constant 100 : i32
    %dma_wait3A_337 = arith.constant 0 : i32
    %dma_wait3A_338 = tpu.memref_slice %arg11[%dma_wait3A_336, %dma_wait3A_337] : memref<400x64xf32, #tpu.memory_space<vmem>> -> memref<100x64xf32, #tpu.memory_space<vmem>>
    %dma_wait3A_339 = arith.constant 0 : i32
    %dma_wait3A_340 = tpu.memref_slice %arg8[%dma_wait3A_335, %dma_wait3A_339] : memref<16x100xi32, #tpu.memory_space<vmem>> -> memref<1x100xi32, #tpu.memory_space<vmem>>
    %dma_wait3A_341 = tpu.memref_squeeze %dma_wait3A_340 : memref<1x100xi32, #tpu.memory_space<vmem>> -> memref<100xi32, #tpu.memory_space<vmem>>
    %dma_wait3A_342 = arith.constant 0 : i32
    %dma_wait3A_343 = arith.constant 0 : i32
    %dma_wait3A_344 = tpu.memref_slice %arg14[%dma_wait3A_342, %dma_wait3A_343] : memref<2000x64xf32, #tpu.memory_space<vmem_shared>> -> memref<2000x64xf32, #tpu.memory_space<vmem_shared>>
    tpu.wait_indirect_dma semaphore(%arg16 : memref<!tpu.dma_semaphore, #tpu.memory_space<semaphore_mem>>) src(%dma_wait3A_344 : memref<2000x64xf32, #tpu.memory_space<vmem_shared>>) dst(%dma_wait3A_338 : memref<100x64xf32, #tpu.memory_space<vmem>>)
    %dma_wait3A_345 = arith.constant 14 : i32
    %dma_wait3A_346 = arith.constant 200 : i32
    %dma_wait3A_347 = arith.constant 0 : i32
    %dma_wait3A_348 = tpu.memref_slice %arg11[%dma_wait3A_346, %dma_wait3A_347] : memref<400x64xf32, #tpu.memory_space<vmem>> -> memref<100x64xf32, #tpu.memory_space<vmem>>
    %dma_wait3A_349 = arith.constant 0 : i32
    %dma_wait3A_350 = tpu.memref_slice %arg8[%dma_wait3A_345, %dma_wait3A_349] : memref<16x100xi32, #tpu.memory_space<vmem>> -> memref<1x100xi32, #tpu.memory_space<vmem>>
    %dma_wait3A_351 = tpu.memref_squeeze %dma_wait3A_350 : memref<1x100xi32, #tpu.memory_space<vmem>> -> memref<100xi32, #tpu.memory_space<vmem>>
    %dma_wait3A_352 = arith.constant 0 : i32
    %dma_wait3A_353 = arith.constant 0 : i32
    %dma_wait3A_354 = tpu.memref_slice %arg14[%dma_wait3A_352, %dma_wait3A_353] : memref<2000x64xf32, #tpu.memory_space<vmem_shared>> -> memref<2000x64xf32, #tpu.memory_space<vmem_shared>>
    tpu.wait_indirect_dma semaphore(%arg16 : memref<!tpu.dma_semaphore, #tpu.memory_space<semaphore_mem>>) src(%dma_wait3A_354 : memref<2000x64xf32, #tpu.memory_space<vmem_shared>>) dst(%dma_wait3A_348 : memref<100x64xf32, #tpu.memory_space<vmem>>)
    %dma_wait3A_355 = arith.constant 15 : i32
    %dma_wait3A_356 = arith.constant 300 : i32
    %dma_wait3A_357 = arith.constant 0 : i32
    %dma_wait3A_358 = tpu.memref_slice %arg11[%dma_wait3A_356, %dma_wait3A_357] : memref<400x64xf32, #tpu.memory_space<vmem>> -> memref<100x64xf32, #tpu.memory_space<vmem>>
    %dma_wait3A_359 = arith.constant 0 : i32
    %dma_wait3A_360 = tpu.memref_slice %arg8[%dma_wait3A_355, %dma_wait3A_359] : memref<16x100xi32, #tpu.memory_space<vmem>> -> memref<1x100xi32, #tpu.memory_space<vmem>>
    %dma_wait3A_361 = tpu.memref_squeeze %dma_wait3A_360 : memref<1x100xi32, #tpu.memory_space<vmem>> -> memref<100xi32, #tpu.memory_space<vmem>>
    %dma_wait3A_362 = arith.constant 0 : i32
    %dma_wait3A_363 = arith.constant 0 : i32
    %dma_wait3A_364 = tpu.memref_slice %arg14[%dma_wait3A_362, %dma_wait3A_363] : memref<2000x64xf32, #tpu.memory_space<vmem_shared>> -> memref<2000x64xf32, #tpu.memory_space<vmem_shared>>
    tpu.wait_indirect_dma semaphore(%arg16 : memref<!tpu.dma_semaphore, #tpu.memory_space<semaphore_mem>>) src(%dma_wait3A_364 : memref<2000x64xf32, #tpu.memory_space<vmem_shared>>) dst(%dma_wait3A_358 : memref<100x64xf32, #tpu.memory_space<vmem>>)
    %scan3A_365 = arith.constant 0 : i32
    %scan3A_366 = arith.constant 0 : i32
    %scan3A_367 = arith.constant 50 : i32
    %scan3A_368 = arith.addi %scan3A_366, %scan3A_367 : i32
    %scan3A_369 = arith.constant 1 : i32
    %scan3A_370 = scf.for %scan3A_396 = %scan3A_366 to %scan3A_368 step %scan3A_369 iter_args(%scan3A_397 = %scan3A_365) -> (i32)  : i32 {
      %mul3A_398 = arith.constant 8 : i32
      %mul3A_399 = arith.muli %scan3A_396, %mul3A_398 : i32
      %get3A = arith.index_cast %mul3A_399 : i32 to index
      %get3A_400 = arith.constant 0 : index
      %get3A_401 = tpu.vector_load %arg11[%get3A, %get3A_400] {strides = array<i32>} : memref<400x64xf32, #tpu.memory_space<vmem>>, vector<1x16xf32>,
      %get3A_402 = vector.shape_cast %get3A_401 : vector<1x16xf32> to vector<16xf32>
      %mul3A_403 = arith.constant 8 : i32
      %mul3A_404 = arith.muli %scan3A_396, %mul3A_403 : i32
      %add3A_405 = arith.constant 1 : i32
      %add3A_406 = arith.addi %mul3A_404, %add3A_405 : i32
      %get3A_407 = arith.index_cast %add3A_406 : i32 to index
      %get3A_408 = arith.constant 0 : index
      %get3A_409 = tpu.vector_load %arg11[%get3A_407, %get3A_408] {strides = array<i32>} : memref<400x64xf32, #tpu.memory_space<vmem>>, vector<1x16xf32>,
      %get3A_410 = vector.shape_cast %get3A_409 : vector<1x16xf32> to vector<16xf32>
      %add3A_411 = arith.addf %get3A_402, %get3A_410 : vector<16xf32>
      %mul3A_412 = arith.constant 8 : i32
      %mul3A_413 = arith.muli %scan3A_396, %mul3A_412 : i32
      %add3A_414 = arith.constant 2 : i32
      %add3A_415 = arith.addi %mul3A_413, %add3A_414 : i32
      %get3A_416 = arith.index_cast %add3A_415 : i32 to index
      %get3A_417 = arith.constant 0 : index
      %get3A_418 = tpu.vector_load %arg11[%get3A_416, %get3A_417] {strides = array<i32>} : memref<400x64xf32, #tpu.memory_space<vmem>>, vector<1x16xf32>,
      %get3A_419 = vector.shape_cast %get3A_418 : vector<1x16xf32> to vector<16xf32>
      %add3A_420 = arith.addf %add3A_411, %get3A_419 : vector<16xf32>
      %mul3A_421 = arith.constant 8 : i32
      %mul3A_422 = arith.muli %scan3A_396, %mul3A_421 : i32
      %add3A_423 = arith.constant 3 : i32
      %add3A_424 = arith.addi %mul3A_422, %add3A_423 : i32
      %get3A_425 = arith.index_cast %add3A_424 : i32 to index
      %get3A_426 = arith.constant 0 : index
      %get3A_427 = tpu.vector_load %arg11[%get3A_425, %get3A_426] {strides = array<i32>} : memref<400x64xf32, #tpu.memory_space<vmem>>, vector<1x16xf32>,
      %get3A_428 = vector.shape_cast %get3A_427 : vector<1x16xf32> to vector<16xf32>
      %add3A_429 = arith.addf %add3A_420, %get3A_428 : vector<16xf32>
      %mul3A_430 = arith.constant 8 : i32
      %mul3A_431 = arith.muli %scan3A_396, %mul3A_430 : i32
      %add3A_432 = arith.constant 4 : i32
      %add3A_433 = arith.addi %mul3A_431, %add3A_432 : i32
      %get3A_434 = arith.index_cast %add3A_433 : i32 to index
      %get3A_435 = arith.constant 0 : index
      %get3A_436 = tpu.vector_load %arg11[%get3A_434, %get3A_435] {strides = array<i32>} : memref<400x64xf32, #tpu.memory_space<vmem>>, vector<1x16xf32>,
      %get3A_437 = vector.shape_cast %get3A_436 : vector<1x16xf32> to vector<16xf32>
      %add3A_438 = arith.addf %add3A_429, %get3A_437 : vector<16xf32>
      %mul3A_439 = arith.constant 8 : i32
      %mul3A_440 = arith.muli %scan3A_396, %mul3A_439 : i32
      %add3A_441 = arith.constant 5 : i32
      %add3A_442 = arith.addi %mul3A_440, %add3A_441 : i32
      %get3A_443 = arith.index_cast %add3A_442 : i32 to index
      %get3A_444 = arith.constant 0 : index
      %get3A_445 = tpu.vector_load %arg11[%get3A_443, %get3A_444] {strides = array<i32>} : memref<400x64xf32, #tpu.memory_space<vmem>>, vector<1x16xf32>,
      %get3A_446 = vector.shape_cast %get3A_445 : vector<1x16xf32> to vector<16xf32>
      %add3A_447 = arith.addf %add3A_438, %get3A_446 : vector<16xf32>
      %mul3A_448 = arith.constant 8 : i32
      %mul3A_449 = arith.muli %scan3A_396, %mul3A_448 : i32
      %add3A_450 = arith.constant 6 : i32
      %add3A_451 = arith.addi %mul3A_449, %add3A_450 : i32
      %get3A_452 = arith.index_cast %add3A_451 : i32 to index
      %get3A_453 = arith.constant 0 : index
      %get3A_454 = tpu.vector_load %arg11[%get3A_452, %get3A_453] {strides = array<i32>} : memref<400x64xf32, #tpu.memory_space<vmem>>, vector<1x16xf32>,
      %get3A_455 = vector.shape_cast %get3A_454 : vector<1x16xf32> to vector<16xf32>
      %add3A_456 = arith.addf %add3A_447, %get3A_455 : vector<16xf32>
      %mul3A_457 = arith.constant 8 : i32
      %mul3A_458 = arith.muli %scan3A_396, %mul3A_457 : i32
      %add3A_459 = arith.constant 7 : i32
      %add3A_460 = arith.addi %mul3A_458, %add3A_459 : i32
      %get3A_461 = arith.index_cast %add3A_460 : i32 to index
      %get3A_462 = arith.constant 0 : index
      %get3A_463 = tpu.vector_load %arg11[%get3A_461, %get3A_462] {strides = array<i32>} : memref<400x64xf32, #tpu.memory_space<vmem>>, vector<1x16xf32>,
      %get3A_464 = vector.shape_cast %get3A_463 : vector<1x16xf32> to vector<16xf32>
      %add3A_465 = arith.addf %add3A_456, %get3A_464 : vector<16xf32>
      %mul3A_466 = arith.constant 1.250000e-01 : f32
      %mul3A_467 = vector.broadcast %mul3A_466 : f32 to vector<16xf32>
      %mul3A_468 = arith.mulf %add3A_465, %mul3A_467 : vector<16xf32>
      %add3A_469 = arith.constant 150 : i32
      %add3A_470 = arith.addi %add3A_469, %scan3A_396 : i32
      %swap3A = arith.index_cast %add3A_470 : i32 to index
      %swap3A_471 = arith.constant 0 : index
      %swap3A_472 = tpu.vector_load %arg12[%swap3A, %swap3A_471] {strides = array<i32>} : memref<200x64xf32, #tpu.memory_space<vmem>>, vector<1x16xf32>,
      %swap3A_473 = vector.shape_cast %swap3A_472 : vector<1x16xf32> to vector<16xf32>
      %swap3A_474 = vector.shape_cast %mul3A_468 : vector<16xf32> to vector<1x16xf32>
      tpu.vector_store %arg12[%swap3A, %swap3A_471], %swap3A_474 {strides = array<i32>} : memref<200x64xf32, #tpu.memory_space<vmem>>, vector<1x16xf32>,
      %mul3A_475 = arith.constant 8 : i32
      %mul3A_476 = arith.muli %scan3A_396, %mul3A_475 : i32
      %get3A_477 = arith.index_cast %mul3A_476 : i32 to index
      %get3A_478 = arith.constant 16 : index
      %get3A_479 = tpu.vector_load %arg11[%get3A_477, %get3A_478] {strides = array<i32>} : memref<400x64xf32, #tpu.memory_space<vmem>>, vector<1x16xf32>,
      %get3A_480 = vector.shape_cast %get3A_479 : vector<1x16xf32> to vector<16xf32>
      %mul3A_481 = arith.constant 8 : i32
      %mul3A_482 = arith.muli %scan3A_396, %mul3A_481 : i32
      %add3A_483 = arith.constant 1 : i32
      %add3A_484 = arith.addi %mul3A_482, %add3A_483 : i32
      %get3A_485 = arith.index_cast %add3A_484 : i32 to index
      %get3A_486 = arith.constant 16 : index
      %get3A_487 = tpu.vector_load %arg11[%get3A_485, %get3A_486] {strides = array<i32>} : memref<400x64xf32, #tpu.memory_space<vmem>>, vector<1x16xf32>,
      %get3A_488 = vector.shape_cast %get3A_487 : vector<1x16xf32> to vector<16xf32>
      %add3A_489 = arith.addf %get3A_480, %get3A_488 : vector<16xf32>
      %mul3A_490 = arith.constant 8 : i32
      %mul3A_491 = arith.muli %scan3A_396, %mul3A_490 : i32
      %add3A_492 = arith.constant 2 : i32
      %add3A_493 = arith.addi %mul3A_491, %add3A_492 : i32
      %get3A_494 = arith.index_cast %add3A_493 : i32 to index
      %get3A_495 = arith.constant 16 : index
      %get3A_496 = tpu.vector_load %arg11[%get3A_494, %get3A_495] {strides = array<i32>} : memref<400x64xf32, #tpu.memory_space<vmem>>, vector<1x16xf32>,
      %get3A_497 = vector.shape_cast %get3A_496 : vector<1x16xf32> to vector<16xf32>
      %add3A_498 = arith.addf %add3A_489, %get3A_497 : vector<16xf32>
      %mul3A_499 = arith.constant 8 : i32
      %mul3A_500 = arith.muli %scan3A_396, %mul3A_499 : i32
      %add3A_501 = arith.constant 3 : i32
      %add3A_502 = arith.addi %mul3A_500, %add3A_501 : i32
      %get3A_503 = arith.index_cast %add3A_502 : i32 to index
      %get3A_504 = arith.constant 16 : index
      %get3A_505 = tpu.vector_load %arg11[%get3A_503, %get3A_504] {strides = array<i32>} : memref<400x64xf32, #tpu.memory_space<vmem>>, vector<1x16xf32>,
      %get3A_506 = vector.shape_cast %get3A_505 : vector<1x16xf32> to vector<16xf32>
      %add3A_507 = arith.addf %add3A_498, %get3A_506 : vector<16xf32>
      %mul3A_508 = arith.constant 8 : i32
      %mul3A_509 = arith.muli %scan3A_396, %mul3A_508 : i32
      %add3A_510 = arith.constant 4 : i32
      %add3A_511 = arith.addi %mul3A_509, %add3A_510 : i32
      %get3A_512 = arith.index_cast %add3A_511 : i32 to index
      %get3A_513 = arith.constant 16 : index
      %get3A_514 = tpu.vector_load %arg11[%get3A_512, %get3A_513] {strides = array<i32>} : memref<400x64xf32, #tpu.memory_space<vmem>>, vector<1x16xf32>,
      %get3A_515 = vector.shape_cast %get3A_514 : vector<1x16xf32> to vector<16xf32>
      %add3A_516 = arith.addf %add3A_507, %get3A_515 : vector<16xf32>
      %mul3A_517 = arith.constant 8 : i32
      %mul3A_518 = arith.muli %scan3A_396, %mul3A_517 : i32
      %add3A_519 = arith.constant 5 : i32
      %add3A_520 = arith.addi %mul3A_518, %add3A_519 : i32
      %get3A_521 = arith.index_cast %add3A_520 : i32 to index
      %get3A_522 = arith.constant 16 : index
      %get3A_523 = tpu.vector_load %arg11[%get3A_521, %get3A_522] {strides = array<i32>} : memref<400x64xf32, #tpu.memory_space<vmem>>, vector<1x16xf32>,
      %get3A_524 = vector.shape_cast %get3A_523 : vector<1x16xf32> to vector<16xf32>
      %add3A_525 = arith.addf %add3A_516, %get3A_524 : vector<16xf32>
      %mul3A_526 = arith.constant 8 : i32
      %mul3A_527 = arith.muli %scan3A_396, %mul3A_526 : i32
      %add3A_528 = arith.constant 6 : i32
      %add3A_529 = arith.addi %mul3A_527, %add3A_528 : i32
      %get3A_530 = arith.index_cast %add3A_529 : i32 to index
      %get3A_531 = arith.constant 16 : index
      %get3A_532 = tpu.vector_load %arg11[%get3A_530, %get3A_531] {strides = array<i32>} : memref<400x64xf32, #tpu.memory_space<vmem>>, vector<1x16xf32>,
      %get3A_533 = vector.shape_cast %get3A_532 : vector<1x16xf32> to vector<16xf32>
      %add3A_534 = arith.addf %add3A_525, %get3A_533 : vector<16xf32>
      %mul3A_535 = arith.constant 8 : i32
      %mul3A_536 = arith.muli %scan3A_396, %mul3A_535 : i32
      %add3A_537 = arith.constant 7 : i32
      %add3A_538 = arith.addi %mul3A_536, %add3A_537 : i32
      %get3A_539 = arith.index_cast %add3A_538 : i32 to index
      %get3A_540 = arith.constant 16 : index
      %get3A_541 = tpu.vector_load %arg11[%get3A_539, %get3A_540] {strides = array<i32>} : memref<400x64xf32, #tpu.memory_space<vmem>>, vector<1x16xf32>,
      %get3A_542 = vector.shape_cast %get3A_541 : vector<1x16xf32> to vector<16xf32>
      %add3A_543 = arith.addf %add3A_534, %get3A_542 : vector<16xf32>
      %mul3A_544 = arith.constant 1.250000e-01 : f32
      %mul3A_545 = vector.broadcast %mul3A_544 : f32 to vector<16xf32>
      %mul3A_546 = arith.mulf %add3A_543, %mul3A_545 : vector<16xf32>
      %add3A_547 = arith.constant 150 : i32
      %add3A_548 = arith.addi %add3A_547, %scan3A_396 : i32
      %swap3A_549 = arith.index_cast %add3A_548 : i32 to index
      %swap3A_550 = arith.constant 16 : index
      %swap3A_551 = tpu.vector_load %arg12[%swap3A_549, %swap3A_550] {strides = array<i32>} : memref<200x64xf32, #tpu.memory_space<vmem>>, vector<1x16xf32>,
      %swap3A_552 = vector.shape_cast %swap3A_551 : vector<1x16xf32> to vector<16xf32>
      %swap3A_553 = vector.shape_cast %mul3A_546 : vector<16xf32> to vector<1x16xf32>
      tpu.vector_store %arg12[%swap3A_549, %swap3A_550], %swap3A_553 {strides = array<i32>} : memref<200x64xf32, #tpu.memory_space<vmem>>, vector<1x16xf32>,
      %mul3A_554 = arith.constant 8 : i32
      %mul3A_555 = arith.muli %scan3A_396, %mul3A_554 : i32
      %get3A_556 = arith.index_cast %mul3A_555 : i32 to index
      %get3A_557 = arith.constant 32 : index
      %get3A_558 = tpu.vector_load %arg11[%get3A_556, %get3A_557] {strides = array<i32>} : memref<400x64xf32, #tpu.memory_space<vmem>>, vector<1x16xf32>,
      %get3A_559 = vector.shape_cast %get3A_558 : vector<1x16xf32> to vector<16xf32>
      %mul3A_560 = arith.constant 8 : i32
      %mul3A_561 = arith.muli %scan3A_396, %mul3A_560 : i32
      %add3A_562 = arith.constant 1 : i32
      %add3A_563 = arith.addi %mul3A_561, %add3A_562 : i32
      %get3A_564 = arith.index_cast %add3A_563 : i32 to index
      %get3A_565 = arith.constant 32 : index
      %get3A_566 = tpu.vector_load %arg11[%get3A_564, %get3A_565] {strides = array<i32>} : memref<400x64xf32, #tpu.memory_space<vmem>>, vector<1x16xf32>,
      %get3A_567 = vector.shape_cast %get3A_566 : vector<1x16xf32> to vector<16xf32>
      %add3A_568 = arith.addf %get3A_559, %get3A_567 : vector<16xf32>
      %mul3A_569 = arith.constant 8 : i32
      %mul3A_570 = arith.muli %scan3A_396, %mul3A_569 : i32
      %add3A_571 = arith.constant 2 : i32
      %add3A_572 = arith.addi %mul3A_570, %add3A_571 : i32
      %get3A_573 = arith.index_cast %add3A_572 : i32 to index
      %get3A_574 = arith.constant 32 : index
      %get3A_575 = tpu.vector_load %arg11[%get3A_573, %get3A_574] {strides = array<i32>} : memref<400x64xf32, #tpu.memory_space<vmem>>, vector<1x16xf32>,
      %get3A_576 = vector.shape_cast %get3A_575 : vector<1x16xf32> to vector<16xf32>
      %add3A_577 = arith.addf %add3A_568, %get3A_576 : vector<16xf32>
      %mul3A_578 = arith.constant 8 : i32
      %mul3A_579 = arith.muli %scan3A_396, %mul3A_578 : i32
      %add3A_580 = arith.constant 3 : i32
      %add3A_581 = arith.addi %mul3A_579, %add3A_580 : i32
      %get3A_582 = arith.index_cast %add3A_581 : i32 to index
      %get3A_583 = arith.constant 32 : index
      %get3A_584 = tpu.vector_load %arg11[%get3A_582, %get3A_583] {strides = array<i32>} : memref<400x64xf32, #tpu.memory_space<vmem>>, vector<1x16xf32>,
      %get3A_585 = vector.shape_cast %get3A_584 : vector<1x16xf32> to vector<16xf32>
      %add3A_586 = arith.addf %add3A_577, %get3A_585 : vector<16xf32>
      %mul3A_587 = arith.constant 8 : i32
      %mul3A_588 = arith.muli %scan3A_396, %mul3A_587 : i32
      %add3A_589 = arith.constant 4 : i32
      %add3A_590 = arith.addi %mul3A_588, %add3A_589 : i32
      %get3A_591 = arith.index_cast %add3A_590 : i32 to index
      %get3A_592 = arith.constant 32 : index
      %get3A_593 = tpu.vector_load %arg11[%get3A_591, %get3A_592] {strides = array<i32>} : memref<400x64xf32, #tpu.memory_space<vmem>>, vector<1x16xf32>,
      %get3A_594 = vector.shape_cast %get3A_593 : vector<1x16xf32> to vector<16xf32>
      %add3A_595 = arith.addf %add3A_586, %get3A_594 : vector<16xf32>
      %mul3A_596 = arith.constant 8 : i32
      %mul3A_597 = arith.muli %scan3A_396, %mul3A_596 : i32
      %add3A_598 = arith.constant 5 : i32
      %add3A_599 = arith.addi %mul3A_597, %add3A_598 : i32
      %get3A_600 = arith.index_cast %add3A_599 : i32 to index
      %get3A_601 = arith.constant 32 : index
      %get3A_602 = tpu.vector_load %arg11[%get3A_600, %get3A_601] {strides = array<i32>} : memref<400x64xf32, #tpu.memory_space<vmem>>, vector<1x16xf32>,
      %get3A_603 = vector.shape_cast %get3A_602 : vector<1x16xf32> to vector<16xf32>
      %add3A_604 = arith.addf %add3A_595, %get3A_603 : vector<16xf32>
      %mul3A_605 = arith.constant 8 : i32
      %mul3A_606 = arith.muli %scan3A_396, %mul3A_605 : i32
      %add3A_607 = arith.constant 6 : i32
      %add3A_608 = arith.addi %mul3A_606, %add3A_607 : i32
      %get3A_609 = arith.index_cast %add3A_608 : i32 to index
      %get3A_610 = arith.constant 32 : index
      %get3A_611 = tpu.vector_load %arg11[%get3A_609, %get3A_610] {strides = array<i32>} : memref<400x64xf32, #tpu.memory_space<vmem>>, vector<1x16xf32>,
      %get3A_612 = vector.shape_cast %get3A_611 : vector<1x16xf32> to vector<16xf32>
      %add3A_613 = arith.addf %add3A_604, %get3A_612 : vector<16xf32>
      %mul3A_614 = arith.constant 8 : i32
      %mul3A_615 = arith.muli %scan3A_396, %mul3A_614 : i32
      %add3A_616 = arith.constant 7 : i32
      %add3A_617 = arith.addi %mul3A_615, %add3A_616 : i32
      %get3A_618 = arith.index_cast %add3A_617 : i32 to index
      %get3A_619 = arith.constant 32 : index
      %get3A_620 = tpu.vector_load %arg11[%get3A_618, %get3A_619] {strides = array<i32>} : memref<400x64xf32, #tpu.memory_space<vmem>>, vector<1x16xf32>,
      %get3A_621 = vector.shape_cast %get3A_620 : vector<1x16xf32> to vector<16xf32>
      %add3A_622 = arith.addf %add3A_613, %get3A_621 : vector<16xf32>
      %mul3A_623 = arith.constant 1.250000e-01 : f32
      %mul3A_624 = vector.broadcast %mul3A_623 : f32 to vector<16xf32>
      %mul3A_625 = arith.mulf %add3A_622, %mul3A_624 : vector<16xf32>
      %add3A_626 = arith.constant 150 : i32
      %add3A_627 = arith.addi %add3A_626, %scan3A_396 : i32
      %swap3A_628 = arith.index_cast %add3A_627 : i32 to index
      %swap3A_629 = arith.constant 32 : index
      %swap3A_630 = tpu.vector_load %arg12[%swap3A_628, %swap3A_629] {strides = array<i32>} : memref<200x64xf32, #tpu.memory_space<vmem>>, vector<1x16xf32>,
      %swap3A_631 = vector.shape_cast %swap3A_630 : vector<1x16xf32> to vector<16xf32>
      %swap3A_632 = vector.shape_cast %mul3A_625 : vector<16xf32> to vector<1x16xf32>
      tpu.vector_store %arg12[%swap3A_628, %swap3A_629], %swap3A_632 {strides = array<i32>} : memref<200x64xf32, #tpu.memory_space<vmem>>, vector<1x16xf32>,
      %mul3A_633 = arith.constant 8 : i32
      %mul3A_634 = arith.muli %scan3A_396, %mul3A_633 : i32
      %get3A_635 = arith.index_cast %mul3A_634 : i32 to index
      %get3A_636 = arith.constant 48 : index
      %get3A_637 = tpu.vector_load %arg11[%get3A_635, %get3A_636] {strides = array<i32>} : memref<400x64xf32, #tpu.memory_space<vmem>>, vector<1x16xf32>,
      %get3A_638 = vector.shape_cast %get3A_637 : vector<1x16xf32> to vector<16xf32>
      %mul3A_639 = arith.constant 8 : i32
      %mul3A_640 = arith.muli %scan3A_396, %mul3A_639 : i32
      %add3A_641 = arith.constant 1 : i32
      %add3A_642 = arith.addi %mul3A_640, %add3A_641 : i32
      %get3A_643 = arith.index_cast %add3A_642 : i32 to index
      %get3A_644 = arith.constant 48 : index
      %get3A_645 = tpu.vector_load %arg11[%get3A_643, %get3A_644] {strides = array<i32>} : memref<400x64xf32, #tpu.memory_space<vmem>>, vector<1x16xf32>,
      %get3A_646 = vector.shape_cast %get3A_645 : vector<1x16xf32> to vector<16xf32>
      %add3A_647 = arith.addf %get3A_638, %get3A_646 : vector<16xf32>
      %mul3A_648 = arith.constant 8 : i32
      %mul3A_649 = arith.muli %scan3A_396, %mul3A_648 : i32
      %add3A_650 = arith.constant 2 : i32
      %add3A_651 = arith.addi %mul3A_649, %add3A_650 : i32
      %get3A_652 = arith.index_cast %add3A_651 : i32 to index
      %get3A_653 = arith.constant 48 : index
      %get3A_654 = tpu.vector_load %arg11[%get3A_652, %get3A_653] {strides = array<i32>} : memref<400x64xf32, #tpu.memory_space<vmem>>, vector<1x16xf32>,
      %get3A_655 = vector.shape_cast %get3A_654 : vector<1x16xf32> to vector<16xf32>
      %add3A_656 = arith.addf %add3A_647, %get3A_655 : vector<16xf32>
      %mul3A_657 = arith.constant 8 : i32
      %mul3A_658 = arith.muli %scan3A_396, %mul3A_657 : i32
      %add3A_659 = arith.constant 3 : i32
      %add3A_660 = arith.addi %mul3A_658, %add3A_659 : i32
      %get3A_661 = arith.index_cast %add3A_660 : i32 to index
      %get3A_662 = arith.constant 48 : index
      %get3A_663 = tpu.vector_load %arg11[%get3A_661, %get3A_662] {strides = array<i32>} : memref<400x64xf32, #tpu.memory_space<vmem>>, vector<1x16xf32>,
      %get3A_664 = vector.shape_cast %get3A_663 : vector<1x16xf32> to vector<16xf32>
      %add3A_665 = arith.addf %add3A_656, %get3A_664 : vector<16xf32>
      %mul3A_666 = arith.constant 8 : i32
      %mul3A_667 = arith.muli %scan3A_396, %mul3A_666 : i32
      %add3A_668 = arith.constant 4 : i32
      %add3A_669 = arith.addi %mul3A_667, %add3A_668 : i32
      %get3A_670 = arith.index_cast %add3A_669 : i32 to index
      %get3A_671 = arith.constant 48 : index
      %get3A_672 = tpu.vector_load %arg11[%get3A_670, %get3A_671] {strides = array<i32>} : memref<400x64xf32, #tpu.memory_space<vmem>>, vector<1x16xf32>,
      %get3A_673 = vector.shape_cast %get3A_672 : vector<1x16xf32> to vector<16xf32>
      %add3A_674 = arith.addf %add3A_665, %get3A_673 : vector<16xf32>
      %mul3A_675 = arith.constant 8 : i32
      %mul3A_676 = arith.muli %scan3A_396, %mul3A_675 : i32
      %add3A_677 = arith.constant 5 : i32
      %add3A_678 = arith.addi %mul3A_676, %add3A_677 : i32
      %get3A_679 = arith.index_cast %add3A_678 : i32 to index
      %get3A_680 = arith.constant 48 : index
      %get3A_681 = tpu.vector_load %arg11[%get3A_679, %get3A_680] {strides = array<i32>} : memref<400x64xf32, #tpu.memory_space<vmem>>, vector<1x16xf32>,
      %get3A_682 = vector.shape_cast %get3A_681 : vector<1x16xf32> to vector<16xf32>
      %add3A_683 = arith.addf %add3A_674, %get3A_682 : vector<16xf32>
      %mul3A_684 = arith.constant 8 : i32
      %mul3A_685 = arith.muli %scan3A_396, %mul3A_684 : i32
      %add3A_686 = arith.constant 6 : i32
      %add3A_687 = arith.addi %mul3A_685, %add3A_686 : i32
      %get3A_688 = arith.index_cast %add3A_687 : i32 to index
      %get3A_689 = arith.constant 48 : index
      %get3A_690 = tpu.vector_load %arg11[%get3A_688, %get3A_689] {strides = array<i32>} : memref<400x64xf32, #tpu.memory_space<vmem>>, vector<1x16xf32>,
      %get3A_691 = vector.shape_cast %get3A_690 : vector<1x16xf32> to vector<16xf32>
      %add3A_692 = arith.addf %add3A_683, %get3A_691 : vector<16xf32>
      %mul3A_693 = arith.constant 8 : i32
      %mul3A_694 = arith.muli %scan3A_396, %mul3A_693 : i32
      %add3A_695 = arith.constant 7 : i32
      %add3A_696 = arith.addi %mul3A_694, %add3A_695 : i32
      %get3A_697 = arith.index_cast %add3A_696 : i32 to index
      %get3A_698 = arith.constant 48 : index
      %get3A_699 = tpu.vector_load %arg11[%get3A_697, %get3A_698] {strides = array<i32>} : memref<400x64xf32, #tpu.memory_space<vmem>>, vector<1x16xf32>,
      %get3A_700 = vector.shape_cast %get3A_699 : vector<1x16xf32> to vector<16xf32>
      %add3A_701 = arith.addf %add3A_692, %get3A_700 : vector<16xf32>
      %mul3A_702 = arith.constant 1.250000e-01 : f32
      %mul3A_703 = vector.broadcast %mul3A_702 : f32 to vector<16xf32>
      %mul3A_704 = arith.mulf %add3A_701, %mul3A_703 : vector<16xf32>
      %add3A_705 = arith.constant 150 : i32
      %add3A_706 = arith.addi %add3A_705, %scan3A_396 : i32
      %swap3A_707 = arith.index_cast %add3A_706 : i32 to index
      %swap3A_708 = arith.constant 48 : index
      %swap3A_709 = tpu.vector_load %arg12[%swap3A_707, %swap3A_708] {strides = array<i32>} : memref<200x64xf32, #tpu.memory_space<vmem>>, vector<1x16xf32>,
      %swap3A_710 = vector.shape_cast %swap3A_709 : vector<1x16xf32> to vector<16xf32>
      %swap3A_711 = vector.shape_cast %mul3A_704 : vector<16xf32> to vector<1x16xf32>
      tpu.vector_store %arg12[%swap3A_707, %swap3A_708], %swap3A_711 {strides = array<i32>} : memref<200x64xf32, #tpu.memory_space<vmem>>, vector<1x16xf32>,
      %scan3A_712 = arith.constant 0 : i32
      scf.yield %scan3A_712 : i32
    }
    %scan3A_371 = arith.constant 50 : i32
    %mul3A_372 = arith.constant 200 : i32
    %mul3A_373 = arith.muli %add3A, %mul3A_372 : i32
    "tpu.region"() ({
      %run_scoped3A = tpu.sem_alloc : memref<!tpu.dma_semaphore, #tpu.memory_space<semaphore_mem>>
      %dma_start3A_396 = arith.constant 0 : i32
      %dma_start3A_397 = tpu.memref_slice %arg6[%mul3A_373, %dma_start3A_396] : memref<6400x64xf32, #tpu.memory_space<hbm>> -> memref<200x64xf32, #tpu.memory_space<hbm>>
      %dma_start3A_398 = arith.constant 0 : i32
      %dma_start3A_399 = tpu.memref_slice %arg6[%mul3A_373, %dma_start3A_398] : memref<6400x64xf32, #tpu.memory_space<hbm>> -> memref<200x64xf32, #tpu.memory_space<hbm>>
      tpu.enqueue_dma source(%arg12 : memref<200x64xf32, #tpu.memory_space<vmem>>) target(%dma_start3A_399 : memref<200x64xf32, #tpu.memory_space<hbm>>) target_semaphore(%run_scoped3A : memref<!tpu.dma_semaphore, #tpu.memory_space<semaphore_mem>>)
      %dma_wait3A_400 = arith.constant 0 : i32
      %dma_wait3A_401 = tpu.memref_slice %arg6[%mul3A_373, %dma_wait3A_400] : memref<6400x64xf32, #tpu.memory_space<hbm>> -> memref<200x64xf32, #tpu.memory_space<hbm>>
      %dma_wait3A_402 = arith.constant 0 : i32
      %dma_wait3A_403 = tpu.memref_slice %arg6[%mul3A_373, %dma_wait3A_402] : memref<6400x64xf32, #tpu.memory_space<hbm>> -> memref<200x64xf32, #tpu.memory_space<hbm>>
      tpu.wait_dma2 semaphore(%run_scoped3A : memref<!tpu.dma_semaphore, #tpu.memory_space<semaphore_mem>>) src(%arg12 : memref<200x64xf32, #tpu.memory_space<vmem>>) dst(%dma_wait3A_403 : memref<200x64xf32, #tpu.memory_space<hbm>>)
      tpu.yield
    }) : () -> ()
    %dma_wait3A_374 = arith.constant 0 : i32
    %dma_wait3A_375 = arith.constant 0 : i32
    %dma_wait3A_376 = arith.constant 0 : i32
    %dma_wait3A_377 = tpu.memref_slice %arg13[%dma_wait3A_375, %dma_wait3A_376] : memref<200x64xf32, #tpu.memory_space<vmem>> -> memref<100x64xf32, #tpu.memory_space<vmem>>
    %dma_wait3A_378 = arith.constant 0 : i32
    %dma_wait3A_379 = tpu.memref_slice %arg9[%dma_wait3A_374, %dma_wait3A_378] : memref<2x100xi32, #tpu.memory_space<vmem>> -> memref<1x100xi32, #tpu.memory_space<vmem>>
    %dma_wait3A_380 = tpu.memref_squeeze %dma_wait3A_379 : memref<1x100xi32, #tpu.memory_space<vmem>> -> memref<100xi32, #tpu.memory_space<vmem>>
    %dma_wait3A_381 = arith.constant 0 : i32
    %dma_wait3A_382 = arith.constant 0 : i32
    %dma_wait3A_383 = tpu.memref_slice %arg4[%dma_wait3A_381, %dma_wait3A_382] : memref<100000x64xf32, #tpu.memory_space<hbm>> -> memref<100000x64xf32, #tpu.memory_space<hbm>>
    tpu.wait_indirect_dma semaphore(%arg17 : memref<!tpu.dma_semaphore, #tpu.memory_space<semaphore_mem>>) src(%dma_wait3A_383 : memref<100000x64xf32, #tpu.memory_space<hbm>>) dst(%dma_wait3A_377 : memref<100x64xf32, #tpu.memory_space<vmem>>)
    %dma_wait3A_384 = arith.constant 1 : i32
    %dma_wait3A_385 = arith.constant 100 : i32
    %dma_wait3A_386 = arith.constant 0 : i32
    %dma_wait3A_387 = tpu.memref_slice %arg13[%dma_wait3A_385, %dma_wait3A_386] : memref<200x64xf32, #tpu.memory_space<vmem>> -> memref<100x64xf32, #tpu.memory_space<vmem>>
    %dma_wait3A_388 = arith.constant 0 : i32
    %dma_wait3A_389 = tpu.memref_slice %arg9[%dma_wait3A_384, %dma_wait3A_388] : memref<2x100xi32, #tpu.memory_space<vmem>> -> memref<1x100xi32, #tpu.memory_space<vmem>>
    %dma_wait3A_390 = tpu.memref_squeeze %dma_wait3A_389 : memref<1x100xi32, #tpu.memory_space<vmem>> -> memref<100xi32, #tpu.memory_space<vmem>>
    %dma_wait3A_391 = arith.constant 0 : i32
    %dma_wait3A_392 = arith.constant 0 : i32
    %dma_wait3A_393 = tpu.memref_slice %arg4[%dma_wait3A_391, %dma_wait3A_392] : memref<100000x64xf32, #tpu.memory_space<hbm>> -> memref<100000x64xf32, #tpu.memory_space<hbm>>
    tpu.wait_indirect_dma semaphore(%arg17 : memref<!tpu.dma_semaphore, #tpu.memory_space<semaphore_mem>>) src(%dma_wait3A_393 : memref<100000x64xf32, #tpu.memory_space<hbm>>) dst(%dma_wait3A_387 : memref<100x64xf32, #tpu.memory_space<vmem>>)
    %mul3A_394 = arith.constant 200 : i32
    %mul3A_395 = arith.muli %add3A, %mul3A_394 : i32
    "tpu.region"() ({
      %run_scoped3A = tpu.sem_alloc : memref<!tpu.dma_semaphore, #tpu.memory_space<semaphore_mem>>
      %dma_start3A_396 = arith.constant 0 : i32
      %dma_start3A_397 = tpu.memref_slice %arg7[%mul3A_395, %dma_start3A_396] : memref<6400x64xf32, #tpu.memory_space<hbm>> -> memref<200x64xf32, #tpu.memory_space<hbm>>
      %dma_start3A_398 = arith.constant 0 : i32
      %dma_start3A_399 = tpu.memref_slice %arg7[%mul3A_395, %dma_start3A_398] : memref<6400x64xf32, #tpu.memory_space<hbm>> -> memref<200x64xf32, #tpu.memory_space<hbm>>
      tpu.enqueue_dma source(%arg13 : memref<200x64xf32, #tpu.memory_space<vmem>>) target(%dma_start3A_399 : memref<200x64xf32, #tpu.memory_space<hbm>>) target_semaphore(%run_scoped3A : memref<!tpu.dma_semaphore, #tpu.memory_space<semaphore_mem>>)
      %dma_wait3A_400 = arith.constant 0 : i32
      %dma_wait3A_401 = tpu.memref_slice %arg7[%mul3A_395, %dma_wait3A_400] : memref<6400x64xf32, #tpu.memory_space<hbm>> -> memref<200x64xf32, #tpu.memory_space<hbm>>
      %dma_wait3A_402 = arith.constant 0 : i32
      %dma_wait3A_403 = tpu.memref_slice %arg7[%mul3A_395, %dma_wait3A_402] : memref<6400x64xf32, #tpu.memory_space<hbm>> -> memref<200x64xf32, #tpu.memory_space<hbm>>
      tpu.wait_dma2 semaphore(%run_scoped3A : memref<!tpu.dma_semaphore, #tpu.memory_space<semaphore_mem>>) src(%arg13 : memref<200x64xf32, #tpu.memory_space<vmem>>) dst(%dma_wait3A_403 : memref<200x64xf32, #tpu.memory_space<hbm>>)
      tpu.yield
    }) : () -> ()
    return
  }
}

module attributes {stable_mosaic.version = 14 : i64} {
  func.func @_k2_body(%arg0: memref<2048x64xf32, #tpu.memory_space<vmem>>, %arg1: memref<2000x64xf32, #tpu.memory_space<vmem>>, %arg2: memref<64x64xf32, #tpu.memory_space<vmem>>, %arg3: memref<1x64xf32, #tpu.memory_space<vmem>>, %arg4: memref<2000x64xf32, #tpu.memory_space<vmem>>) attributes {dimension_semantics = [], scalar_prefetch = 0 : i64, scratch_operands = 0 : i64, tpu.core_type = #tpu.core_type<tc>} {
    %get3A = arith.constant 0 : index
    %get3A_0 = arith.constant 0 : index
    %get3A_1 = vector.load %arg1[%get3A, %get3A_0] : memref<2000x64xf32, #tpu.memory_space<vmem>>, vector<2000x64xf32>
    %get3A_2 = arith.constant 0 : index
    %get3A_3 = arith.constant 0 : index
    %get3A_4 = vector.load %arg0[%get3A_2, %get3A_3] : memref<2048x64xf32, #tpu.memory_space<vmem>>, vector<2000x64xf32>
    %add3A = arith.addf %get3A_1, %get3A_4 : vector<2000x64xf32>
    %get3A_5 = arith.constant 0 : index
    %get3A_6 = arith.constant 0 : index
    %get3A_7 = vector.load %arg2[%get3A_5, %get3A_6] : memref<64x64xf32, #tpu.memory_space<vmem>>, vector<64x64xf32>
    %dot_general3A = arith.constant dense<0.000000e+00> : vector<2000x64xf32>
    %dot_general3A_8 = tpu.matmul %add3A, %get3A_7, %dot_general3A {dimension_numbers = #tpu.dot_dimension_numbers<[1], [0], [0], [1], [0, 0, 1, 1], [], []>, transpose_lhs_hint = false} : vector<2000x64xf32>, vector<64x64xf32>, vector<2000x64xf32> -> vector<2000x64xf32>
    %get3A_9 = arith.constant 0 : index
    %get3A_10 = arith.constant 0 : index
    %get3A_11 = vector.load %arg3[%get3A_9, %get3A_10] : memref<1x64xf32, #tpu.memory_space<vmem>>, vector<1x64xf32>
    %add3A_12 = vector.broadcast %get3A_11 : vector<1x64xf32> to vector<2000x64xf32>
    %add3A_13 = arith.addf %dot_general3A_8, %add3A_12 : vector<2000x64xf32>
    %max3A = arith.constant 0.000000e+00 : f32
    %max3A_14 = vector.broadcast %max3A : f32 to vector<2000x64xf32>
    %max3A_15 = arith.maximumf %add3A_13, %max3A_14 : vector<2000x64xf32>
    %swap3A = arith.constant 0 : index
    %swap3A_16 = arith.constant 0 : index
    %swap3A_17 = vector.load %arg4[%swap3A, %swap3A_16] : memref<2000x64xf32, #tpu.memory_space<vmem>>, vector<2000x64xf32>
    tpu.vector_store %arg4[%swap3A, %swap3A_16], %max3A_15 {strides = array<i32>} : memref<2000x64xf32, #tpu.memory_space<vmem>>, vector<2000x64xf32>,
    return
  }
}

module attributes {stable_mosaic.version = 14 : i64} {
  func.func @_k4_body(%arg0: memref<6400x64xf32, #tpu.memory_space<vmem>>, %arg1: memref<6400x64xf32, #tpu.memory_space<vmem>>, %arg2: memref<6400x1xf32, #tpu.memory_space<vmem>>, %arg3: memref<64x64xf32, #tpu.memory_space<vmem>>, %arg4: memref<1x64xf32, #tpu.memory_space<vmem>>, %arg5: memref<128x256xf32, #tpu.memory_space<vmem>>, %arg6: memref<64x256xf32, #tpu.memory_space<vmem>>, %arg7: memref<1x256xf32, #tpu.memory_space<vmem>>, %arg8: memref<2x64xf32, #tpu.memory_space<vmem>>, %arg9: memref<1x6400xf32, #tpu.memory_space<vmem>>, %arg10: memref<6400x256xf32, #tpu.memory_space<vmem>>, %arg11: memref<6400x64xf32, #tpu.memory_space<vmem>>, %arg12: memref<6400x64xf32, #tpu.memory_space<vmem>>) attributes {dimension_semantics = [], scalar_prefetch = 0 : i64, scratch_operands = 3 : i64, tpu.core_type = #tpu.core_type<tc>} {
    %get3A = arith.constant 0 : index
    %get3A_0 = arith.constant 0 : index
    %get3A_1 = vector.load %arg0[%get3A, %get3A_0] : memref<6400x64xf32, #tpu.memory_space<vmem>>, vector<6400x64xf32>
    %get3A_2 = arith.constant 0 : index
    %get3A_3 = arith.constant 0 : index
    %get3A_4 = vector.load %arg1[%get3A_2, %get3A_3] : memref<6400x64xf32, #tpu.memory_space<vmem>>, vector<6400x64xf32>
    %add3A = arith.addf %get3A_1, %get3A_4 : vector<6400x64xf32>
    %get3A_5 = arith.constant 0 : index
    %get3A_6 = arith.constant 0 : index
    %get3A_7 = vector.load %arg3[%get3A_5, %get3A_6] : memref<64x64xf32, #tpu.memory_space<vmem>>, vector<64x64xf32>
    %dot_general3A = arith.constant dense<0.000000e+00> : vector<6400x64xf32>
    %dot_general3A_8 = tpu.matmul %add3A, %get3A_7, %dot_general3A {dimension_numbers = #tpu.dot_dimension_numbers<[1], [0], [0], [1], [0, 0, 1, 1], [], []>, transpose_lhs_hint = false} : vector<6400x64xf32>, vector<64x64xf32>, vector<6400x64xf32> -> vector<6400x64xf32>
    %get3A_9 = arith.constant 0 : index
    %get3A_10 = arith.constant 0 : index
    %get3A_11 = vector.load %arg4[%get3A_9, %get3A_10] : memref<1x64xf32, #tpu.memory_space<vmem>>, vector<1x64xf32>
    %add3A_12 = vector.broadcast %get3A_11 : vector<1x64xf32> to vector<6400x64xf32>
    %add3A_13 = arith.addf %dot_general3A_8, %add3A_12 : vector<6400x64xf32>
    %max3A = arith.constant 0.000000e+00 : f32
    %max3A_14 = vector.broadcast %max3A : f32 to vector<6400x64xf32>
    %max3A_15 = arith.maximumf %add3A_13, %max3A_14 : vector<6400x64xf32>
    %swap3A = arith.constant 0 : index
    %swap3A_16 = arith.constant 0 : index
    %swap3A_17 = vector.load %arg11[%swap3A, %swap3A_16] : memref<6400x64xf32, #tpu.memory_space<vmem>>, vector<6400x64xf32>
    tpu.vector_store %arg11[%swap3A, %swap3A_16], %max3A_15 {strides = array<i32>} : memref<6400x64xf32, #tpu.memory_space<vmem>>, vector<6400x64xf32>,
    %get3A_18 = arith.constant 0 : index
    %get3A_19 = arith.constant 0 : index
    %get3A_20 = vector.load %arg5[%get3A_18, %get3A_19] : memref<128x256xf32, #tpu.memory_space<vmem>>, vector<64x256xf32>
    %get3A_21 = arith.constant 64 : index
    %get3A_22 = arith.constant 0 : index
    %get3A_23 = vector.load %arg5[%get3A_21, %get3A_22] : memref<128x256xf32, #tpu.memory_space<vmem>>, vector<64x256xf32>
    %get3A_24 = arith.constant 0 : index
    %get3A_25 = arith.constant 0 : index
    %get3A_26 = vector.load %arg8[%get3A_24, %get3A_25] : memref<2x64xf32, #tpu.memory_space<vmem>>, vector<1x64xf32>
    %dot_general3A_27 = arith.constant dense<0.000000e+00> : vector<1x256xf32>
    %dot_general3A_28 = tpu.matmul %get3A_26, %get3A_23, %dot_general3A_27 {dimension_numbers = #tpu.dot_dimension_numbers<[1], [0], [0], [1], [0, 0, 1, 1], [], []>, transpose_lhs_hint = false} : vector<1x64xf32>, vector<64x256xf32>, vector<1x256xf32> -> vector<1x256xf32>
    %get3A_29 = arith.constant 0 : index
    %get3A_30 = arith.constant 0 : index
    %get3A_31 = vector.load %arg7[%get3A_29, %get3A_30] : memref<1x256xf32, #tpu.memory_space<vmem>>, vector<1x256xf32>
    %add3A_32 = arith.addf %dot_general3A_28, %get3A_31 : vector<1x256xf32>
    %get3A_33 = arith.constant 1 : index
    %get3A_34 = arith.constant 0 : index
    %get3A_35 = vector.load %arg8[%get3A_33, %get3A_34] : memref<2x64xf32, #tpu.memory_space<vmem>>, vector<1x64xf32>
    %dot_general3A_36 = arith.constant dense<0.000000e+00> : vector<1x256xf32>
    %dot_general3A_37 = tpu.matmul %get3A_35, %get3A_23, %dot_general3A_36 {dimension_numbers = #tpu.dot_dimension_numbers<[1], [0], [0], [1], [0, 0, 1, 1], [], []>, transpose_lhs_hint = false} : vector<1x64xf32>, vector<64x256xf32>, vector<1x256xf32> -> vector<1x256xf32>
    %get3A_38 = arith.constant 0 : index
    %get3A_39 = arith.constant 0 : index
    %get3A_40 = vector.load %arg7[%get3A_38, %get3A_39] : memref<1x256xf32, #tpu.memory_space<vmem>>, vector<1x256xf32>
    %add3A_41 = arith.addf %dot_general3A_37, %get3A_40 : vector<1x256xf32>
    %dot_general3A_42 = arith.constant dense<0.000000e+00> : vector<6400x256xf32>
    %dot_general3A_43 = tpu.matmul %max3A_15, %get3A_20, %dot_general3A_42 {dimension_numbers = #tpu.dot_dimension_numbers<[1], [0], [0], [1], [0, 0, 1, 1], [], []>, transpose_lhs_hint = false} : vector<6400x64xf32>, vector<64x256xf32>, vector<6400x256xf32> -> vector<6400x256xf32>
    %add3A_44 = vector.broadcast %add3A_32 : vector<1x256xf32> to vector<6400x256xf32>
    %add3A_45 = arith.addf %dot_general3A_43, %add3A_44 : vector<6400x256xf32>
    %get3A_46 = arith.constant 0 : index
    %get3A_47 = arith.constant 0 : index
    %get3A_48 = vector.load %arg2[%get3A_46, %get3A_47] : memref<6400x1xf32, #tpu.memory_space<vmem>>, vector<6400x1xf32>
    %sub3A = arith.subf %add3A_41, %add3A_32 : vector<1x256xf32>
    %mul3A = vector.broadcast %get3A_48 : vector<6400x1xf32> to vector<6400x256xf32>
    %mul3A_49 = vector.broadcast %sub3A : vector<1x256xf32> to vector<6400x256xf32>
    %mul3A_50 = arith.mulf %mul3A, %mul3A_49 : vector<6400x256xf32>
    %add3A_51 = arith.addf %add3A_45, %mul3A_50 : vector<6400x256xf32>
    %swap3A_52 = arith.constant 0 : index
    %swap3A_53 = arith.constant 0 : index
    %swap3A_54 = vector.load %arg10[%swap3A_52, %swap3A_53] : memref<6400x256xf32, #tpu.memory_space<vmem>>, vector<6400x256xf32>
    tpu.vector_store %arg10[%swap3A_52, %swap3A_53], %add3A_51 {strides = array<i32>} : memref<6400x256xf32, #tpu.memory_space<vmem>>, vector<6400x256xf32>,
    %get3A_55 = arith.constant 0 : index
    %get3A_56 = arith.constant 0 : index
    %get3A_57 = vector.load %arg6[%get3A_55, %get3A_56] : memref<64x256xf32, #tpu.memory_space<vmem>>, vector<64x256xf32>
    %broadcast_in_dim3A = arith.constant 0.000000e+00 : f32
    %broadcast_in_dim3A_58 = vector.broadcast %broadcast_in_dim3A : f32 to vector<32x64xf32>
    %broadcast_in_dim3A_59 = arith.constant 0.000000e+00 : f32
    %broadcast_in_dim3A_60 = vector.broadcast %broadcast_in_dim3A_59 : f32 to vector<32x64xf32>
    %scan3A = arith.constant 0 : i32
    %scan3A_61 = arith.constant 25 : i32
    %scan3A_62 = arith.addi %scan3A, %scan3A_61 : i32
    %scan3A_63 = arith.constant 1 : i32
    %scan3A_64:2 = scf.for %scan3A_85 = %scan3A to %scan3A_62 step %scan3A_63 iter_args(%scan3A_86 = %broadcast_in_dim3A_58, %scan3A_87 = %broadcast_in_dim3A_60) -> (vector<32x64xf32>, vector<32x64xf32>)  : i32 {
      %mul3A_88 = arith.constant 8 : i32
      %mul3A_89 = arith.muli %scan3A_85, %mul3A_88 : i32
      %add3A_90 = arith.constant 0 : i32
      %add3A_91 = arith.addi %mul3A_89, %add3A_90 : i32
      %mul3A_92 = arith.constant 32 : i32
      %mul3A_93 = arith.muli %add3A_91, %mul3A_92 : i32
      %get3A_94 = arith.index_cast %mul3A_93 : i32 to index
      %get3A_95 = arith.constant 0 : index
      %get3A_96 = vector.load %arg10[%get3A_94, %get3A_95] : memref<6400x256xf32, #tpu.memory_space<vmem>>, vector<32x256xf32>
      %dot_general3A_97 = arith.constant dense<0.000000e+00> : vector<32x256xf32>
      %dot_general3A_98 = tpu.matmul %scan3A_86, %get3A_57, %dot_general3A_97 {dimension_numbers = #tpu.dot_dimension_numbers<[1], [0], [0], [1], [0, 0, 1, 1], [], []>, transpose_lhs_hint = false} : vector<32x64xf32>, vector<64x256xf32>, vector<32x256xf32> -> vector<32x256xf32>
      %add3A_99 = arith.addf %get3A_96, %dot_general3A_98 : vector<32x256xf32>
      %slice3A = vector.extract_strided_slice %add3A_99 {offsets = [0, 0], sizes = [32, 128], strides = [1, 1]} : vector<32x256xf32> to vector<32x128xf32>
      %logistic3A_100 = arith.negf %slice3A : vector<32x128xf32>
      %logistic3A_101 = math.exp %logistic3A_100 : vector<32x128xf32>
      %logistic3A_102 = arith.constant 1.000000e+00 : f32
      %logistic3A_103 = vector.broadcast %logistic3A_102 : f32 to vector<32x128xf32>
      %logistic3A_104 = arith.addf %logistic3A_103, %logistic3A_101 : vector<32x128xf32>
      %logistic3A_105 = arith.divf %logistic3A_103, %logistic3A_104 : vector<32x128xf32>
      %slice3A_106 = vector.extract_strided_slice %add3A_99 {offsets = [0, 128], sizes = [32, 64], strides = [1, 1]} : vector<32x256xf32> to vector<32x64xf32>
      %tanh3A = math.tanh %slice3A_106 : vector<32x64xf32>
      %slice3A_107 = vector.extract_strided_slice %add3A_99 {offsets = [0, 192], sizes = [32, 64], strides = [1, 1]} : vector<32x256xf32> to vector<32x64xf32>
      %logistic3A_108 = arith.negf %slice3A_107 : vector<32x64xf32>
      %logistic3A_109 = math.exp %logistic3A_108 : vector<32x64xf32>
      %logistic3A_110 = arith.constant 1.000000e+00 : f32
      %logistic3A_111 = vector.broadcast %logistic3A_110 : f32 to vector<32x64xf32>
      %logistic3A_112 = arith.addf %logistic3A_111, %logistic3A_109 : vector<32x64xf32>
      %logistic3A_113 = arith.divf %logistic3A_111, %logistic3A_112 : vector<32x64xf32>
      %slice3A_114 = vector.extract_strided_slice %logistic3A_105 {offsets = [0, 64], sizes = [32, 64], strides = [1, 1]} : vector<32x128xf32> to vector<32x64xf32>
      %mul3A_115 = arith.mulf %slice3A_114, %scan3A_87 : vector<32x64xf32>
      %slice3A_116 = vector.extract_strided_slice %logistic3A_105 {offsets = [0, 0], sizes = [32, 64], strides = [1, 1]} : vector<32x128xf32> to vector<32x64xf32>
      %mul3A_117 = arith.mulf %slice3A_116, %tanh3A : vector<32x64xf32>
      %add3A_118 = arith.addf %mul3A_115, %mul3A_117 : vector<32x64xf32>
      %tanh3A_119 = math.tanh %add3A_118 : vector<32x64xf32>
      %mul3A_120 = arith.mulf %logistic3A_113, %tanh3A_119 : vector<32x64xf32>
      %mul3A_121 = arith.constant 32 : i32
      %mul3A_122 = arith.muli %add3A_91, %mul3A_121 : i32
      %swap3A_123 = arith.index_cast %mul3A_122 : i32 to index
      %swap3A_124 = arith.constant 0 : index
      %swap3A_125 = vector.load %arg12[%swap3A_123, %swap3A_124] : memref<6400x64xf32, #tpu.memory_space<vmem>>, vector<32x64xf32>
      tpu.vector_store %arg12[%swap3A_123, %swap3A_124], %mul3A_120 {strides = array<i32>} : memref<6400x64xf32, #tpu.memory_space<vmem>>, vector<32x64xf32>,
      %mul3A_126 = arith.constant 8 : i32
      %mul3A_127 = arith.muli %scan3A_85, %mul3A_126 : i32
      %add3A_128 = arith.constant 1 : i32
      %add3A_129 = arith.addi %mul3A_127, %add3A_128 : i32
      %mul3A_130 = arith.constant 32 : i32
      %mul3A_131 = arith.muli %add3A_129, %mul3A_130 : i32
      %get3A_132 = arith.index_cast %mul3A_131 : i32 to index
      %get3A_133 = arith.constant 0 : index
      %get3A_134 = vector.load %arg10[%get3A_132, %get3A_133] : memref<6400x256xf32, #tpu.memory_space<vmem>>, vector<32x256xf32>
      %dot_general3A_135 = arith.constant dense<0.000000e+00> : vector<32x256xf32>
      %dot_general3A_136 = tpu.matmul %mul3A_120, %get3A_57, %dot_general3A_135 {dimension_numbers = #tpu.dot_dimension_numbers<[1], [0], [0], [1], [0, 0, 1, 1], [], []>, transpose_lhs_hint = false} : vector<32x64xf32>, vector<64x256xf32>, vector<32x256xf32> -> vector<32x256xf32>
      %add3A_137 = arith.addf %get3A_134, %dot_general3A_136 : vector<32x256xf32>
      %slice3A_138 = vector.extract_strided_slice %add3A_137 {offsets = [0, 0], sizes = [32, 128], strides = [1, 1]} : vector<32x256xf32> to vector<32x128xf32>
      %logistic3A_139 = arith.negf %slice3A_138 : vector<32x128xf32>
      %logistic3A_140 = math.exp %logistic3A_139 : vector<32x128xf32>
      %logistic3A_141 = arith.constant 1.000000e+00 : f32
      %logistic3A_142 = vector.broadcast %logistic3A_141 : f32 to vector<32x128xf32>
      %logistic3A_143 = arith.addf %logistic3A_142, %logistic3A_140 : vector<32x128xf32>
      %logistic3A_144 = arith.divf %logistic3A_142, %logistic3A_143 : vector<32x128xf32>
      %slice3A_145 = vector.extract_strided_slice %add3A_137 {offsets = [0, 128], sizes = [32, 64], strides = [1, 1]} : vector<32x256xf32> to vector<32x64xf32>
      %tanh3A_146 = math.tanh %slice3A_145 : vector<32x64xf32>
      %slice3A_147 = vector.extract_strided_slice %add3A_137 {offsets = [0, 192], sizes = [32, 64], strides = [1, 1]} : vector<32x256xf32> to vector<32x64xf32>
      %logistic3A_148 = arith.negf %slice3A_147 : vector<32x64xf32>
      %logistic3A_149 = math.exp %logistic3A_148 : vector<32x64xf32>
      %logistic3A_150 = arith.constant 1.000000e+00 : f32
      %logistic3A_151 = vector.broadcast %logistic3A_150 : f32 to vector<32x64xf32>
      %logistic3A_152 = arith.addf %logistic3A_151, %logistic3A_149 : vector<32x64xf32>
      %logistic3A_153 = arith.divf %logistic3A_151, %logistic3A_152 : vector<32x64xf32>
      %slice3A_154 = vector.extract_strided_slice %logistic3A_144 {offsets = [0, 64], sizes = [32, 64], strides = [1, 1]} : vector<32x128xf32> to vector<32x64xf32>
      %mul3A_155 = arith.mulf %slice3A_154, %add3A_118 : vector<32x64xf32>
      %slice3A_156 = vector.extract_strided_slice %logistic3A_144 {offsets = [0, 0], sizes = [32, 64], strides = [1, 1]} : vector<32x128xf32> to vector<32x64xf32>
      %mul3A_157 = arith.mulf %slice3A_156, %tanh3A_146 : vector<32x64xf32>
      %add3A_158 = arith.addf %mul3A_155, %mul3A_157 : vector<32x64xf32>
      %tanh3A_159 = math.tanh %add3A_158 : vector<32x64xf32>
      %mul3A_160 = arith.mulf %logistic3A_153, %tanh3A_159 : vector<32x64xf32>
      %mul3A_161 = arith.constant 32 : i32
      %mul3A_162 = arith.muli %add3A_129, %mul3A_161 : i32
      %swap3A_163 = arith.index_cast %mul3A_162 : i32 to index
      %swap3A_164 = arith.constant 0 : index
      %swap3A_165 = vector.load %arg12[%swap3A_163, %swap3A_164] : memref<6400x64xf32, #tpu.memory_space<vmem>>, vector<32x64xf32>
      tpu.vector_store %arg12[%swap3A_163, %swap3A_164], %mul3A_160 {strides = array<i32>} : memref<6400x64xf32, #tpu.memory_space<vmem>>, vector<32x64xf32>,
      %mul3A_166 = arith.constant 8 : i32
      %mul3A_167 = arith.muli %scan3A_85, %mul3A_166 : i32
      %add3A_168 = arith.constant 2 : i32
      %add3A_169 = arith.addi %mul3A_167, %add3A_168 : i32
      %mul3A_170 = arith.constant 32 : i32
      %mul3A_171 = arith.muli %add3A_169, %mul3A_170 : i32
      %get3A_172 = arith.index_cast %mul3A_171 : i32 to index
      %get3A_173 = arith.constant 0 : index
      %get3A_174 = vector.load %arg10[%get3A_172, %get3A_173] : memref<6400x256xf32, #tpu.memory_space<vmem>>, vector<32x256xf32>
      %dot_general3A_175 = arith.constant dense<0.000000e+00> : vector<32x256xf32>
      %dot_general3A_176 = tpu.matmul %mul3A_160, %get3A_57, %dot_general3A_175 {dimension_numbers = #tpu.dot_dimension_numbers<[1], [0], [0], [1], [0, 0, 1, 1], [], []>, transpose_lhs_hint = false} : vector<32x64xf32>, vector<64x256xf32>, vector<32x256xf32> -> vector<32x256xf32>
      %add3A_177 = arith.addf %get3A_174, %dot_general3A_176 : vector<32x256xf32>
      %slice3A_178 = vector.extract_strided_slice %add3A_177 {offsets = [0, 0], sizes = [32, 128], strides = [1, 1]} : vector<32x256xf32> to vector<32x128xf32>
      %logistic3A_179 = arith.negf %slice3A_178 : vector<32x128xf32>
      %logistic3A_180 = math.exp %logistic3A_179 : vector<32x128xf32>
      %logistic3A_181 = arith.constant 1.000000e+00 : f32
      %logistic3A_182 = vector.broadcast %logistic3A_181 : f32 to vector<32x128xf32>
      %logistic3A_183 = arith.addf %logistic3A_182, %logistic3A_180 : vector<32x128xf32>
      %logistic3A_184 = arith.divf %logistic3A_182, %logistic3A_183 : vector<32x128xf32>
      %slice3A_185 = vector.extract_strided_slice %add3A_177 {offsets = [0, 128], sizes = [32, 64], strides = [1, 1]} : vector<32x256xf32> to vector<32x64xf32>
      %tanh3A_186 = math.tanh %slice3A_185 : vector<32x64xf32>
      %slice3A_187 = vector.extract_strided_slice %add3A_177 {offsets = [0, 192], sizes = [32, 64], strides = [1, 1]} : vector<32x256xf32> to vector<32x64xf32>
      %logistic3A_188 = arith.negf %slice3A_187 : vector<32x64xf32>
      %logistic3A_189 = math.exp %logistic3A_188 : vector<32x64xf32>
      %logistic3A_190 = arith.constant 1.000000e+00 : f32
      %logistic3A_191 = vector.broadcast %logistic3A_190 : f32 to vector<32x64xf32>
      %logistic3A_192 = arith.addf %logistic3A_191, %logistic3A_189 : vector<32x64xf32>
      %logistic3A_193 = arith.divf %logistic3A_191, %logistic3A_192 : vector<32x64xf32>
      %slice3A_194 = vector.extract_strided_slice %logistic3A_184 {offsets = [0, 64], sizes = [32, 64], strides = [1, 1]} : vector<32x128xf32> to vector<32x64xf32>
      %mul3A_195 = arith.mulf %slice3A_194, %add3A_158 : vector<32x64xf32>
      %slice3A_196 = vector.extract_strided_slice %logistic3A_184 {offsets = [0, 0], sizes = [32, 64], strides = [1, 1]} : vector<32x128xf32> to vector<32x64xf32>
      %mul3A_197 = arith.mulf %slice3A_196, %tanh3A_186 : vector<32x64xf32>
      %add3A_198 = arith.addf %mul3A_195, %mul3A_197 : vector<32x64xf32>
      %tanh3A_199 = math.tanh %add3A_198 : vector<32x64xf32>
      %mul3A_200 = arith.mulf %logistic3A_193, %tanh3A_199 : vector<32x64xf32>
      %mul3A_201 = arith.constant 32 : i32
      %mul3A_202 = arith.muli %add3A_169, %mul3A_201 : i32
      %swap3A_203 = arith.index_cast %mul3A_202 : i32 to index
      %swap3A_204 = arith.constant 0 : index
      %swap3A_205 = vector.load %arg12[%swap3A_203, %swap3A_204] : memref<6400x64xf32, #tpu.memory_space<vmem>>, vector<32x64xf32>
      tpu.vector_store %arg12[%swap3A_203, %swap3A_204], %mul3A_200 {strides = array<i32>} : memref<6400x64xf32, #tpu.memory_space<vmem>>, vector<32x64xf32>,
      %mul3A_206 = arith.constant 8 : i32
      %mul3A_207 = arith.muli %scan3A_85, %mul3A_206 : i32
      %add3A_208 = arith.constant 3 : i32
      %add3A_209 = arith.addi %mul3A_207, %add3A_208 : i32
      %mul3A_210 = arith.constant 32 : i32
      %mul3A_211 = arith.muli %add3A_209, %mul3A_210 : i32
      %get3A_212 = arith.index_cast %mul3A_211 : i32 to index
      %get3A_213 = arith.constant 0 : index
      %get3A_214 = vector.load %arg10[%get3A_212, %get3A_213] : memref<6400x256xf32, #tpu.memory_space<vmem>>, vector<32x256xf32>
      %dot_general3A_215 = arith.constant dense<0.000000e+00> : vector<32x256xf32>
      %dot_general3A_216 = tpu.matmul %mul3A_200, %get3A_57, %dot_general3A_215 {dimension_numbers = #tpu.dot_dimension_numbers<[1], [0], [0], [1], [0, 0, 1, 1], [], []>, transpose_lhs_hint = false} : vector<32x64xf32>, vector<64x256xf32>, vector<32x256xf32> -> vector<32x256xf32>
      %add3A_217 = arith.addf %get3A_214, %dot_general3A_216 : vector<32x256xf32>
      %slice3A_218 = vector.extract_strided_slice %add3A_217 {offsets = [0, 0], sizes = [32, 128], strides = [1, 1]} : vector<32x256xf32> to vector<32x128xf32>
      %logistic3A_219 = arith.negf %slice3A_218 : vector<32x128xf32>
      %logistic3A_220 = math.exp %logistic3A_219 : vector<32x128xf32>
      %logistic3A_221 = arith.constant 1.000000e+00 : f32
      %logistic3A_222 = vector.broadcast %logistic3A_221 : f32 to vector<32x128xf32>
      %logistic3A_223 = arith.addf %logistic3A_222, %logistic3A_220 : vector<32x128xf32>
      %logistic3A_224 = arith.divf %logistic3A_222, %logistic3A_223 : vector<32x128xf32>
      %slice3A_225 = vector.extract_strided_slice %add3A_217 {offsets = [0, 128], sizes = [32, 64], strides = [1, 1]} : vector<32x256xf32> to vector<32x64xf32>
      %tanh3A_226 = math.tanh %slice3A_225 : vector<32x64xf32>
      %slice3A_227 = vector.extract_strided_slice %add3A_217 {offsets = [0, 192], sizes = [32, 64], strides = [1, 1]} : vector<32x256xf32> to vector<32x64xf32>
      %logistic3A_228 = arith.negf %slice3A_227 : vector<32x64xf32>
      %logistic3A_229 = math.exp %logistic3A_228 : vector<32x64xf32>
      %logistic3A_230 = arith.constant 1.000000e+00 : f32
      %logistic3A_231 = vector.broadcast %logistic3A_230 : f32 to vector<32x64xf32>
      %logistic3A_232 = arith.addf %logistic3A_231, %logistic3A_229 : vector<32x64xf32>
      %logistic3A_233 = arith.divf %logistic3A_231, %logistic3A_232 : vector<32x64xf32>
      %slice3A_234 = vector.extract_strided_slice %logistic3A_224 {offsets = [0, 64], sizes = [32, 64], strides = [1, 1]} : vector<32x128xf32> to vector<32x64xf32>
      %mul3A_235 = arith.mulf %slice3A_234, %add3A_198 : vector<32x64xf32>
      %slice3A_236 = vector.extract_strided_slice %logistic3A_224 {offsets = [0, 0], sizes = [32, 64], strides = [1, 1]} : vector<32x128xf32> to vector<32x64xf32>
      %mul3A_237 = arith.mulf %slice3A_236, %tanh3A_226 : vector<32x64xf32>
      %add3A_238 = arith.addf %mul3A_235, %mul3A_237 : vector<32x64xf32>
      %tanh3A_239 = math.tanh %add3A_238 : vector<32x64xf32>
      %mul3A_240 = arith.mulf %logistic3A_233, %tanh3A_239 : vector<32x64xf32>
      %mul3A_241 = arith.constant 32 : i32
      %mul3A_242 = arith.muli %add3A_209, %mul3A_241 : i32
      %swap3A_243 = arith.index_cast %mul3A_242 : i32 to index
      %swap3A_244 = arith.constant 0 : index
      %swap3A_245 = vector.load %arg12[%swap3A_243, %swap3A_244] : memref<6400x64xf32, #tpu.memory_space<vmem>>, vector<32x64xf32>
      tpu.vector_store %arg12[%swap3A_243, %swap3A_244], %mul3A_240 {strides = array<i32>} : memref<6400x64xf32, #tpu.memory_space<vmem>>, vector<32x64xf32>,
      %mul3A_246 = arith.constant 8 : i32
      %mul3A_247 = arith.muli %scan3A_85, %mul3A_246 : i32
      %add3A_248 = arith.constant 4 : i32
      %add3A_249 = arith.addi %mul3A_247, %add3A_248 : i32
      %mul3A_250 = arith.constant 32 : i32
      %mul3A_251 = arith.muli %add3A_249, %mul3A_250 : i32
      %get3A_252 = arith.index_cast %mul3A_251 : i32 to index
      %get3A_253 = arith.constant 0 : index
      %get3A_254 = vector.load %arg10[%get3A_252, %get3A_253] : memref<6400x256xf32, #tpu.memory_space<vmem>>, vector<32x256xf32>
      %dot_general3A_255 = arith.constant dense<0.000000e+00> : vector<32x256xf32>
      %dot_general3A_256 = tpu.matmul %mul3A_240, %get3A_57, %dot_general3A_255 {dimension_numbers = #tpu.dot_dimension_numbers<[1], [0], [0], [1], [0, 0, 1, 1], [], []>, transpose_lhs_hint = false} : vector<32x64xf32>, vector<64x256xf32>, vector<32x256xf32> -> vector<32x256xf32>
      %add3A_257 = arith.addf %get3A_254, %dot_general3A_256 : vector<32x256xf32>
      %slice3A_258 = vector.extract_strided_slice %add3A_257 {offsets = [0, 0], sizes = [32, 128], strides = [1, 1]} : vector<32x256xf32> to vector<32x128xf32>
      %logistic3A_259 = arith.negf %slice3A_258 : vector<32x128xf32>
      %logistic3A_260 = math.exp %logistic3A_259 : vector<32x128xf32>
      %logistic3A_261 = arith.constant 1.000000e+00 : f32
      %logistic3A_262 = vector.broadcast %logistic3A_261 : f32 to vector<32x128xf32>
      %logistic3A_263 = arith.addf %logistic3A_262, %logistic3A_260 : vector<32x128xf32>
      %logistic3A_264 = arith.divf %logistic3A_262, %logistic3A_263 : vector<32x128xf32>
      %slice3A_265 = vector.extract_strided_slice %add3A_257 {offsets = [0, 128], sizes = [32, 64], strides = [1, 1]} : vector<32x256xf32> to vector<32x64xf32>
      %tanh3A_266 = math.tanh %slice3A_265 : vector<32x64xf32>
      %slice3A_267 = vector.extract_strided_slice %add3A_257 {offsets = [0, 192], sizes = [32, 64], strides = [1, 1]} : vector<32x256xf32> to vector<32x64xf32>
      %logistic3A_268 = arith.negf %slice3A_267 : vector<32x64xf32>
      %logistic3A_269 = math.exp %logistic3A_268 : vector<32x64xf32>
      %logistic3A_270 = arith.constant 1.000000e+00 : f32
      %logistic3A_271 = vector.broadcast %logistic3A_270 : f32 to vector<32x64xf32>
      %logistic3A_272 = arith.addf %logistic3A_271, %logistic3A_269 : vector<32x64xf32>
      %logistic3A_273 = arith.divf %logistic3A_271, %logistic3A_272 : vector<32x64xf32>
      %slice3A_274 = vector.extract_strided_slice %logistic3A_264 {offsets = [0, 64], sizes = [32, 64], strides = [1, 1]} : vector<32x128xf32> to vector<32x64xf32>
      %mul3A_275 = arith.mulf %slice3A_274, %add3A_238 : vector<32x64xf32>
      %slice3A_276 = vector.extract_strided_slice %logistic3A_264 {offsets = [0, 0], sizes = [32, 64], strides = [1, 1]} : vector<32x128xf32> to vector<32x64xf32>
      %mul3A_277 = arith.mulf %slice3A_276, %tanh3A_266 : vector<32x64xf32>
      %add3A_278 = arith.addf %mul3A_275, %mul3A_277 : vector<32x64xf32>
      %tanh3A_279 = math.tanh %add3A_278 : vector<32x64xf32>
      %mul3A_280 = arith.mulf %logistic3A_273, %tanh3A_279 : vector<32x64xf32>
      %mul3A_281 = arith.constant 32 : i32
      %mul3A_282 = arith.muli %add3A_249, %mul3A_281 : i32
      %swap3A_283 = arith.index_cast %mul3A_282 : i32 to index
      %swap3A_284 = arith.constant 0 : index
      %swap3A_285 = vector.load %arg12[%swap3A_283, %swap3A_284] : memref<6400x64xf32, #tpu.memory_space<vmem>>, vector<32x64xf32>
      tpu.vector_store %arg12[%swap3A_283, %swap3A_284], %mul3A_280 {strides = array<i32>} : memref<6400x64xf32, #tpu.memory_space<vmem>>, vector<32x64xf32>,
      %mul3A_286 = arith.constant 8 : i32
      %mul3A_287 = arith.muli %scan3A_85, %mul3A_286 : i32
      %add3A_288 = arith.constant 5 : i32
      %add3A_289 = arith.addi %mul3A_287, %add3A_288 : i32
      %mul3A_290 = arith.constant 32 : i32
      %mul3A_291 = arith.muli %add3A_289, %mul3A_290 : i32
      %get3A_292 = arith.index_cast %mul3A_291 : i32 to index
      %get3A_293 = arith.constant 0 : index
      %get3A_294 = vector.load %arg10[%get3A_292, %get3A_293] : memref<6400x256xf32, #tpu.memory_space<vmem>>, vector<32x256xf32>
      %dot_general3A_295 = arith.constant dense<0.000000e+00> : vector<32x256xf32>
      %dot_general3A_296 = tpu.matmul %mul3A_280, %get3A_57, %dot_general3A_295 {dimension_numbers = #tpu.dot_dimension_numbers<[1], [0], [0], [1], [0, 0, 1, 1], [], []>, transpose_lhs_hint = false} : vector<32x64xf32>, vector<64x256xf32>, vector<32x256xf32> -> vector<32x256xf32>
      %add3A_297 = arith.addf %get3A_294, %dot_general3A_296 : vector<32x256xf32>
      %slice3A_298 = vector.extract_strided_slice %add3A_297 {offsets = [0, 0], sizes = [32, 128], strides = [1, 1]} : vector<32x256xf32> to vector<32x128xf32>
      %logistic3A_299 = arith.negf %slice3A_298 : vector<32x128xf32>
      %logistic3A_300 = math.exp %logistic3A_299 : vector<32x128xf32>
      %logistic3A_301 = arith.constant 1.000000e+00 : f32
      %logistic3A_302 = vector.broadcast %logistic3A_301 : f32 to vector<32x128xf32>
      %logistic3A_303 = arith.addf %logistic3A_302, %logistic3A_300 : vector<32x128xf32>
      %logistic3A_304 = arith.divf %logistic3A_302, %logistic3A_303 : vector<32x128xf32>
      %slice3A_305 = vector.extract_strided_slice %add3A_297 {offsets = [0, 128], sizes = [32, 64], strides = [1, 1]} : vector<32x256xf32> to vector<32x64xf32>
      %tanh3A_306 = math.tanh %slice3A_305 : vector<32x64xf32>
      %slice3A_307 = vector.extract_strided_slice %add3A_297 {offsets = [0, 192], sizes = [32, 64], strides = [1, 1]} : vector<32x256xf32> to vector<32x64xf32>
      %logistic3A_308 = arith.negf %slice3A_307 : vector<32x64xf32>
      %logistic3A_309 = math.exp %logistic3A_308 : vector<32x64xf32>
      %logistic3A_310 = arith.constant 1.000000e+00 : f32
      %logistic3A_311 = vector.broadcast %logistic3A_310 : f32 to vector<32x64xf32>
      %logistic3A_312 = arith.addf %logistic3A_311, %logistic3A_309 : vector<32x64xf32>
      %logistic3A_313 = arith.divf %logistic3A_311, %logistic3A_312 : vector<32x64xf32>
      %slice3A_314 = vector.extract_strided_slice %logistic3A_304 {offsets = [0, 64], sizes = [32, 64], strides = [1, 1]} : vector<32x128xf32> to vector<32x64xf32>
      %mul3A_315 = arith.mulf %slice3A_314, %add3A_278 : vector<32x64xf32>
      %slice3A_316 = vector.extract_strided_slice %logistic3A_304 {offsets = [0, 0], sizes = [32, 64], strides = [1, 1]} : vector<32x128xf32> to vector<32x64xf32>
      %mul3A_317 = arith.mulf %slice3A_316, %tanh3A_306 : vector<32x64xf32>
      %add3A_318 = arith.addf %mul3A_315, %mul3A_317 : vector<32x64xf32>
      %tanh3A_319 = math.tanh %add3A_318 : vector<32x64xf32>
      %mul3A_320 = arith.mulf %logistic3A_313, %tanh3A_319 : vector<32x64xf32>
      %mul3A_321 = arith.constant 32 : i32
      %mul3A_322 = arith.muli %add3A_289, %mul3A_321 : i32
      %swap3A_323 = arith.index_cast %mul3A_322 : i32 to index
      %swap3A_324 = arith.constant 0 : index
      %swap3A_325 = vector.load %arg12[%swap3A_323, %swap3A_324] : memref<6400x64xf32, #tpu.memory_space<vmem>>, vector<32x64xf32>
      tpu.vector_store %arg12[%swap3A_323, %swap3A_324], %mul3A_320 {strides = array<i32>} : memref<6400x64xf32, #tpu.memory_space<vmem>>, vector<32x64xf32>,
      %mul3A_326 = arith.constant 8 : i32
      %mul3A_327 = arith.muli %scan3A_85, %mul3A_326 : i32
      %add3A_328 = arith.constant 6 : i32
      %add3A_329 = arith.addi %mul3A_327, %add3A_328 : i32
      %mul3A_330 = arith.constant 32 : i32
      %mul3A_331 = arith.muli %add3A_329, %mul3A_330 : i32
      %get3A_332 = arith.index_cast %mul3A_331 : i32 to index
      %get3A_333 = arith.constant 0 : index
      %get3A_334 = vector.load %arg10[%get3A_332, %get3A_333] : memref<6400x256xf32, #tpu.memory_space<vmem>>, vector<32x256xf32>
      %dot_general3A_335 = arith.constant dense<0.000000e+00> : vector<32x256xf32>
      %dot_general3A_336 = tpu.matmul %mul3A_320, %get3A_57, %dot_general3A_335 {dimension_numbers = #tpu.dot_dimension_numbers<[1], [0], [0], [1], [0, 0, 1, 1], [], []>, transpose_lhs_hint = false} : vector<32x64xf32>, vector<64x256xf32>, vector<32x256xf32> -> vector<32x256xf32>
      %add3A_337 = arith.addf %get3A_334, %dot_general3A_336 : vector<32x256xf32>
      %slice3A_338 = vector.extract_strided_slice %add3A_337 {offsets = [0, 0], sizes = [32, 128], strides = [1, 1]} : vector<32x256xf32> to vector<32x128xf32>
      %logistic3A_339 = arith.negf %slice3A_338 : vector<32x128xf32>
      %logistic3A_340 = math.exp %logistic3A_339 : vector<32x128xf32>
      %logistic3A_341 = arith.constant 1.000000e+00 : f32
      %logistic3A_342 = vector.broadcast %logistic3A_341 : f32 to vector<32x128xf32>
      %logistic3A_343 = arith.addf %logistic3A_342, %logistic3A_340 : vector<32x128xf32>
      %logistic3A_344 = arith.divf %logistic3A_342, %logistic3A_343 : vector<32x128xf32>
      %slice3A_345 = vector.extract_strided_slice %add3A_337 {offsets = [0, 128], sizes = [32, 64], strides = [1, 1]} : vector<32x256xf32> to vector<32x64xf32>
      %tanh3A_346 = math.tanh %slice3A_345 : vector<32x64xf32>
      %slice3A_347 = vector.extract_strided_slice %add3A_337 {offsets = [0, 192], sizes = [32, 64], strides = [1, 1]} : vector<32x256xf32> to vector<32x64xf32>
      %logistic3A_348 = arith.negf %slice3A_347 : vector<32x64xf32>
      %logistic3A_349 = math.exp %logistic3A_348 : vector<32x64xf32>
      %logistic3A_350 = arith.constant 1.000000e+00 : f32
      %logistic3A_351 = vector.broadcast %logistic3A_350 : f32 to vector<32x64xf32>
      %logistic3A_352 = arith.addf %logistic3A_351, %logistic3A_349 : vector<32x64xf32>
      %logistic3A_353 = arith.divf %logistic3A_351, %logistic3A_352 : vector<32x64xf32>
      %slice3A_354 = vector.extract_strided_slice %logistic3A_344 {offsets = [0, 64], sizes = [32, 64], strides = [1, 1]} : vector<32x128xf32> to vector<32x64xf32>
      %mul3A_355 = arith.mulf %slice3A_354, %add3A_318 : vector<32x64xf32>
      %slice3A_356 = vector.extract_strided_slice %logistic3A_344 {offsets = [0, 0], sizes = [32, 64], strides = [1, 1]} : vector<32x128xf32> to vector<32x64xf32>
      %mul3A_357 = arith.mulf %slice3A_356, %tanh3A_346 : vector<32x64xf32>
      %add3A_358 = arith.addf %mul3A_355, %mul3A_357 : vector<32x64xf32>
      %tanh3A_359 = math.tanh %add3A_358 : vector<32x64xf32>
      %mul3A_360 = arith.mulf %logistic3A_353, %tanh3A_359 : vector<32x64xf32>
      %mul3A_361 = arith.constant 32 : i32
      %mul3A_362 = arith.muli %add3A_329, %mul3A_361 : i32
      %swap3A_363 = arith.index_cast %mul3A_362 : i32 to index
      %swap3A_364 = arith.constant 0 : index
      %swap3A_365 = vector.load %arg12[%swap3A_363, %swap3A_364] : memref<6400x64xf32, #tpu.memory_space<vmem>>, vector<32x64xf32>
      tpu.vector_store %arg12[%swap3A_363, %swap3A_364], %mul3A_360 {strides = array<i32>} : memref<6400x64xf32, #tpu.memory_space<vmem>>, vector<32x64xf32>,
      %mul3A_366 = arith.constant 8 : i32
      %mul3A_367 = arith.muli %scan3A_85, %mul3A_366 : i32
      %add3A_368 = arith.constant 7 : i32
      %add3A_369 = arith.addi %mul3A_367, %add3A_368 : i32
      %mul3A_370 = arith.constant 32 : i32
      %mul3A_371 = arith.muli %add3A_369, %mul3A_370 : i32
      %get3A_372 = arith.index_cast %mul3A_371 : i32 to index
      %get3A_373 = arith.constant 0 : index
      %get3A_374 = vector.load %arg10[%get3A_372, %get3A_373] : memref<6400x256xf32, #tpu.memory_space<vmem>>, vector<32x256xf32>
      %dot_general3A_375 = arith.constant dense<0.000000e+00> : vector<32x256xf32>
      %dot_general3A_376 = tpu.matmul %mul3A_360, %get3A_57, %dot_general3A_375 {dimension_numbers = #tpu.dot_dimension_numbers<[1], [0], [0], [1], [0, 0, 1, 1], [], []>, transpose_lhs_hint = false} : vector<32x64xf32>, vector<64x256xf32>, vector<32x256xf32> -> vector<32x256xf32>
      %add3A_377 = arith.addf %get3A_374, %dot_general3A_376 : vector<32x256xf32>
      %slice3A_378 = vector.extract_strided_slice %add3A_377 {offsets = [0, 0], sizes = [32, 128], strides = [1, 1]} : vector<32x256xf32> to vector<32x128xf32>
      %logistic3A_379 = arith.negf %slice3A_378 : vector<32x128xf32>
      %logistic3A_380 = math.exp %logistic3A_379 : vector<32x128xf32>
      %logistic3A_381 = arith.constant 1.000000e+00 : f32
      %logistic3A_382 = vector.broadcast %logistic3A_381 : f32 to vector<32x128xf32>
      %logistic3A_383 = arith.addf %logistic3A_382, %logistic3A_380 : vector<32x128xf32>
      %logistic3A_384 = arith.divf %logistic3A_382, %logistic3A_383 : vector<32x128xf32>
      %slice3A_385 = vector.extract_strided_slice %add3A_377 {offsets = [0, 128], sizes = [32, 64], strides = [1, 1]} : vector<32x256xf32> to vector<32x64xf32>
      %tanh3A_386 = math.tanh %slice3A_385 : vector<32x64xf32>
      %slice3A_387 = vector.extract_strided_slice %add3A_377 {offsets = [0, 192], sizes = [32, 64], strides = [1, 1]} : vector<32x256xf32> to vector<32x64xf32>
      %logistic3A_388 = arith.negf %slice3A_387 : vector<32x64xf32>
      %logistic3A_389 = math.exp %logistic3A_388 : vector<32x64xf32>
      %logistic3A_390 = arith.constant 1.000000e+00 : f32
      %logistic3A_391 = vector.broadcast %logistic3A_390 : f32 to vector<32x64xf32>
      %logistic3A_392 = arith.addf %logistic3A_391, %logistic3A_389 : vector<32x64xf32>
      %logistic3A_393 = arith.divf %logistic3A_391, %logistic3A_392 : vector<32x64xf32>
      %slice3A_394 = vector.extract_strided_slice %logistic3A_384 {offsets = [0, 64], sizes = [32, 64], strides = [1, 1]} : vector<32x128xf32> to vector<32x64xf32>
      %mul3A_395 = arith.mulf %slice3A_394, %add3A_358 : vector<32x64xf32>
      %slice3A_396 = vector.extract_strided_slice %logistic3A_384 {offsets = [0, 0], sizes = [32, 64], strides = [1, 1]} : vector<32x128xf32> to vector<32x64xf32>
      %mul3A_397 = arith.mulf %slice3A_396, %tanh3A_386 : vector<32x64xf32>
      %add3A_398 = arith.addf %mul3A_395, %mul3A_397 : vector<32x64xf32>
      %tanh3A_399 = math.tanh %add3A_398 : vector<32x64xf32>
      %mul3A_400 = arith.mulf %logistic3A_393, %tanh3A_399 : vector<32x64xf32>
      %mul3A_401 = arith.constant 32 : i32
      %mul3A_402 = arith.muli %add3A_369, %mul3A_401 : i32
      %swap3A_403 = arith.index_cast %mul3A_402 : i32 to index
      %swap3A_404 = arith.constant 0 : index
      %swap3A_405 = vector.load %arg12[%swap3A_403, %swap3A_404] : memref<6400x64xf32, #tpu.memory_space<vmem>>, vector<32x64xf32>
      tpu.vector_store %arg12[%swap3A_403, %swap3A_404], %mul3A_400 {strides = array<i32>} : memref<6400x64xf32, #tpu.memory_space<vmem>>, vector<32x64xf32>,
      scf.yield %mul3A_400, %add3A_398 : vector<32x64xf32>, vector<32x64xf32>
    }
    %scan3A_65 = arith.constant 25 : i32
    %broadcast_in_dim3A_66 = arith.constant 1.000000e+00 : f32
    %broadcast_in_dim3A_67 = vector.broadcast %broadcast_in_dim3A_66 : f32 to vector<1x64xf32>
    %get3A_68 = arith.constant 0 : index
    %get3A_69 = arith.constant 0 : index
    %get3A_70 = vector.load %arg12[%get3A_68, %get3A_69] : memref<6400x64xf32, #tpu.memory_space<vmem>>, vector<6400x64xf32>
    %get3A_71 = arith.constant 0 : index
    %get3A_72 = arith.constant 0 : index
    %get3A_73 = vector.load %arg11[%get3A_71, %get3A_72] : memref<6400x64xf32, #tpu.memory_space<vmem>>, vector<6400x64xf32>
    %mul3A_74 = arith.mulf %get3A_70, %get3A_73 : vector<6400x64xf32>
    %dot_general3A_75 = arith.constant dense<0.000000e+00> : vector<1x6400xf32>
    %dot_general3A_76 = tpu.matmul %broadcast_in_dim3A_67, %mul3A_74, %dot_general3A_75 {dimension_numbers = #tpu.dot_dimension_numbers<[1], [1], [0], [0], [0, 0, 1, 0], [], []>, transpose_lhs_hint = false} : vector<1x64xf32>, vector<6400x64xf32>, vector<1x6400xf32> -> vector<1x6400xf32>
    %logistic3A = arith.negf %dot_general3A_76 : vector<1x6400xf32>
    %logistic3A_77 = math.exp %logistic3A : vector<1x6400xf32>
    %logistic3A_78 = arith.constant 1.000000e+00 : f32
    %logistic3A_79 = vector.broadcast %logistic3A_78 : f32 to vector<1x6400xf32>
    %logistic3A_80 = arith.addf %logistic3A_79, %logistic3A_77 : vector<1x6400xf32>
    %logistic3A_81 = arith.divf %logistic3A_79, %logistic3A_80 : vector<1x6400xf32>
    %swap3A_82 = arith.constant 0 : index
    %swap3A_83 = arith.constant 0 : index
    %swap3A_84 = vector.load %arg9[%swap3A_82, %swap3A_83] : memref<1x6400xf32, #tpu.memory_space<vmem>>, vector<1x6400xf32>
    tpu.vector_store %arg9[%swap3A_82, %swap3A_83], %logistic3A_81 {strides = array<i32>} : memref<1x6400xf32, #tpu.memory_space<vmem>>, vector<1x6400xf32>,
    return
  }
}

</mosaic_0001>

<sc_bundles>
// kernel: kernel.6.cloned.1.call-start
scs
__scs_entry_jumppad:
0x0: {  	(pc) =	sbr.rel $0x88, $3  }
0x1: {  	(tag) =	ssettag $0x0;
	lr =	simm.s32 $0x1  }
0x2: {  	[smem:$0x3F93] =	sst lr;
	_ =	strace $0xD0000000  }
0x3: {  	_ = 	snop  }
0x4: {  	_ = 	snop  }
0x5: {  	_ = 	snop  }
0x6: {  	_ = 	snop  }
0x7: {  	_ = 	snop  }
__scs_overlays_trampoline_lowered:
0x8: {  	[smem:$0x3FA2] =	sst s0  }
0x9: {  	[smem:$0x3FA3] =	sst s1  }
0xa: {  	[smem:$0x3FA4] =	sst s2  }
0xb: {  	[smem:$0x3FA5] =	sst s3  }
0xc: {  	[smem:$0x3FA6] =	sst s4  }
0xd: {  	[smem:$0x3FA7] =	sst s5  }
0xe: {  	[smem:$0x3FA8] =	sst s6  }
0xf: {  	[smem:$0x3FA9] =	sst s7  }
0x10: {  	[smem:$0x3FAA] =	sst s8  }
0x11: {  	[smem:$0x3FAB] =	sst s9;
	s0 =	simm.s32 @!p0 $0x0  }
0x12: {  	s1 =	sld [smem:$0x3F91];
	s0 =	simm.s32 @p0 $0x1  }
0x13: {  	[smem:$0x3FAC] =	sst s0;
	s0 =	simm.s32 @!p1 $0x0  }
0x14: {  	s2 =	sld [smem:$0x3F90];
	s0 =	simm.s32 @p1 $0x1  }
0x15: {  	[smem:$0x3FAD] =	sst s0;
	s0 =	simm.s32 @!p2 $0x0  }
0x16: {  	s3 =	sld [smem:$0x3FDB];
	s0 =	simm.s32 @p2 $0x1  }
0x17: {  	s4 =	simm.s32 $0x1BF5;
	[smem:$0x3FAF] =	sst s0  }
0x18: {  	s0 =	sld [smem:$0x3F92];
	_ =	swait.ge [sflag:s4], $0x0  }
0x19: {  	s7 =	sld [smem:$0x3F93]  }
0x1a: {  	s8 =	sadd.s32 $0xFFFFE003, lr  }
0x1b: {  	s9 =	sadd.s32 $0xFFFFFEF7, lr;
	s5 =	simm.s32 $0xFFFFFFFF;
	p2 =	slt.u32 s8, $0xFFFFF086  }
0x1c: {  	p1 =	slt.u32 s9, $0xF7A;
	s5 =	simm.s32 @!p2 $0x0  }
0x1d: {  	s5 =	simm.s32 @p1 $0x1;
	p0 =	seq.s32 s7, s2  }
0x1e: {  	s7 =	smul.u32 @!p0 $0xF7A, s2;
	p2 =	seq.s32 @!p0 s5, $0x0  }
0x1f: {  	s9 =	smul.u32 $0xF7A, s1;
	s8 =	simm.s32 @!p0 $0x1BF5;
	p2 =	por !p2, p0  }
0x20: {  	[sflag:s8] =	ssyncset.s32 @!p0 $0xFFFFF086;
	s6 =	sadd.s32 @!p0 s3, s7;
	s7 =	simm.s32 @!p0 $0x108  }
0x21: {  	s3 =	sadd.s32 s3, s9;
	s6 =	sadd.s32 @!p0 $0x88, s6;
	s7 =	simm.s32 @p2 $0x1082  }
0x22: {  	[simem:s7], [sflag:s8] =	dma.local @!p0 [hbm:s6], $0xF7A  }
0x23: {  	s9 =	sor.u32 $0xD0000000, s2;
	s6 =	simm.s32 $0x108;
	_ =	swait.ge @!p0 [sflag:s8], $0x0  }
0x24: {  	s3 =	sadd.s32 $0x88, s3;
	s6 =	simm.s32 @!p1 $0x1082;
	[sflag:s4] =	ssyncset.s32 $0xFFFFF086  }
0x25: {  	[simem:s6], [sflag:s4] =	dma.local [hbm:s3], $0xF7A  }
0x26: {  	[smem:$0x3F93] =	sst s1;
	(tag) =	ssettag s2;
	_ =	strace s9  }
0x27: {  	s1 =	sld [smem:$0x3FA3]  }
0x28: {  	s2 =	sld [smem:$0x3FA4]  }
0x29: {  	s4 =	sld [smem:$0x3FA6]  }
0x2a: {  	p0 =	seq.s32 s5, $0x0;
	s5 =	sld [smem:$0x3FA7]  }
0x2b: {  	s6 =	sld [smem:$0x3FA8]  }
0x2c: {  	s7 =	sld [smem:$0x3FA9]  }
0x2d: {  	s3 =	simm.s32 $0x108;
	s8 =	sld [smem:$0x3FAA]  }
0x2e: {  	s3 =	simm.s32 @!p0 $0x1082;
	s9 =	sld [smem:$0x3FAB]  }
0x2f: {  	lr =	sadd.s32 s0, s3;
	s0 =	sld [smem:$0x3FA2]  }
0x30: {  	s3 =	sld [smem:$0x3FA5]  }
0x31: {  	[smem:$0x3FAE] =	sst s10  }
0x32: {  	s10 =	sld [smem:$0x3FAC];
	_ =	sdelay $0x3  }
0x33: {  	p0 =	seq.s32 s10, $0x1;
	s10 =	sld [smem:$0x3FAE];
	_ =	sdelay $0x3  }
0x34: {  	[smem:$0x3FAE] =	sst s10  }
0x35: {  	s10 =	sld [smem:$0x3FAD];
	_ =	sdelay $0x3  }
0x36: {  	p1 =	seq.s32 s10, $0x1;
	s10 =	sld [smem:$0x3FAE];
	_ =	sdelay $0x3  }
0x37: {  	[smem:$0x3FAE] =	sst s10  }
0x38: {  	s10 =	sld [smem:$0x3FAF]  }
0x39: {  	_ = 	snop;
	(pc) =	sbr.ind lr, $3  }
0x3a: {  	_ = 	snop  }
0x3b: {  	_ = 	snop  }
0x3c: {  	p2 =	seq.s32 s10, $0x1;
	s10 =	sld [smem:$0x3FAE]  }
0x3d: {  	_ =	shalt  }
0x3e: {  	_ =	shalt  }
0x3f: {  	_ =	shalt  }
0x40: {  	_ =	shalt  }
0x41: {  	_ =	shalt  }
0x42: {  	_ =	shalt  }
0x43: {  	_ =	shalt  }
0x44: {  	_ =	shalt  }
0x45: {  	_ =	shalt  }
0x46: {  	_ =	shalt  }
0x47: {  	_ =	shalt  }
0x48: {  	_ =	shalt  }
0x49: {  	_ =	shalt  }
0x4a: {  	_ =	shalt  }
0x4b: {  	_ =	shalt  }
0x4c: {  	_ =	shalt  }
0x4d: {  	_ =	shalt  }
0x4e: {  	_ =	shalt  }
0x4f: {  	_ =	shalt  }
0x50: {  	_ =	shalt  }
0x51: {  	_ =	shalt  }
0x52: {  	_ =	shalt  }
0x53: {  	_ =	shalt  }
0x54: {  	_ =	shalt  }
0x55: {  	_ =	shalt  }
0x56: {  	_ =	shalt  }
0x57: {  	_ =	shalt  }
0x58: {  	_ =	shalt  }
0x59: {  	_ =	shalt  }
0x5a: {  	_ =	shalt  }
0x5b: {  	_ =	shalt  }
0x5c: {  	_ =	shalt  }
0x5d: {  	_ =	shalt  }
0x5e: {  	_ =	shalt  }
0x5f: {  	_ =	shalt  }
0x60: {  	_ =	shalt  }
0x61: {  	_ =	shalt  }
0x62: {  	_ =	shalt  }
0x63: {  	_ =	shalt  }
0x64: {  	_ =	shalt  }
0x65: {  	_ =	shalt  }
0x66: {  	_ =	shalt  }
0x67: {  	_ =	shalt  }
0x68: {  	_ =	shalt  }
0x69: {  	_ =	shalt  }
0x6a: {  	_ =	shalt  }
0x6b: {  	_ =	shalt  }
0x6c: {  	_ =	shalt  }
0x6d: {  	_ =	shalt  }
0x6e: {  	_ =	shalt  }
0x6f: {  	_ =	shalt  }
0x70: {  	_ =	shalt  }
0x71: {  	_ =	shalt  }
0x72: {  	_ =	shalt  }
0x73: {  	_ =	shalt  }
0x74: {  	_ =	shalt  }
0x75: {  	_ =	shalt  }
0x76: {  	_ =	shalt  }
0x77: {  	_ =	shalt  }
0x78: {  	_ =	shalt  }
0x79: {  	_ =	shalt  }
0x7a: {  	_ =	shalt  }
0x7b: {  	_ =	shalt  }
0x7c: {  	_ =	shalt  }
0x7d: {  	_ =	shalt  }
0x7e: {  	_ =	shalt  }
0x7f: {  	_ =	shalt  }
0x80: {  	_ =	shalt  }
0x81: {  	_ =	shalt  }
0x82: {  	_ =	shalt  }
0x83: {  	_ =	shalt  }
0x84: {  	_ =	shalt  }
0x85: {  	_ =	shalt  }
0x86: {  	_ =	shalt  }
0x87: {  	_ =	shalt  }
.Lfunc_end0:
.L_simem_size_0:
called_computation_lowered:
.L_overlay_start_0:
0x88: {  	s2 =	sld [smem:$0x3FD9]  }
0x89: {  	s3 =	sld [smem:$0x3FFE];
	_ =	sdelay $0x1  }
0x8a: {  	s1 =	srdreg.scid  }
0x8b: {  	s0 =	sand.u32 $0x1, s1  }
0x8c: {  	s17 =	sshll.u32 s0, $0xA;
	s2 =	sadd.s32 s3, s2  }
0x8d: {  	s2 =	sadd.s32 s2, s17  }
0x8e: {  	[smem:$0x3FBA] =	sst s2  }
0x8f: {  	_ = 	snop  }
0x90: {  	s2 =	sld [smem:$0x3FD0];
	(tm) =	ssettm $0x1  }
0x91: {  	s18 =	sld [smem:$0x3FFB];
	_ =	sdelay $0x3  }
0x92: {  	_ =	strace s18  }
0x93: {  	s3 =	sld [smem:$0x3FFC];
	_ =	sdelay $0x3  }
0x94: {  	_ =	strace s3  }
0x95: {  	s3 =	sld [smem:$0x3FFD];
	_ =	sdelay $0x3  }
0x96: {  	_ =	strace s3  }
0x97: {  	_ =	strace $0x8FFFFFFF  }
0x98: {  	s19 =	sld [smem:$0x3FDB];
	_ =	sdelay $0x1  }
0x99: {  	s4 =	simm.s32 $_scs_section_size  }
0x9a: {  	s5 =	simm.s32 $_size__tile_overlayer_lowered;
	s6 =	simm.s32 $_tile_overlayer_lowered  }
0x9b: {  	s22 =	simm.s32 $0x1BFF;
	s21 =	sshll.u32 s6, $0x1;
	s3 =	sadd.s32 s4, s19  }
0x9c: {  	s7 =	simm.s32 $0x0;
	s20 =	sshll.u32 s5, $0x1;
	s5 =	sadd.s32 s21, s3  }
0x9d: {  	[timem:s7], [sflag:s22] =	dma.local [hbm:s5], s20  }
0x9e: {  	_ =	swait.ge [sflag:s22], s20  }
0x9f: {  	s4 =	ssub.s32 $0x0, s20;
	[sflag:s22] =	ssyncset.done $0x0  }
0xa0: {  	[sflag:s22] =	ssyncadd.s32 s4;
	_ =	sdelay $0x1  }
0xa1: {  	s23 =	simm.s32 $0x1B8B  }
0xa2: {  	_ =	swait.ge [sflag:s23], $0x1  }
0xa3: {  	[sflag:s23] =	ssyncset.done $0x0  }
0xa4: {  	s25 =	simm.s32 $0x1B8E;
	s24 =	sld [smem:$0x3FFE];
	[sflag:s23] =	ssyncadd.s32 $0xFFFFFFFF  }
0xa5: {  	s26 =	simm.s32 $execute0_lowered;
	[smem:$0x3FD2] =	sst s25  }
0xa6: {  	s5 =	sshll.u32 s26, $0x1;
	_ =	strace $0x80000046;
	[dreg:$0x1] =	wrdreg $0xFFFFFFFF  }
0xa7: {  	s28 =	simm.s32 $_size_execute0_lowered;
	s3 =	sadd.s32 s3, s5;
	[dreg:$0x0] =	wrdreg $0x0  }
0xa8: {  	s5 =	sshll.u32 s28, $0x1;
	[dreg:$0x2] =	wrdreg s3  }
0xa9: {  	[dreg:$0x3] =	wrdreg s5  }
0xaa: {  	[dreg:$0x4] =	wrdreg $0xC0  }
0xab: {  	_ =	task [dreg:s7], $0x5FFFF  }
0xac: {  	[dreg:$0x1] =	wrdreg $0xFFFFFFFF  }
0xad: {  	[dreg:$0x0] =	wrdreg $0x60  }
0xae: {  	[dreg:$0x2] =	wrdreg s24  }
0xaf: {  	[dreg:$0x3] =	wrdreg s2  }
0xb0: {  	[dreg:$0x4] =	wrdreg $0x9  }
0xb1: {  	_ =	task.clear_ibuf [dreg:s7], $0x5FFFF;
	_ =	strace $0x90000046  }
0xb2: {  	s29 =	simm.s32 $0x9;
	_ =	strace $0x80000048  }
0xb3: {  	_ =	swait.ge [sflag:s29], $0x1  }
0xb4: {  	[sflag:s29] =	ssyncadd.s32 $0xFFFFFFFF  }
0xb5: {  	_ =	strace $0x90000048  }
0xb6: {  	_ =	sfence  }
0xb7: {  	s30 =	sld [smem:$0x0];
	_ =	sdelay $0x2  }
0xb8: {  	s31 =	sshll.u32 s1, $0xD;
	s1 =	sshrl.u32 s1, $0x2  }
0xb9: {  	s3 =	sand.u32 $0x4000, s31;
	s1 =	sadd.s32 s1, s30  }
0xba: {  	s0 =	sor.u32 s3, s0;
	s1 =	sshll.u32 s1, $0x11  }
0xbb: {  	s0 =	sor.u32 s1, s0  }
0xbc: {  	s0 =	sadd.s32 $0x8F2B, s0  }
0xbd: {  	[sflag:s0] =	ssyncadd.remote.s32 $0x1  }
0xbe: {  	_ =	sfence.sel $0xFFFF  }
0xbf: {  	[dreg:$0x0] =	wrdreg $0xFFFFFFFF;
	(pc) =	sbr.abs _section_cstart, $3  }
0xc0: {  	[dreg:$0x1] =	wrdreg $0xFFFFFFFF  }
0xc1: {  	_ =	task.clear_ibuf [dreg:s7], $0x2FFFF;
	_ =	strace $0x9FFFFFFF  }
0xc2: {  	(tm) =	ssettm $0x7FFFFFFF  }
0xc3: {  	_ =	shalt  }
tec
execute0_lowered:
.L_overlay_start_1:
0x0: {  	(tag) =	ssettag $0x1  }
0x1: {  	s5 =	rddreg [dreg:$0x0]  }
0x2: {  	s6 =	rddreg [dreg:$0x1]  }
0x3: {  	s0 =	rddreg [dreg:$0x2]  }
0x4: {  	s3 =	srdreg.scid;
	s1 =	stileid.u32;
	s2 =	simm.s32 $0x0  }
0x5: {  	s13 =	simm.s32 $0x2D0;
	s14 =	simm.s32 $0x22D0;
	s15 =	simm.s32 $0x100  }
0x6: {  	s16 =	simm.s32 $0x42D0;
	s17 =	simm.s32 $0x180;
	s18 =	simm.s32 $0x62D0  }
0x7: {  	s19 =	simm.s32 $0x64;
	s20 =	simm.s32 $0x92D0;
	s21 =	simm.s32 $0x268  }
0x8: {  	s22 =	simm.s32 $0x95F0;
	s23 =	simm.s32 $0x1;
	s24 =	simm.s32 $0x82D0  }
0x9: {  	s25 =	simm.s32 $0x2;
	s26 =	simm.s32 $0x0;
	s7 =	sand.u32 $0x1, s3  }
0xa: {  	s31 =	sshll.u32 s1, $0x1;
	[smem:$0x7FF] =	sst s2;
	s3 =	sadd.s32 $0x189400, s5  }
0xb: {  	s4 =	sadd.s32 $0x24CA00, s5;
	s8 =	sor.u32 s7, s31;
	_ =	strace $0x80000047  }
0xc: {  	s7 =	ssub.s32 $0x2, s7;
	s9 =	sshll.u32 s8, $0x6;
	s11 =	smul.u32 $0xC8, s8  }
0xd: {  	s10 =	sshll.u32 s8, $0x9;
	s12 =	sshrl.u32 s7, $0x1;
	s8 =	smul.u32 $0x1A, s8  }
0xe: {  	s9 =	sadd.s32 s9, s5;
	s10 =	sadd.s32 s10, s5;
	s12 =	ssub.s32 s7, s12  }
0xf: {  	s11 =	sadd.s32 s11, s5;
	s5 =	sadd.s32 $0x2A00, s9;
	s6 =	sadd.s32 s6, s8  }
0x10: {  	s7 =	sadd.s32 $0x3200, s10;
	s9 =	smax.u32 s12, $0x1;
	s10 =	simm.s32 $0x3  }
0x11: {  	s12 =	simm.s32 $0x80;
	s8 =	sadd.s32 $0x7200, s11;
	s11 =	simm.s32 $0x200  }
.LBB2_1:
0x12: {  	[tilespmem:s2], [sflag:$0x3] =	stream.linear.gather [hbm4b:s5+s2], $0x200, $0x38;
	[tilespmem:$0x9910] =	vst v63  }
0x13: {  	_ =	swait.ge [sflag:s10], $0x200  }
0x14: {  	[sflag:s10] =	ssyncset.done $0x0  }
0x15: {  	[sflag:s10] =	ssyncadd.s32 $0xFFFFFE00  }
0x16: {  	[tilespmem:s11], [sflag:$0x3] =	stream.linear.gather [hbm4b:s6+s2], $0xD0, $0x38;
	[tilespmem:$0x9910] =	vst v63  }
0x17: {  	_ =	swait.ge [sflag:s10], $0xD0  }
0x18: {  	[sflag:s10] =	ssyncset.done $0x0  }
0x19: {  	[sflag:s10] =	ssyncadd.s32 $0xFFFFFF30  }
0x1a: {  	[tilespmem:s13], [sflag:$0x1] =	stream.indirect.gather [hbm4b:s3+s12], $0x40, s2, s12, $0xb8;
	[tilespmem:$0x9910] =	vst v63  }
0x1b: {  	_ = 	snop  }
0x1c: {  	[tilespmem:s14], [sflag:$0x1] =	stream.indirect.gather [hbm4b:s3+s12], $0x40, s12, s12, $0xb8;
	[tilespmem:$0x9910] =	vst v63  }
0x1d: {  	_ = 	snop  }
0x1e: {  	[tilespmem:s16], [sflag:$0x1] =	stream.indirect.gather [hbm4b:s3+s12], $0x40, s15, s12, $0xb8;
	[tilespmem:$0x9910] =	vst v63  }
0x1f: {  	_ = 	snop  }
0x20: {  	[tilespmem:s18], [sflag:$0x1] =	stream.indirect.gather [hbm4b:s3+s12], $0x40, s17, s12, $0xb8;
	[tilespmem:$0x9910] =	vst v63  }
0x21: {  	_ = 	snop  }
0x22: {  	[tilespmem:s20], [sflag:$0x2] =	stream.indirect.gather [hbm4b:s4+s19], $0x8, s11, s19, $0xb8;
	[tilespmem:$0x9910] =	vst v63  }
0x23: {  	_ = 	snop  }
0x24: {  	[tilespmem:s22], [sflag:$0x2] =	stream.indirect.gather [hbm4b:s4+s19], $0x8, s21, s19, $0xb8;
	[tilespmem:$0x9910] =	vst v63  }
0x25: {  	_ =	swait.ge [sflag:s23], $0x2000  }
0x26: {  	[sflag:s23] =	ssyncset.done $0x0  }
0x27: {  	[sflag:s23] =	ssyncadd.s32 $0xFFFFE000  }
0x28: {  	_ =	swait.ge [sflag:s23], $0x2000  }
0x29: {  	[sflag:s23] =	ssyncset.done $0x0  }
0x2a: {  	[sflag:s23] =	ssyncadd.s32 $0xFFFFE000  }
0x2b: {  	_ =	swait.ge [sflag:s23], $0x2000  }
0x2c: {  	[sflag:s23] =	ssyncset.done $0x0  }
0x2d: {  	[sflag:s23] =	ssyncadd.s32 $0xFFFFE000  }
0x2e: {  	_ =	swait.ge [sflag:s23], $0x2000  }
0x2f: {  	[sflag:s23] =	ssyncset.done $0x0  }
0x30: {  	s28 =	simm.s32 $0x3D0;
	[sflag:s23] =	ssyncadd.s32 $0xFFFFE000  }
0x31: {  	v0 =	vld [tilespmem:s28+$0xFFFFFF40]  }
0x32: {  	v1 =	vld [tilespmem:s28+$0xFFFFFF00];
	_ =	sdelay $0x1  }
0x33: {  	v2 =	vld [tilespmem:s28+$0xFFFFFF80];
	_ =	sdelay $0x1  }
0x34: {  	v3 =	vld [tilespmem:s28+$0xFFFFFFC0]  }
0x35: {  	v0 =	vadd.f32 v0, v1  }
0x36: {  	v1 =	vld [tilespmem:s28+$0x0]  }
0x37: {  	v0 =	vadd.f32 v2, v0  }
0x38: {  	v2 =	vld [tilespmem:s28+$0x40]  }
0x39: {  	v0 =	vadd.f32 v3, v0  }
0x3a: {  	v3 =	vld [tilespmem:s28+$0x80]  }
0x3b: {  	v0 =	vadd.f32 v1, v0  }
0x3c: {  	v1 =	vld [tilespmem:s28+$0xC0]  }
0x3d: {  	v0 =	vadd.f32 v2, v0;
	_ =	sdelay $0x1  }
0x3e: {  	v0 =	vadd.f32 v3, v0;
	_ =	sdelay $0x1  }
0x3f: {  	v0 =	vadd.f32 v1, v0;
	_ =	sdelay $0x1  }
0x40: {  	v0 =	vmul.f32 $1.250000000e-01, v0  }
0x41: {  	s29 =	simm.s32 $0x0  }
0x42: {  	[tilespmem:s29+$0x82D0] =	vst v0  }
0x43: {  	v0 =	vld [tilespmem:s28+$0xFFFFFF10]  }
0x44: {  	v1 =	vld [tilespmem:s28+$0xFFFFFF50];
	_ =	sdelay $0x1  }
0x45: {  	v2 =	vld [tilespmem:s28+$0xFFFFFF90];
	_ =	sdelay $0x1  }
0x46: {  	v3 =	vld [tilespmem:s28+$0xFFFFFFD0]  }
0x47: {  	v0 =	vadd.f32 v1, v0  }
0x48: {  	v1 =	vld [tilespmem:s28+$0x10]  }
0x49: {  	v0 =	vadd.f32 v2, v0  }
0x4a: {  	v2 =	vld [tilespmem:s28+$0x50]  }
0x4b: {  	v0 =	vadd.f32 v3, v0  }
0x4c: {  	v3 =	vld [tilespmem:s28+$0x90]  }
0x4d: {  	v0 =	vadd.f32 v1, v0  }
0x4e: {  	v1 =	vld [tilespmem:s28+$0xD0]  }
0x4f: {  	v0 =	vadd.f32 v2, v0;
	_ =	sdelay $0x1  }
0x50: {  	v0 =	vadd.f32 v3, v0;
	_ =	sdelay $0x1  }
0x51: {  	v0 =	vadd.f32 v1, v0;
	_ =	sdelay $0x1  }
0x52: {  	v0 =	vmul.f32 $1.250000000e-01, v0;
	_ =	sdelay $0x1  }
0x53: {  	[tilespmem:s29+$0x82E0] =	vst v0  }
0x54: {  	v0 =	vld [tilespmem:s28+$0xFFFFFF20]  }
0x55: {  	v1 =	vld [tilespmem:s28+$0xFFFFFF60];
	_ =	sdelay $0x1  }
0x56: {  	v2 =	vld [tilespmem:s28+$0xFFFFFFA0];
	_ =	sdelay $0x1  }
0x57: {  	v3 =	vld [tilespmem:s28+$0xFFFFFFE0]  }
0x58: {  	v0 =	vadd.f32 v1, v0  }
0x59: {  	v1 =	vld [tilespmem:s28+$0x20]  }
0x5a: {  	v0 =	vadd.f32 v2, v0  }
0x5b: {  	v2 =	vld [tilespmem:s28+$0x60]  }
0x5c: {  	v0 =	vadd.f32 v3, v0  }
0x5d: {  	v3 =	vld [tilespmem:s28+$0xA0]  }
0x5e: {  	v0 =	vadd.f32 v1, v0  }
0x5f: {  	v1 =	vld [tilespmem:s28+$0xE0]  }
0x60: {  	v0 =	vadd.f32 v2, v0;
	_ =	sdelay $0x1  }
0x61: {  	v0 =	vadd.f32 v3, v0;
	_ =	sdelay $0x1  }
0x62: {  	v0 =	vadd.f32 v1, v0;
	_ =	sdelay $0x1  }
0x63: {  	v0 =	vmul.f32 $1.250000000e-01, v0;
	_ =	sdelay $0x1  }
0x64: {  	[tilespmem:s29+$0x82F0] =	vst v0  }
0x65: {  	v0 =	vld [tilespmem:s28+$0xFFFFFF30]  }
0x66: {  	v1 =	vld [tilespmem:s28+$0xFFFFFF70];
	_ =	sdelay $0x1  }
0x67: {  	v2 =	vld [tilespmem:s28+$0xFFFFFFB0];
	_ =	sdelay $0x1  }
0x68: {  	v3 =	vld [tilespmem:s28+$0xFFFFFFF0]  }
0x69: {  	v0 =	vadd.f32 v1, v0  }
0x6a: {  	v1 =	vld [tilespmem:s28+$0x30]  }
0x6b: {  	v0 =	vadd.f32 v2, v0  }
0x6c: {  	v2 =	vld [tilespmem:s28+$0x70]  }
0x6d: {  	v0 =	vadd.f32 v3, v0;
	_ =	sdelay $0x1  }
0x6e: {  	v3 =	vld [tilespmem:s28+$0xB0];
	v0 =	vadd.f32 v1, v0;
	_ =	sdelay $0x1  }
0x6f: {  	v1 =	vadd.f32 v2, v0;
	v0 =	vld [tilespmem:s28+$0xF0];
	_ =	sdelay $0x2  }
0x70: {  	s30 =	simm.s32 $0x100;
	v1 =	vadd.f32 v3, v1  }
.LBB2_2:
0x71: {  	p0 =	sne.s32 s30, $0x3F00  }
0x72: {  	s28 =	sadd.s32 $0x200, s28;
	s31 =	smov.u32 s30;
	s30 =	sadd.s32 $0x100, s30;
	v0 =	vadd.f32 v0, v1  }
0x73: {  	_ = 	snop  }
0x74: {  	v0 =	vmul.f32 $1.250000000e-01, v0;
	_ =	sdelay $0x1  }
0x75: {  	[tilespmem:s29+$0x8300] =	vst v0  }
0x76: {  	v0 =	vld [tilespmem:s28+$0xFFFFFF40]  }
0x77: {  	v1 =	vld [tilespmem:s28+$0xFFFFFF00];
	_ =	sdelay $0x1  }
0x78: {  	v2 =	vld [tilespmem:s28+$0xFFFFFF80];
	_ =	sdelay $0x1  }
0x79: {  	v3 =	vld [tilespmem:s28+$0xFFFFFFC0]  }
0x7a: {  	v0 =	vadd.f32 v0, v1  }
0x7b: {  	v1 =	vld [tilespmem:s28+$0x0]  }
0x7c: {  	v0 =	vadd.f32 v2, v0  }
0x7d: {  	v2 =	vld [tilespmem:s28+$0x40]  }
0x7e: {  	v0 =	vadd.f32 v3, v0  }
0x7f: {  	v3 =	vld [tilespmem:s28+$0x80]  }
0x80: {  	v0 =	vadd.f32 v1, v0  }
0x81: {  	v1 =	vld [tilespmem:s28+$0xC0]  }
0x82: {  	v0 =	vadd.f32 v2, v0;
	_ =	sdelay $0x1  }
0x83: {  	v0 =	vadd.f32 v3, v0;
	_ =	sdelay $0x1  }
0x84: {  	v0 =	vadd.f32 v1, v0;
	_ =	sdelay $0x1  }
0x85: {  	v0 =	vmul.f32 $1.250000000e-01, v0  }
0x86: {  	s29 =	sshra.s32 s31, $0x2  }
0x87: {  	[tilespmem:s29+$0x82D0] =	vst v0  }
0x88: {  	v0 =	vld [tilespmem:s28+$0xFFFFFF10]  }
0x89: {  	v1 =	vld [tilespmem:s28+$0xFFFFFF50];
	_ =	sdelay $0x1  }
0x8a: {  	v2 =	vld [tilespmem:s28+$0xFFFFFF90];
	_ =	sdelay $0x1  }
0x8b: {  	v3 =	vld [tilespmem:s28+$0xFFFFFFD0]  }
0x8c: {  	v0 =	vadd.f32 v1, v0  }
0x8d: {  	v1 =	vld [tilespmem:s28+$0x10]  }
0x8e: {  	v0 =	vadd.f32 v2, v0  }
0x8f: {  	v2 =	vld [tilespmem:s28+$0x50]  }
0x90: {  	v0 =	vadd.f32 v3, v0  }
0x91: {  	v3 =	vld [tilespmem:s28+$0x90]  }
0x92: {  	v0 =	vadd.f32 v1, v0  }
0x93: {  	v1 =	vld [tilespmem:s28+$0xD0]  }
0x94: {  	v0 =	vadd.f32 v2, v0;
	_ =	sdelay $0x1  }
0x95: {  	v0 =	vadd.f32 v3, v0;
	_ =	sdelay $0x1  }
0x96: {  	v0 =	vadd.f32 v1, v0;
	_ =	sdelay $0x1  }
0x97: {  	v0 =	vmul.f32 $1.250000000e-01, v0;
	_ =	sdelay $0x1  }
0x98: {  	[tilespmem:s29+$0x82E0] =	vst v0  }
0x99: {  	v0 =	vld [tilespmem:s28+$0xFFFFFF20]  }
0x9a: {  	v1 =	vld [tilespmem:s28+$0xFFFFFF60];
	_ =	sdelay $0x1  }
0x9b: {  	v2 =	vld [tilespmem:s28+$0xFFFFFFA0];
	_ =	sdelay $0x1  }
0x9c: {  	v3 =	vld [tilespmem:s28+$0xFFFFFFE0]  }
0x9d: {  	v0 =	vadd.f32 v1, v0  }
0x9e: {  	v1 =	vld [tilespmem:s28+$0x20]  }
0x9f: {  	v0 =	vadd.f32 v2, v0  }
0xa0: {  	v2 =	vld [tilespmem:s28+$0x60]  }
0xa1: {  	v0 =	vadd.f32 v3, v0  }
0xa2: {  	v3 =	vld [tilespmem:s28+$0xA0]  }
0xa3: {  	v0 =	vadd.f32 v1, v0  }
0xa4: {  	v1 =	vld [tilespmem:s28+$0xE0]  }
0xa5: {  	v0 =	vadd.f32 v2, v0;
	_ =	sdelay $0x1  }
0xa6: {  	v0 =	vadd.f32 v3, v0;
	_ =	sdelay $0x1  }
0xa7: {  	v0 =	vadd.f32 v1, v0;
	_ =	sdelay $0x1  }
0xa8: {  	v0 =	vmul.f32 $1.250000000e-01, v0;
	_ =	sdelay $0x1  }
0xa9: {  	[tilespmem:s29+$0x82F0] =	vst v0  }
0xaa: {  	v0 =	vld [tilespmem:s28+$0xFFFFFF30]  }
0xab: {  	v1 =	vld [tilespmem:s28+$0xFFFFFF70]  }
0xac: {  	v2 =	vld [tilespmem:s28+$0xFFFFFFB0]  }
0xad: {  	v3 =	vld [tilespmem:s28+$0xFFFFFFF0]  }
0xae: {  	v4 =	vld [tilespmem:s28+$0x30]  }
0xaf: {  	v5 =	vld [tilespmem:s28+$0x70]  }
0xb0: {  	v1 =	vadd.f32 v1, v0;
	v6 =	vld [tilespmem:s28+$0xB0]  }
0xb1: {  	v0 =	vld [tilespmem:s28+$0xF0]  }
0xb2: {  	v1 =	vadd.f32 v2, v1;
	_ =	sdelay $0x1  }
0xb3: {  	v1 =	vadd.f32 v3, v1;
	_ =	sdelay $0x1  }
.Ltmp0:
0xb4: {  	v1 =	vadd.f32 v4, v1;
	(pc) =	sbr.rel @p0 .LBB2_2-.Ltmp0, $3  }
0xb5: {  	_ = 	snop  }
0xb6: {  	v1 =	vadd.f32 v5, v1;
	_ =	sdelay $0x1  }
0xb7: {  	v1 =	vadd.f32 v6, v1  }
0xb8: {  	_ = 	snop  }
0xb9: {  	v0 =	vadd.f32 v0, v1;
	_ =	sdelay $0x1  }
0xba: {  	v0 =	vmul.f32 $1.250000000e-01, v0;
	_ =	sdelay $0x1  }
0xbb: {  	[tilespmem:s29+$0x8300] =	vst v0  }
0xbc: {  	[hbm4b:s7+s2] =	stream.linear.scatter [tilespmem:s24], [sflag:$0x3], $0x1000, $0x38;
	[tilespmem:$0x9910] =	vst v63  }
0xbd: {  	_ =	swait.ge [sflag:s10], $0x1000  }
0xbe: {  	[sflag:s10] =	ssyncset.done $0x0  }
0xbf: {  	[sflag:s10] =	ssyncadd.s32 $0xFFFFF000  }
0xc0: {  	_ =	swait.ge [sflag:s25], $0x320  }
0xc1: {  	[sflag:s25] =	ssyncset.done $0x0  }
0xc2: {  	[sflag:s25] =	ssyncadd.s32 $0xFFFFFCE0  }
0xc3: {  	s26 =	sadd.s32 $0x1, s26;
	_ =	swait.ge [sflag:s25], $0x320  }
0xc4: {  	p0 =	sne.s32 s26, s9;
	[sflag:s25] =	ssyncset.done $0x0  }
.Ltmp1:
0xc5: {  	[sflag:s25] =	ssyncadd.s32 $0xFFFFFCE0;
	(pc) =	sbr.rel @p0 .LBB2_1-.Ltmp1, $4  }
0xc6: {  	[hbm4b:s8+s2] =	stream.linear.scatter [tilespmem:s20], [sflag:$0x3], $0x640, $0x38;
	[tilespmem:$0x9910] =	vst v63  }
0xc7: {  	_ =	swait.ge [sflag:s10], $0x640  }
0xc8: {  	[sflag:s10] =	ssyncset.done $0x0  }
0xc9: {  	[sflag:s10] =	ssyncadd.s32 $0xFFFFF9C0  }
0xca: {  	_ =	sfence.sel $0x180000  }
0xcb: {  	[bflag:$0x0] =	sbarrier.arrive $0xFFFF  }
0xcc: {  	p0 =	sne.s32 s1, $0x0;
	_ =	strace $0x90000047  }
0xcd: {  	s0 =	sadd.s32 @!p0 $0x100000, s0;
	[bflag:$0x2] =	sbarrier.arrive $0xFFFF  }
0xce: {  	[sflag:s0] =	ssyncadd.tile.s32 @!p0 $0x1;
	_ =	shalt  }
.Lfunc_end2:
_tile_overlayer_lowered:
.L_overlay_start_2:
0xcf: {  	(tag) =	ssettag $0x2  }
0xd0: {  	s0 =	rddreg [dreg:$0x0];
	s2 =	stileid.u32  }
0xd1: {  	s1 =	rddreg [dreg:$0x1];
	p0 =	sne.s32 s2, $0x0  }
0xd2: {  	s3 =	rddreg [dreg:$0x2];
	[bflag:$0x3] =	sbarrier.arrive $0xFFFF;
	s2 =	simm.s32 @!p0 $0x1C03  }
0xd3: {  	[timem:s3], [sflag:s2] =	dma.local @!p0 [hbm:s0], s1  }
0xd4: {  	s0 =	simm.s32 @!p0 $0x3  }
0xd5: {  	_ =	swait.ge @!p0 [sflag:s0], s1  }
0xd6: {  	s1 =	ssub.s32 @!p0 $0x0, s1;
	[sflag:s0] =	ssyncset.done @!p0 $0x0  }
0xd7: {  	[sflag:s0] =	ssyncadd.s32 @!p0 s1  }
0xd8: {  	[bflag:$0x3] =	sbarrier.arrive $0xFFFF  }
0xd9: {  	_ =	shalt  }

// kernel: kernel.9.cloned.1.call-start
scs
__scs_entry_jumppad:
0x0: {  	(pc) =	sbr.rel $0x88, $3  }
0x1: {  	(tag) =	ssettag $0x0;
	lr =	simm.s32 $0x1  }
0x2: {  	[smem:$0x3F93] =	sst lr;
	_ =	strace $0xD0000000  }
0x3: {  	_ = 	snop  }
0x4: {  	_ = 	snop  }
0x5: {  	_ = 	snop  }
0x6: {  	_ = 	snop  }
0x7: {  	_ = 	snop  }
__scs_overlays_trampoline_lowered:
0x8: {  	[smem:$0x3FA2] =	sst s0  }
0x9: {  	[smem:$0x3FA3] =	sst s1  }
0xa: {  	[smem:$0x3FA4] =	sst s2  }
0xb: {  	[smem:$0x3FA5] =	sst s3  }
0xc: {  	[smem:$0x3FA6] =	sst s4  }
0xd: {  	[smem:$0x3FA7] =	sst s5  }
0xe: {  	[smem:$0x3FA8] =	sst s6  }
0xf: {  	[smem:$0x3FA9] =	sst s7  }
0x10: {  	[smem:$0x3FAA] =	sst s8  }
0x11: {  	[smem:$0x3FAB] =	sst s9;
	s0 =	simm.s32 @!p0 $0x0  }
0x12: {  	s1 =	sld [smem:$0x3F91];
	s0 =	simm.s32 @p0 $0x1  }
0x13: {  	[smem:$0x3FAC] =	sst s0;
	s0 =	simm.s32 @!p1 $0x0  }
0x14: {  	s2 =	sld [smem:$0x3F90];
	s0 =	simm.s32 @p1 $0x1  }
0x15: {  	[smem:$0x3FAD] =	sst s0;
	s0 =	simm.s32 @!p2 $0x0  }
0x16: {  	s3 =	sld [smem:$0x3FDB];
	s0 =	simm.s32 @p2 $0x1  }
0x17: {  	s4 =	simm.s32 $0x1BF5;
	[smem:$0x3FAF] =	sst s0  }
0x18: {  	s0 =	sld [smem:$0x3F92];
	_ =	swait.ge [sflag:s4], $0x0  }
0x19: {  	s7 =	sld [smem:$0x3F93]  }
0x1a: {  	s8 =	sadd.s32 $0xFFFFE003, lr  }
0x1b: {  	s9 =	sadd.s32 $0xFFFFFEF7, lr;
	s5 =	simm.s32 $0xFFFFFFFF;
	p2 =	slt.u32 s8, $0xFFFFF086  }
0x1c: {  	p1 =	slt.u32 s9, $0xF7A;
	s5 =	simm.s32 @!p2 $0x0  }
0x1d: {  	s5 =	simm.s32 @p1 $0x1;
	p0 =	seq.s32 s7, s2  }
0x1e: {  	s7 =	smul.u32 @!p0 $0xF7A, s2;
	p2 =	seq.s32 @!p0 s5, $0x0  }
0x1f: {  	s9 =	smul.u32 $0xF7A, s1;
	s8 =	simm.s32 @!p0 $0x1BF5;
	p2 =	por !p2, p0  }
0x20: {  	[sflag:s8] =	ssyncset.s32 @!p0 $0xFFFFF086;
	s6 =	sadd.s32 @!p0 s3, s7;
	s7 =	simm.s32 @!p0 $0x108  }
0x21: {  	s3 =	sadd.s32 s3, s9;
	s6 =	sadd.s32 @!p0 $0x88, s6;
	s7 =	simm.s32 @p2 $0x1082  }
0x22: {  	[simem:s7], [sflag:s8] =	dma.local @!p0 [hbm:s6], $0xF7A  }
0x23: {  	s9 =	sor.u32 $0xD0000000, s2;
	s6 =	simm.s32 $0x108;
	_ =	swait.ge @!p0 [sflag:s8], $0x0  }
0x24: {  	s3 =	sadd.s32 $0x88, s3;
	s6 =	simm.s32 @!p1 $0x1082;
	[sflag:s4] =	ssyncset.s32 $0xFFFFF086  }
0x25: {  	[simem:s6], [sflag:s4] =	dma.local [hbm:s3], $0xF7A  }
0x26: {  	[smem:$0x3F93] =	sst s1;
	(tag) =	ssettag s2;
	_ =	strace s9  }
0x27: {  	s1 =	sld [smem:$0x3FA3]  }
0x28: {  	s2 =	sld [smem:$0x3FA4]  }
0x29: {  	s4 =	sld [smem:$0x3FA6]  }
0x2a: {  	p0 =	seq.s32 s5, $0x0;
	s5 =	sld [smem:$0x3FA7]  }
0x2b: {  	s6 =	sld [smem:$0x3FA8]  }
0x2c: {  	s7 =	sld [smem:$0x3FA9]  }
0x2d: {  	s3 =	simm.s32 $0x108;
	s8 =	sld [smem:$0x3FAA]  }
0x2e: {  	s3 =	simm.s32 @!p0 $0x1082;
	s9 =	sld [smem:$0x3FAB]  }
0x2f: {  	lr =	sadd.s32 s0, s3;
	s0 =	sld [smem:$0x3FA2]  }
0x30: {  	s3 =	sld [smem:$0x3FA5]  }
0x31: {  	[smem:$0x3FAE] =	sst s10  }
0x32: {  	s10 =	sld [smem:$0x3FAC];
	_ =	sdelay $0x3  }
0x33: {  	p0 =	seq.s32 s10, $0x1;
	s10 =	sld [smem:$0x3FAE];
	_ =	sdelay $0x3  }
0x34: {  	[smem:$0x3FAE] =	sst s10  }
0x35: {  	s10 =	sld [smem:$0x3FAD];
	_ =	sdelay $0x3  }
0x36: {  	p1 =	seq.s32 s10, $0x1;
	s10 =	sld [smem:$0x3FAE];
	_ =	sdelay $0x3  }
0x37: {  	[smem:$0x3FAE] =	sst s10  }
0x38: {  	s10 =	sld [smem:$0x3FAF]  }
0x39: {  	_ = 	snop;
	(pc) =	sbr.ind lr, $3  }
0x3a: {  	_ = 	snop  }
0x3b: {  	_ = 	snop  }
0x3c: {  	p2 =	seq.s32 s10, $0x1;
	s10 =	sld [smem:$0x3FAE]  }
0x3d: {  	_ =	shalt  }
0x3e: {  	_ =	shalt  }
0x3f: {  	_ =	shalt  }
0x40: {  	_ =	shalt  }
0x41: {  	_ =	shalt  }
0x42: {  	_ =	shalt  }
0x43: {  	_ =	shalt  }
0x44: {  	_ =	shalt  }
0x45: {  	_ =	shalt  }
0x46: {  	_ =	shalt  }
0x47: {  	_ =	shalt  }
0x48: {  	_ =	shalt  }
0x49: {  	_ =	shalt  }
0x4a: {  	_ =	shalt  }
0x4b: {  	_ =	shalt  }
0x4c: {  	_ =	shalt  }
0x4d: {  	_ =	shalt  }
0x4e: {  	_ =	shalt  }
0x4f: {  	_ =	shalt  }
0x50: {  	_ =	shalt  }
0x51: {  	_ =	shalt  }
0x52: {  	_ =	shalt  }
0x53: {  	_ =	shalt  }
0x54: {  	_ =	shalt  }
0x55: {  	_ =	shalt  }
0x56: {  	_ =	shalt  }
0x57: {  	_ =	shalt  }
0x58: {  	_ =	shalt  }
0x59: {  	_ =	shalt  }
0x5a: {  	_ =	shalt  }
0x5b: {  	_ =	shalt  }
0x5c: {  	_ =	shalt  }
0x5d: {  	_ =	shalt  }
0x5e: {  	_ =	shalt  }
0x5f: {  	_ =	shalt  }
0x60: {  	_ =	shalt  }
0x61: {  	_ =	shalt  }
0x62: {  	_ =	shalt  }
0x63: {  	_ =	shalt  }
0x64: {  	_ =	shalt  }
0x65: {  	_ =	shalt  }
0x66: {  	_ =	shalt  }
0x67: {  	_ =	shalt  }
0x68: {  	_ =	shalt  }
0x69: {  	_ =	shalt  }
0x6a: {  	_ =	shalt  }
0x6b: {  	_ =	shalt  }
0x6c: {  	_ =	shalt  }
0x6d: {  	_ =	shalt  }
0x6e: {  	_ =	shalt  }
0x6f: {  	_ =	shalt  }
0x70: {  	_ =	shalt  }
0x71: {  	_ =	shalt  }
0x72: {  	_ =	shalt  }
0x73: {  	_ =	shalt  }
0x74: {  	_ =	shalt  }
0x75: {  	_ =	shalt  }
0x76: {  	_ =	shalt  }
0x77: {  	_ =	shalt  }
0x78: {  	_ =	shalt  }
0x79: {  	_ =	shalt  }
0x7a: {  	_ =	shalt  }
0x7b: {  	_ =	shalt  }
0x7c: {  	_ =	shalt  }
0x7d: {  	_ =	shalt  }
0x7e: {  	_ =	shalt  }
0x7f: {  	_ =	shalt  }
0x80: {  	_ =	shalt  }
0x81: {  	_ =	shalt  }
0x82: {  	_ =	shalt  }
0x83: {  	_ =	shalt  }
0x84: {  	_ =	shalt  }
0x85: {  	_ =	shalt  }
0x86: {  	_ =	shalt  }
0x87: {  	_ =	shalt  }
.Lfunc_end0:
.L_simem_size_0:
called_computation.1_lowered:
.L_overlay_start_0:
0x88: {  	s2 =	sld [smem:$0x3FD9]  }
0x89: {  	s3 =	sld [smem:$0x3FFE];
	_ =	sdelay $0x1  }
0x8a: {  	s1 =	srdreg.scid  }
0x8b: {  	s0 =	sand.u32 $0x1, s1  }
0x8c: {  	s17 =	sshll.u32 s0, $0xA;
	s2 =	sadd.s32 s3, s2  }
0x8d: {  	s2 =	sadd.s32 s2, s17  }
0x8e: {  	[smem:$0x3FBA] =	sst s2  }
0x8f: {  	_ = 	snop  }
0x90: {  	s2 =	sld [smem:$0x3FD0];
	(tm) =	ssettm $0x1  }
0x91: {  	s18 =	sld [smem:$0x3FFB];
	_ =	sdelay $0x3  }
0x92: {  	_ =	strace s18  }
0x93: {  	s3 =	sld [smem:$0x3FFC];
	_ =	sdelay $0x3  }
0x94: {  	_ =	strace s3  }
0x95: {  	s3 =	sld [smem:$0x3FFD];
	_ =	sdelay $0x3  }
0x96: {  	_ =	strace s3  }
0x97: {  	_ =	strace $0x8FFFFFFF  }
0x98: {  	s19 =	sld [smem:$0x3FDB];
	_ =	sdelay $0x1  }
0x99: {  	s4 =	simm.s32 $_scs_section_size  }
0x9a: {  	s5 =	simm.s32 $_size__tile_overlayer_lowered;
	s6 =	simm.s32 $_tile_overlayer_lowered  }
0x9b: {  	s22 =	simm.s32 $0x1BFF;
	s21 =	sshll.u32 s6, $0x1;
	s3 =	sadd.s32 s4, s19  }
0x9c: {  	s7 =	simm.s32 $0x0;
	s20 =	sshll.u32 s5, $0x1;
	s5 =	sadd.s32 s21, s3  }
0x9d: {  	[timem:s7], [sflag:s22] =	dma.local [hbm:s5], s20  }
0x9e: {  	_ =	swait.ge [sflag:s22], s20  }
0x9f: {  	s4 =	ssub.s32 $0x0, s20;
	[sflag:s22] =	ssyncset.done $0x0  }
0xa0: {  	[sflag:s22] =	ssyncadd.s32 s4;
	_ =	sdelay $0x1  }
0xa1: {  	s23 =	simm.s32 $0x1B8B  }
0xa2: {  	_ =	swait.ge [sflag:s23], $0x1  }
0xa3: {  	[sflag:s23] =	ssyncset.done $0x0  }
0xa4: {  	s25 =	simm.s32 $0x1B8E;
	s24 =	sld [smem:$0x3FFE];
	[sflag:s23] =	ssyncadd.s32 $0xFFFFFFFF  }
0xa5: {  	s26 =	simm.s32 $execute0_lowered;
	[smem:$0x3FD2] =	sst s25  }
0xa6: {  	s5 =	sshll.u32 s26, $0x1;
	_ =	strace $0x80000049;
	[dreg:$0x1] =	wrdreg $0xFFFFFFFF  }
0xa7: {  	s28 =	simm.s32 $_size_execute0_lowered;
	s3 =	sadd.s32 s3, s5;
	[dreg:$0x0] =	wrdreg $0x0  }
0xa8: {  	s5 =	sshll.u32 s28, $0x1;
	[dreg:$0x2] =	wrdreg s3  }
0xa9: {  	[dreg:$0x3] =	wrdreg s5  }
0xaa: {  	[dreg:$0x4] =	wrdreg $0xC0  }
0xab: {  	_ =	task [dreg:s7], $0x5FFFF  }
0xac: {  	[dreg:$0x1] =	wrdreg $0xFFFFFFFF  }
0xad: {  	[dreg:$0x0] =	wrdreg $0x60  }
0xae: {  	[dreg:$0x2] =	wrdreg s24  }
0xaf: {  	[dreg:$0x3] =	wrdreg s2  }
0xb0: {  	[dreg:$0x4] =	wrdreg $0x133500  }
0xb1: {  	[dreg:$0x5] =	wrdreg $0x9  }
0xb2: {  	_ =	task.clear_ibuf [dreg:s7], $0x6FFFF;
	_ =	strace $0x90000049  }
0xb3: {  	s29 =	simm.s32 $0x9;
	_ =	strace $0x8000004B  }
0xb4: {  	_ =	swait.ge [sflag:s29], $0x1  }
0xb5: {  	[sflag:s29] =	ssyncadd.s32 $0xFFFFFFFF  }
0xb6: {  	_ =	strace $0x9000004B  }
0xb7: {  	_ =	sfence  }
0xb8: {  	s30 =	sld [smem:$0x0];
	_ =	sdelay $0x2  }
0xb9: {  	s31 =	sshll.u32 s1, $0xD;
	s1 =	sshrl.u32 s1, $0x2  }
0xba: {  	s3 =	sand.u32 $0x4000, s31;
	s1 =	sadd.s32 s1, s30  }
0xbb: {  	s0 =	sor.u32 s3, s0;
	s1 =	sshll.u32 s1, $0x11  }
0xbc: {  	s0 =	sor.u32 s1, s0  }
0xbd: {  	s0 =	sadd.s32 $0x8F2B, s0  }
0xbe: {  	[sflag:s0] =	ssyncadd.remote.s32 $0x1  }
0xbf: {  	_ =	sfence.sel $0xFFFF  }
0xc0: {  	[dreg:$0x0] =	wrdreg $0xFFFFFFFF;
	(pc) =	sbr.abs _section_cstart, $3  }
0xc1: {  	[dreg:$0x1] =	wrdreg $0xFFFFFFFF  }
0xc2: {  	_ =	task.clear_ibuf [dreg:s7], $0x2FFFF;
	_ =	strace $0x9FFFFFFF  }
0xc3: {  	(tm) =	ssettm $0x7FFFFFFF  }
tec
execute0_lowered:
.L_overlay_start_1:
0x0: {  	(tag) =	ssettag $0x1  }
0x1: {  	s0 =	rddreg [dreg:$0x0]  }
0x2: {  	s5 =	rddreg [dreg:$0x1];
	s2 =	srdreg.scid  }
0x3: {  	s10 =	stileid.u32;
	s1 =	rddreg [dreg:$0x2];
	s11 =	simm.s32 $0x4  }
0x4: {  	s12 =	simm.s32 $0x64;
	s13 =	simm.s32 $0x10150;
	s17 =	simm.s32 $0x750  }
0x5: {  	s19 =	simm.s32 $0x2050;
	s21 =	simm.s32 $0x3950;
	s23 =	simm.s32 $0x5250  }
0x6: {  	s24 =	simm.s32 $0x1;
	s26 =	simm.s32 $0x6B50;
	s29 =	simm.s32 $0x8450  }
0x7: {  	s31 =	simm.s32 $0x9D50;
	s14 =	simm.s32 $0xB650;
	s15 =	simm.s32 $0x2  }
0x8: {  	s20 =	simm.s32 $0xCF50;
	s22 =	simm.s32 $0x3;
	s25 =	simm.s32 $0x0  }
0x9: {  	s4 =	sand.u32 $0x1, s2;
	s3 =	sshll.u32 s10, $0x1;
	s2 =	simm.s32 $0x0  }
0xa: {  	p0 =	sne.s32 s10, $0x0;
	s10 =	simm.s32 $0x680;
	s6 =	sor.u32 s4, s3  }
0xb: {  	[smem:$0x7FF] =	sst s2;
	s3 =	sadd.s32 $0x2A00, s0;
	s7 =	smul.u32 $0xD0, s6  }
0xc: {  	s9 =	ssub.s32 $0x2, s4;
	s4 =	sadd.s32 $0x189400, s0;
	s8 =	smul.u32 $0x640, s6  }
0xd: {  	s16 =	sshrl.u32 @!p0 s1, $0x3;
	s6 =	smul.u32 $0x1A, s6;
	s30 =	sshrl.u32 s9, $0x1  }
0xe: {  	_ =	strace $0x8000004A;
	s9 =	ssub.s32 s9, s30;
	s7 =	sadd.s32 s7, s0  }
0xf: {  	s0 =	sadd.s32 s8, s0;
	s5 =	sadd.s32 s5, s6;
	s9 =	smax.u32 s9, $0x1  }
0x10: {  	s6 =	sadd.s32 $0x6A00, s7;
	s7 =	sadd.s32 $0x14C00, s0;
	s8 =	sadd.s32 $0x8400, s0  }
.LBB2_1:
0x11: {  	[tilespmem:s10], [sflag:$0x4] =	stream.linear.gather [hbm4b:s5+s2], $0xD0, $0x38;
	[tilespmem:$0x15290] =	vst v63  }
0x12: {  	_ =	swait.ge [sflag:s11], $0xD0  }
0x13: {  	[sflag:s11] =	ssyncset.done $0x0  }
0x14: {  	[sflag:s11] =	ssyncadd.s32 $0xFFFFFF30  }
0x15: {  	[tilespmem:s13], [sflag:$0x3] =	stream.indirect.gather [hbm4b:s4+s12], $0x40, s10, s12, $0xb8;
	[tilespmem:$0x15290] =	vst v63  }
0x16: {  	s0 =	simm.s32 $0x6E8;
	s18 =	simm.s32 $0x11A50  }
0x17: {  	[tilespmem:s18], [sflag:$0x3] =	stream.indirect.gather [hbm4b:s4+s12], $0x40, s0, s12, $0xb8;
	[tilespmem:$0x15290] =	vst v63  }
0x18: {  	s0 =	simm.s32 @!p0 $0x1C04  }
0x19: {  	[spmem:s16], [sflag:s0] =	dma.local @!p0 [hbm:s3], $0x3E80  }
0x1a: {  	s0 =	simm.s32 @!p0 $0x4  }
0x1b: {  	_ =	swait.ge @!p0 [sflag:s0], $0x3E80  }
0x1c: {  	[sflag:s0] =	ssyncset.done @!p0 $0x0  }
0x1d: {  	[sflag:s0] =	ssyncadd.s32 @!p0 $0xFFFFC180  }
0x1e: {  	[tilespmem:s2], [sflag:$0x4] =	stream.linear.gather [hbm4b:s6+s2], $0x680, $0x38;
	[tilespmem:$0x15290] =	vst v63  }
0x1f: {  	_ =	swait.ge [sflag:s11], $0x680  }
0x20: {  	[sflag:s11] =	ssyncset.done $0x0  }
0x21: {  	[sflag:s11] =	ssyncadd.s32 $0xFFFFF980  }
0x22: {  	[bflag:$0x0] =	sbarrier.arrive $0xFFFF  }
0x23: {  	[tilespmem:s17], [sflag:$0x1] =	stream.indirect.gather [spmem:s1], $0x40, s2, s12, $0xb8;
	[tilespmem:$0x15290] =	vst v63  }
0x24: {  	s18 =	simm.s32 $0x68  }
0x25: {  	[tilespmem:s19], [sflag:$0x1] =	stream.indirect.gather [spmem:s1], $0x40, s18, s12, $0xb8;
	[tilespmem:$0x15290] =	vst v63  }
0x26: {  	s18 =	simm.s32 $0xD0  }
0x27: {  	[tilespmem:s21], [sflag:$0x1] =	stream.indirect.gather [spmem:s1], $0x40, s18, s12, $0xb8;
	[tilespmem:$0x15290] =	vst v63  }
0x28: {  	s18 =	simm.s32 $0x138  }
0x29: {  	[tilespmem:s23], [sflag:$0x1] =	stream.indirect.gather [spmem:s1], $0x40, s18, s12, $0xb8;
	[tilespmem:$0x15290] =	vst v63  }
0x2a: {  	_ =	swait.ge [sflag:s24], $0x1900  }
0x2b: {  	[sflag:s24] =	ssyncset.done $0x0  }
0x2c: {  	[sflag:s24] =	ssyncadd.s32 $0xFFFFE700  }
0x2d: {  	_ =	swait.ge [sflag:s24], $0x1900  }
0x2e: {  	[sflag:s24] =	ssyncset.done $0x0  }
0x2f: {  	[sflag:s24] =	ssyncadd.s32 $0xFFFFE700  }
0x30: {  	_ =	swait.ge [sflag:s24], $0x1900  }
0x31: {  	[sflag:s24] =	ssyncset.done $0x0  }
0x32: {  	[sflag:s24] =	ssyncadd.s32 $0xFFFFE700  }
0x33: {  	_ =	swait.ge [sflag:s24], $0x1900  }
0x34: {  	[sflag:s24] =	ssyncset.done $0x0  }
0x35: {  	s18 =	simm.s32 $0x1A0;
	[sflag:s24] =	ssyncadd.s32 $0xFFFFE700  }
0x36: {  	[tilespmem:s26], [sflag:$0x2] =	stream.indirect.gather [spmem:s1], $0x40, s18, s12, $0xb8;
	[tilespmem:$0x15290] =	vst v63  }
0x37: {  	s18 =	simm.s32 $0x208  }
0x38: {  	[tilespmem:s29], [sflag:$0x2] =	stream.indirect.gather [spmem:s1], $0x40, s18, s12, $0xb8;
	[tilespmem:$0x15290] =	vst v63  }
0x39: {  	s18 =	simm.s32 $0x270  }
0x3a: {  	[tilespmem:s31], [sflag:$0x2] =	stream.indirect.gather [spmem:s1], $0x40, s18, s12, $0xb8;
	[tilespmem:$0x15290] =	vst v63  }
0x3b: {  	s28 =	simm.s32 $0x850;
	s18 =	simm.s32 $0x2D8  }
0x3c: {  	[tilespmem:s14], [sflag:$0x2] =	stream.indirect.gather [spmem:s1], $0x40, s18, s12, $0xb8;
	[tilespmem:$0x15290] =	vst v63  }
0x3d: {  	v0 =	vld [tilespmem:s28+$0xFFFFFF40]  }
0x3e: {  	v1 =	vld [tilespmem:s28+$0xFFFFFF00];
	_ =	sdelay $0x1  }
0x3f: {  	v2 =	vld [tilespmem:s28+$0xFFFFFF80];
	_ =	sdelay $0x1  }
0x40: {  	v3 =	vld [tilespmem:s28+$0xFFFFFFC0]  }
0x41: {  	v0 =	vadd.f32 v0, v1  }
0x42: {  	v1 =	vld [tilespmem:s28+$0x0]  }
0x43: {  	v0 =	vadd.f32 v2, v0  }
0x44: {  	v2 =	vld [tilespmem:s28+$0x40]  }
0x45: {  	v0 =	vadd.f32 v3, v0  }
0x46: {  	v3 =	vld [tilespmem:s28+$0x80]  }
0x47: {  	v0 =	vadd.f32 v1, v0  }
0x48: {  	v1 =	vld [tilespmem:s28+$0xC0]  }
0x49: {  	v0 =	vadd.f32 v2, v0;
	_ =	sdelay $0x1  }
0x4a: {  	v0 =	vadd.f32 v3, v0;
	_ =	sdelay $0x1  }
0x4b: {  	v0 =	vadd.f32 v1, v0;
	_ =	sdelay $0x1  }
0x4c: {  	v0 =	vmul.f32 $1.250000000e-01, v0  }
0x4d: {  	s30 =	simm.s32 $0x0  }
0x4e: {  	[tilespmem:s30+$0xCF50] =	vst v0  }
0x4f: {  	v0 =	vld [tilespmem:s28+$0xFFFFFF10]  }
0x50: {  	v1 =	vld [tilespmem:s28+$0xFFFFFF50];
	_ =	sdelay $0x1  }
0x51: {  	v2 =	vld [tilespmem:s28+$0xFFFFFF90];
	_ =	sdelay $0x1  }
0x52: {  	v3 =	vld [tilespmem:s28+$0xFFFFFFD0]  }
0x53: {  	v0 =	vadd.f32 v1, v0  }
0x54: {  	v1 =	vld [tilespmem:s28+$0x10]  }
0x55: {  	v0 =	vadd.f32 v2, v0  }
0x56: {  	v2 =	vld [tilespmem:s28+$0x50]  }
0x57: {  	v0 =	vadd.f32 v3, v0  }
0x58: {  	v3 =	vld [tilespmem:s28+$0x90]  }
0x59: {  	v0 =	vadd.f32 v1, v0  }
0x5a: {  	v1 =	vld [tilespmem:s28+$0xD0]  }
0x5b: {  	v0 =	vadd.f32 v2, v0;
	_ =	sdelay $0x1  }
0x5c: {  	v0 =	vadd.f32 v3, v0;
	_ =	sdelay $0x1  }
0x5d: {  	v0 =	vadd.f32 v1, v0;
	_ =	sdelay $0x1  }
0x5e: {  	v0 =	vmul.f32 $1.250000000e-01, v0;
	_ =	sdelay $0x1  }
0x5f: {  	[tilespmem:s30+$0xCF60] =	vst v0  }
0x60: {  	v0 =	vld [tilespmem:s28+$0xFFFFFF20]  }
0x61: {  	v1 =	vld [tilespmem:s28+$0xFFFFFF60];
	_ =	sdelay $0x1  }
0x62: {  	v2 =	vld [tilespmem:s28+$0xFFFFFFA0];
	_ =	sdelay $0x1  }
0x63: {  	v3 =	vld [tilespmem:s28+$0xFFFFFFE0]  }
0x64: {  	v0 =	vadd.f32 v1, v0  }
0x65: {  	v1 =	vld [tilespmem:s28+$0x20]  }
0x66: {  	v0 =	vadd.f32 v2, v0  }
0x67: {  	v2 =	vld [tilespmem:s28+$0x60]  }
0x68: {  	v0 =	vadd.f32 v3, v0  }
0x69: {  	v3 =	vld [tilespmem:s28+$0xA0]  }
0x6a: {  	v0 =	vadd.f32 v1, v0  }
0x6b: {  	v1 =	vld [tilespmem:s28+$0xE0]  }
0x6c: {  	v0 =	vadd.f32 v2, v0;
	_ =	sdelay $0x1  }
0x6d: {  	v0 =	vadd.f32 v3, v0;
	_ =	sdelay $0x1  }
0x6e: {  	v0 =	vadd.f32 v1, v0;
	_ =	sdelay $0x1  }
0x6f: {  	v0 =	vmul.f32 $1.250000000e-01, v0;
	_ =	sdelay $0x1  }
0x70: {  	[tilespmem:s30+$0xCF70] =	vst v0  }
0x71: {  	v0 =	vld [tilespmem:s28+$0xFFFFFF30]  }
0x72: {  	v1 =	vld [tilespmem:s28+$0xFFFFFF70];
	_ =	sdelay $0x1  }
0x73: {  	v2 =	vld [tilespmem:s28+$0xFFFFFFB0];
	_ =	sdelay $0x1  }
0x74: {  	v3 =	vld [tilespmem:s28+$0xFFFFFFF0]  }
0x75: {  	v0 =	vadd.f32 v1, v0  }
0x76: {  	v1 =	vld [tilespmem:s28+$0x30]  }
0x77: {  	v0 =	vadd.f32 v2, v0  }
0x78: {  	v2 =	vld [tilespmem:s28+$0x70]  }
0x79: {  	v0 =	vadd.f32 v3, v0;
	_ =	sdelay $0x1  }
0x7a: {  	v3 =	vld [tilespmem:s28+$0xB0];
	v0 =	vadd.f32 v1, v0;
	_ =	sdelay $0x1  }
0x7b: {  	v1 =	vadd.f32 v2, v0;
	v0 =	vld [tilespmem:s28+$0xF0];
	_ =	sdelay $0x2  }
0x7c: {  	s0 =	simm.s32 $0x100;
	v1 =	vadd.f32 v3, v1  }
.LBB2_2:
0x7d: {  	p1 =	sne.s32 s0, $0x3100  }
0x7e: {  	s28 =	sadd.s32 $0x200, s28;
	s18 =	smov.u32 s0;
	s0 =	sadd.s32 $0x100, s0;
	v0 =	vadd.f32 v0, v1  }
0x7f: {  	_ = 	snop  }
0x80: {  	v0 =	vmul.f32 $1.250000000e-01, v0;
	_ =	sdelay $0x1  }
0x81: {  	[tilespmem:s30+$0xCF80] =	vst v0  }
0x82: {  	v0 =	vld [tilespmem:s28+$0xFFFFFF40]  }
0x83: {  	v1 =	vld [tilespmem:s28+$0xFFFFFF00];
	_ =	sdelay $0x1  }
0x84: {  	v2 =	vld [tilespmem:s28+$0xFFFFFF80];
	_ =	sdelay $0x1  }
0x85: {  	v3 =	vld [tilespmem:s28+$0xFFFFFFC0]  }
0x86: {  	v0 =	vadd.f32 v0, v1  }
0x87: {  	v1 =	vld [tilespmem:s28+$0x0]  }
0x88: {  	v0 =	vadd.f32 v2, v0  }
0x89: {  	v2 =	vld [tilespmem:s28+$0x40]  }
0x8a: {  	v0 =	vadd.f32 v3, v0  }
0x8b: {  	v3 =	vld [tilespmem:s28+$0x80]  }
0x8c: {  	v0 =	vadd.f32 v1, v0  }
0x8d: {  	v1 =	vld [tilespmem:s28+$0xC0]  }
0x8e: {  	v0 =	vadd.f32 v2, v0;
	_ =	sdelay $0x1  }
0x8f: {  	v0 =	vadd.f32 v3, v0;
	_ =	sdelay $0x1  }
0x90: {  	v0 =	vadd.f32 v1, v0;
	_ =	sdelay $0x1  }
0x91: {  	v0 =	vmul.f32 $1.250000000e-01, v0  }
0x92: {  	s30 =	sshra.s32 s18, $0x2  }
0x93: {  	[tilespmem:s30+$0xCF50] =	vst v0  }
0x94: {  	v0 =	vld [tilespmem:s28+$0xFFFFFF10]  }
0x95: {  	v1 =	vld [tilespmem:s28+$0xFFFFFF50];
	_ =	sdelay $0x1  }
0x96: {  	v2 =	vld [tilespmem:s28+$0xFFFFFF90];
	_ =	sdelay $0x1  }
0x97: {  	v3 =	vld [tilespmem:s28+$0xFFFFFFD0]  }
0x98: {  	v0 =	vadd.f32 v1, v0  }
0x99: {  	v1 =	vld [tilespmem:s28+$0x10]  }
0x9a: {  	v0 =	vadd.f32 v2, v0  }
0x9b: {  	v2 =	vld [tilespmem:s28+$0x50]  }
0x9c: {  	v0 =	vadd.f32 v3, v0  }
0x9d: {  	v3 =	vld [tilespmem:s28+$0x90]  }
0x9e: {  	v0 =	vadd.f32 v1, v0  }
0x9f: {  	v1 =	vld [tilespmem:s28+$0xD0]  }
0xa0: {  	v0 =	vadd.f32 v2, v0;
	_ =	sdelay $0x1  }
0xa1: {  	v0 =	vadd.f32 v3, v0;
	_ =	sdelay $0x1  }
0xa2: {  	v0 =	vadd.f32 v1, v0;
	_ =	sdelay $0x1  }
0xa3: {  	v0 =	vmul.f32 $1.250000000e-01, v0;
	_ =	sdelay $0x1  }
0xa4: {  	[tilespmem:s30+$0xCF60] =	vst v0  }
0xa5: {  	v0 =	vld [tilespmem:s28+$0xFFFFFF20]  }
0xa6: {  	v1 =	vld [tilespmem:s28+$0xFFFFFF60];
	_ =	sdelay $0x1  }
0xa7: {  	v2 =	vld [tilespmem:s28+$0xFFFFFFA0];
	_ =	sdelay $0x1  }
0xa8: {  	v3 =	vld [tilespmem:s28+$0xFFFFFFE0]  }
0xa9: {  	v0 =	vadd.f32 v1, v0  }
0xaa: {  	v1 =	vld [tilespmem:s28+$0x20]  }
0xab: {  	v0 =	vadd.f32 v2, v0  }
0xac: {  	v2 =	vld [tilespmem:s28+$0x60]  }
0xad: {  	v0 =	vadd.f32 v3, v0  }
0xae: {  	v3 =	vld [tilespmem:s28+$0xA0]  }
0xaf: {  	v0 =	vadd.f32 v1, v0  }
0xb0: {  	v1 =	vld [tilespmem:s28+$0xE0]  }
0xb1: {  	v0 =	vadd.f32 v2, v0;
	_ =	sdelay $0x1  }
0xb2: {  	v0 =	vadd.f32 v3, v0;
	_ =	sdelay $0x1  }
0xb3: {  	v0 =	vadd.f32 v1, v0;
	_ =	sdelay $0x1  }
0xb4: {  	v0 =	vmul.f32 $1.250000000e-01, v0;
	_ =	sdelay $0x1  }
0xb5: {  	[tilespmem:s30+$0xCF70] =	vst v0  }
0xb6: {  	v0 =	vld [tilespmem:s28+$0xFFFFFF30]  }
0xb7: {  	v1 =	vld [tilespmem:s28+$0xFFFFFF70]  }
0xb8: {  	v2 =	vld [tilespmem:s28+$0xFFFFFFB0]  }
0xb9: {  	v3 =	vld [tilespmem:s28+$0xFFFFFFF0]  }
0xba: {  	v4 =	vld [tilespmem:s28+$0x30]  }
0xbb: {  	v5 =	vld [tilespmem:s28+$0x70]  }
0xbc: {  	v1 =	vadd.f32 v1, v0;
	v6 =	vld [tilespmem:s28+$0xB0]  }
0xbd: {  	v0 =	vld [tilespmem:s28+$0xF0]  }
0xbe: {  	v1 =	vadd.f32 v2, v1;
	_ =	sdelay $0x1  }
0xbf: {  	v1 =	vadd.f32 v3, v1;
	_ =	sdelay $0x1  }
.Ltmp0:
0xc0: {  	v1 =	vadd.f32 v4, v1;
	(pc) =	sbr.rel @p1 .LBB2_2-.Ltmp0, $3  }
0xc1: {  	_ = 	snop  }
0xc2: {  	v1 =	vadd.f32 v5, v1;
	_ =	sdelay $0x1  }
0xc3: {  	v1 =	vadd.f32 v6, v1  }
0xc4: {  	_ = 	snop  }
0xc5: {  	v0 =	vadd.f32 v0, v1;
	_ =	sdelay $0x1  }
0xc6: {  	v0 =	vmul.f32 $1.250000000e-01, v0;
	_ =	sdelay $0x1  }
0xc7: {  	[tilespmem:s30+$0xCF80] =	vst v0  }
0xc8: {  	_ =	swait.ge [sflag:s15], $0x1900  }
0xc9: {  	[sflag:s15] =	ssyncset.done $0x0  }
0xca: {  	[sflag:s15] =	ssyncadd.s32 $0xFFFFE700  }
0xcb: {  	_ =	swait.ge [sflag:s15], $0x1900  }
0xcc: {  	[sflag:s15] =	ssyncset.done $0x0  }
0xcd: {  	[sflag:s15] =	ssyncadd.s32 $0xFFFFE700  }
0xce: {  	_ =	swait.ge [sflag:s15], $0x1900  }
0xcf: {  	[sflag:s15] =	ssyncset.done $0x0  }
0xd0: {  	[sflag:s15] =	ssyncadd.s32 $0xFFFFE700  }
0xd1: {  	_ =	swait.ge [sflag:s15], $0x1900  }
0xd2: {  	[sflag:s15] =	ssyncset.done $0x0  }
0xd3: {  	s0 =	simm.s32 $0x340;
	[sflag:s15] =	ssyncadd.s32 $0xFFFFE700  }
0xd4: {  	[tilespmem:s17], [sflag:$0x1] =	stream.indirect.gather [spmem:s1], $0x40, s0, s12, $0xb8;
	[tilespmem:$0x15290] =	vst v63  }
0xd5: {  	s18 =	simm.s32 $0x3A8  }
0xd6: {  	[tilespmem:s19], [sflag:$0x1] =	stream.indirect.gather [spmem:s1], $0x40, s18, s12, $0xb8;
	[tilespmem:$0x15290] =	vst v63  }
0xd7: {  	s18 =	simm.s32 $0x410  }
0xd8: {  	[tilespmem:s21], [sflag:$0x1] =	stream.indirect.gather [spmem:s1], $0x40, s18, s12, $0xb8;
	[tilespmem:$0x15290] =	vst v63  }
0xd9: {  	s28 =	simm.s32 $0x6C50;
	s18 =	simm.s32 $0x478  }
0xda: {  	[tilespmem:s23], [sflag:$0x1] =	stream.indirect.gather [spmem:s1], $0x40, s18, s12, $0xb8;
	[tilespmem:$0x15290] =	vst v63  }
0xdb: {  	v0 =	vld [tilespmem:s28+$0xFFFFFF40]  }
0xdc: {  	v1 =	vld [tilespmem:s28+$0xFFFFFF00];
	_ =	sdelay $0x1  }
0xdd: {  	v2 =	vld [tilespmem:s28+$0xFFFFFF80];
	_ =	sdelay $0x1  }
0xde: {  	v3 =	vld [tilespmem:s28+$0xFFFFFFC0]  }
0xdf: {  	v0 =	vadd.f32 v0, v1  }
0xe0: {  	v1 =	vld [tilespmem:s28+$0x0]  }
0xe1: {  	v0 =	vadd.f32 v2, v0  }
0xe2: {  	v2 =	vld [tilespmem:s28+$0x40]  }
0xe3: {  	v0 =	vadd.f32 v3, v0  }
0xe4: {  	v3 =	vld [tilespmem:s28+$0x80]  }
0xe5: {  	v0 =	vadd.f32 v1, v0  }
0xe6: {  	v1 =	vld [tilespmem:s28+$0xC0]  }
0xe7: {  	v0 =	vadd.f32 v2, v0;
	_ =	sdelay $0x1  }
0xe8: {  	v0 =	vadd.f32 v3, v0;
	_ =	sdelay $0x1  }
0xe9: {  	v0 =	vadd.f32 v1, v0;
	_ =	sdelay $0x1  }
0xea: {  	v0 =	vmul.f32 $1.250000000e-01, v0  }
0xeb: {  	s30 =	simm.s32 $0x0  }
0xec: {  	[tilespmem:s30+$0xDBD0] =	vst v0  }
0xed: {  	v0 =	vld [tilespmem:s28+$0xFFFFFF10]  }
0xee: {  	v1 =	vld [tilespmem:s28+$0xFFFFFF50];
	_ =	sdelay $0x1  }
0xef: {  	v2 =	vld [tilespmem:s28+$0xFFFFFF90];
	_ =	sdelay $0x1  }
0xf0: {  	v3 =	vld [tilespmem:s28+$0xFFFFFFD0]  }
0xf1: {  	v0 =	vadd.f32 v1, v0  }
0xf2: {  	v1 =	vld [tilespmem:s28+$0x10]  }
0xf3: {  	v0 =	vadd.f32 v2, v0  }
0xf4: {  	v2 =	vld [tilespmem:s28+$0x50]  }
0xf5: {  	v0 =	vadd.f32 v3, v0  }
0xf6: {  	v3 =	vld [tilespmem:s28+$0x90]  }
0xf7: {  	v0 =	vadd.f32 v1, v0  }
0xf8: {  	v1 =	vld [tilespmem:s28+$0xD0]  }
0xf9: {  	v0 =	vadd.f32 v2, v0;
	_ =	sdelay $0x1  }
0xfa: {  	v0 =	vadd.f32 v3, v0;
	_ =	sdelay $0x1  }
0xfb: {  	v0 =	vadd.f32 v1, v0;
	_ =	sdelay $0x1  }
0xfc: {  	v0 =	vmul.f32 $1.250000000e-01, v0;
	_ =	sdelay $0x1  }
0xfd: {  	[tilespmem:s30+$0xDBE0] =	vst v0  }
0xfe: {  	v0 =	vld [tilespmem:s28+$0xFFFFFF20]  }
0xff: {  	v1 =	vld [tilespmem:s28+$0xFFFFFF60];
	_ =	sdelay $0x1  }
0x100: {  	v2 =	vld [tilespmem:s28+$0xFFFFFFA0];
	_ =	sdelay $0x1  }
0x101: {  	v3 =	vld [tilespmem:s28+$0xFFFFFFE0]  }
0x102: {  	v0 =	vadd.f32 v1, v0  }
0x103: {  	v1 =	vld [tilespmem:s28+$0x20]  }
0x104: {  	v0 =	vadd.f32 v2, v0  }
0x105: {  	v2 =	vld [tilespmem:s28+$0x60]  }
0x106: {  	v0 =	vadd.f32 v3, v0  }
0x107: {  	v3 =	vld [tilespmem:s28+$0xA0]  }
0x108: {  	v0 =	vadd.f32 v1, v0  }
0x109: {  	v1 =	vld [tilespmem:s28+$0xE0]  }
0x10a: {  	v0 =	vadd.f32 v2, v0;
	_ =	sdelay $0x1  }
0x10b: {  	v0 =	vadd.f32 v3, v0;
	_ =	sdelay $0x1  }
0x10c: {  	v0 =	vadd.f32 v1, v0;
	_ =	sdelay $0x1  }
0x10d: {  	v0 =	vmul.f32 $1.250000000e-01, v0;
	_ =	sdelay $0x1  }
0x10e: {  	[tilespmem:s30+$0xDBF0] =	vst v0  }
0x10f: {  	v0 =	vld [tilespmem:s28+$0xFFFFFF30]  }
0x110: {  	v1 =	vld [tilespmem:s28+$0xFFFFFF70];
	_ =	sdelay $0x1  }
0x111: {  	v2 =	vld [tilespmem:s28+$0xFFFFFFB0];
	_ =	sdelay $0x1  }
0x112: {  	v3 =	vld [tilespmem:s28+$0xFFFFFFF0]  }
0x113: {  	v0 =	vadd.f32 v1, v0  }
0x114: {  	v1 =	vld [tilespmem:s28+$0x30]  }
0x115: {  	v0 =	vadd.f32 v2, v0  }
0x116: {  	v2 =	vld [tilespmem:s28+$0x70]  }
0x117: {  	v0 =	vadd.f32 v3, v0;
	_ =	sdelay $0x1  }
0x118: {  	v3 =	vld [tilespmem:s28+$0xB0];
	v0 =	vadd.f32 v1, v0;
	_ =	sdelay $0x1  }
0x119: {  	v1 =	vadd.f32 v2, v0;
	v0 =	vld [tilespmem:s28+$0xF0];
	_ =	sdelay $0x2  }
0x11a: {  	s0 =	simm.s32 $0x100;
	v1 =	vadd.f32 v3, v1  }
.LBB2_4:
0x11b: {  	p1 =	sne.s32 s0, $0x3100  }
0x11c: {  	s28 =	sadd.s32 $0x200, s28;
	s18 =	smov.u32 s0;
	s0 =	sadd.s32 $0x100, s0;
	v0 =	vadd.f32 v0, v1  }
0x11d: {  	_ = 	snop  }
0x11e: {  	v0 =	vmul.f32 $1.250000000e-01, v0;
	_ =	sdelay $0x1  }
0x11f: {  	[tilespmem:s30+$0xDC00] =	vst v0  }
0x120: {  	v0 =	vld [tilespmem:s28+$0xFFFFFF40]  }
0x121: {  	v1 =	vld [tilespmem:s28+$0xFFFFFF00];
	_ =	sdelay $0x1  }
0x122: {  	v2 =	vld [tilespmem:s28+$0xFFFFFF80];
	_ =	sdelay $0x1  }
0x123: {  	v3 =	vld [tilespmem:s28+$0xFFFFFFC0]  }
0x124: {  	v0 =	vadd.f32 v0, v1  }
0x125: {  	v1 =	vld [tilespmem:s28+$0x0]  }
0x126: {  	v0 =	vadd.f32 v2, v0  }
0x127: {  	v2 =	vld [tilespmem:s28+$0x40]  }
0x128: {  	v0 =	vadd.f32 v3, v0  }
0x129: {  	v3 =	vld [tilespmem:s28+$0x80]  }
0x12a: {  	v0 =	vadd.f32 v1, v0  }
0x12b: {  	v1 =	vld [tilespmem:s28+$0xC0]  }
0x12c: {  	v0 =	vadd.f32 v2, v0;
	_ =	sdelay $0x1  }
0x12d: {  	v0 =	vadd.f32 v3, v0;
	_ =	sdelay $0x1  }
0x12e: {  	v0 =	vadd.f32 v1, v0;
	_ =	sdelay $0x1  }
0x12f: {  	v0 =	vmul.f32 $1.250000000e-01, v0  }
0x130: {  	s30 =	sshra.s32 s18, $0x2  }
0x131: {  	[tilespmem:s30+$0xDBD0] =	vst v0  }
0x132: {  	v0 =	vld [tilespmem:s28+$0xFFFFFF10]  }
0x133: {  	v1 =	vld [tilespmem:s28+$0xFFFFFF50];
	_ =	sdelay $0x1  }
0x134: {  	v2 =	vld [tilespmem:s28+$0xFFFFFF90];
	_ =	sdelay $0x1  }
0x135: {  	v3 =	vld [tilespmem:s28+$0xFFFFFFD0]  }
0x136: {  	v0 =	vadd.f32 v1, v0  }
0x137: {  	v1 =	vld [tilespmem:s28+$0x10]  }
0x138: {  	v0 =	vadd.f32 v2, v0  }
0x139: {  	v2 =	vld [tilespmem:s28+$0x50]  }
0x13a: {  	v0 =	vadd.f32 v3, v0  }
0x13b: {  	v3 =	vld [tilespmem:s28+$0x90]  }
0x13c: {  	v0 =	vadd.f32 v1, v0  }
0x13d: {  	v1 =	vld [tilespmem:s28+$0xD0]  }
0x13e: {  	v0 =	vadd.f32 v2, v0;
	_ =	sdelay $0x1  }
0x13f: {  	v0 =	vadd.f32 v3, v0;
	_ =	sdelay $0x1  }
0x140: {  	v0 =	vadd.f32 v1, v0;
	_ =	sdelay $0x1  }
0x141: {  	v0 =	vmul.f32 $1.250000000e-01, v0;
	_ =	sdelay $0x1  }
0x142: {  	[tilespmem:s30+$0xDBE0] =	vst v0  }
0x143: {  	v0 =	vld [tilespmem:s28+$0xFFFFFF20]  }
0x144: {  	v1 =	vld [tilespmem:s28+$0xFFFFFF60];
	_ =	sdelay $0x1  }
0x145: {  	v2 =	vld [tilespmem:s28+$0xFFFFFFA0];
	_ =	sdelay $0x1  }
0x146: {  	v3 =	vld [tilespmem:s28+$0xFFFFFFE0]  }
0x147: {  	v0 =	vadd.f32 v1, v0  }
0x148: {  	v1 =	vld [tilespmem:s28+$0x20]  }
0x149: {  	v0 =	vadd.f32 v2, v0  }
0x14a: {  	v2 =	vld [tilespmem:s28+$0x60]  }
0x14b: {  	v0 =	vadd.f32 v3, v0  }
0x14c: {  	v3 =	vld [tilespmem:s28+$0xA0]  }
0x14d: {  	v0 =	vadd.f32 v1, v0  }
0x14e: {  	v1 =	vld [tilespmem:s28+$0xE0]  }
0x14f: {  	v0 =	vadd.f32 v2, v0;
	_ =	sdelay $0x1  }
0x150: {  	v0 =	vadd.f32 v3, v0;
	_ =	sdelay $0x1  }
0x151: {  	v0 =	vadd.f32 v1, v0;
	_ =	sdelay $0x1  }
0x152: {  	v0 =	vmul.f32 $1.250000000e-01, v0;
	_ =	sdelay $0x1  }
0x153: {  	[tilespmem:s30+$0xDBF0] =	vst v0  }
0x154: {  	v0 =	vld [tilespmem:s28+$0xFFFFFF30]  }
0x155: {  	v1 =	vld [tilespmem:s28+$0xFFFFFF70]  }
0x156: {  	v2 =	vld [tilespmem:s28+$0xFFFFFFB0]  }
0x157: {  	v3 =	vld [tilespmem:s28+$0xFFFFFFF0]  }
0x158: {  	v4 =	vld [tilespmem:s28+$0x30]  }
0x159: {  	v5 =	vld [tilespmem:s28+$0x70]  }
0x15a: {  	v1 =	vadd.f32 v1, v0;
	v6 =	vld [tilespmem:s28+$0xB0]  }
0x15b: {  	v0 =	vld [tilespmem:s28+$0xF0]  }
0x15c: {  	v1 =	vadd.f32 v2, v1;
	_ =	sdelay $0x1  }
0x15d: {  	v1 =	vadd.f32 v3, v1;
	_ =	sdelay $0x1  }
.Ltmp1:
0x15e: {  	v1 =	vadd.f32 v4, v1;
	(pc) =	sbr.rel @p1 .LBB2_4-.Ltmp1, $3  }
0x15f: {  	_ = 	snop  }
0x160: {  	v1 =	vadd.f32 v5, v1;
	_ =	sdelay $0x1  }
0x161: {  	v1 =	vadd.f32 v6, v1  }
0x162: {  	_ = 	snop  }
0x163: {  	v0 =	vadd.f32 v0, v1;
	_ =	sdelay $0x1  }
0x164: {  	v0 =	vmul.f32 $1.250000000e-01, v0;
	_ =	sdelay $0x1  }
0x165: {  	[tilespmem:s30+$0xDC00] =	vst v0  }
0x166: {  	_ =	swait.ge [sflag:s24], $0x1900  }
0x167: {  	[sflag:s24] =	ssyncset.done $0x0  }
0x168: {  	[sflag:s24] =	ssyncadd.s32 $0xFFFFE700  }
0x169: {  	_ =	swait.ge [sflag:s24], $0x1900  }
0x16a: {  	[sflag:s24] =	ssyncset.done $0x0  }
0x16b: {  	[sflag:s24] =	ssyncadd.s32 $0xFFFFE700  }
0x16c: {  	_ =	swait.ge [sflag:s24], $0x1900  }
0x16d: {  	[sflag:s24] =	ssyncset.done $0x0  }
0x16e: {  	[sflag:s24] =	ssyncadd.s32 $0xFFFFE700  }
0x16f: {  	_ =	swait.ge [sflag:s24], $0x1900  }
0x170: {  	[sflag:s24] =	ssyncset.done $0x0  }
0x171: {  	s0 =	simm.s32 $0x4E0;
	[sflag:s24] =	ssyncadd.s32 $0xFFFFE700  }
0x172: {  	[tilespmem:s26], [sflag:$0x2] =	stream.indirect.gather [spmem:s1], $0x40, s0, s12, $0xb8;
	[tilespmem:$0x15290] =	vst v63  }
0x173: {  	s18 =	simm.s32 $0x548  }
0x174: {  	[tilespmem:s29], [sflag:$0x2] =	stream.indirect.gather [spmem:s1], $0x40, s18, s12, $0xb8;
	[tilespmem:$0x15290] =	vst v63  }
0x175: {  	s18 =	simm.s32 $0x5B0  }
0x176: {  	[tilespmem:s31], [sflag:$0x2] =	stream.indirect.gather [spmem:s1], $0x40, s18, s12, $0xb8;
	[tilespmem:$0x15290] =	vst v63  }
0x177: {  	s28 =	simm.s32 $0x850;
	s18 =	simm.s32 $0x618  }
0x178: {  	[tilespmem:s14], [sflag:$0x2] =	stream.indirect.gather [spmem:s1], $0x40, s18, s12, $0xb8;
	[tilespmem:$0x15290] =	vst v63  }
0x179: {  	v0 =	vld [tilespmem:s28+$0xFFFFFF40]  }
0x17a: {  	v1 =	vld [tilespmem:s28+$0xFFFFFF00];
	_ =	sdelay $0x1  }
0x17b: {  	v2 =	vld [tilespmem:s28+$0xFFFFFF80];
	_ =	sdelay $0x1  }
0x17c: {  	v3 =	vld [tilespmem:s28+$0xFFFFFFC0]  }
0x17d: {  	v0 =	vadd.f32 v0, v1  }
0x17e: {  	v1 =	vld [tilespmem:s28+$0x0]  }
0x17f: {  	v0 =	vadd.f32 v2, v0  }
0x180: {  	v2 =	vld [tilespmem:s28+$0x40]  }
0x181: {  	v0 =	vadd.f32 v3, v0  }
0x182: {  	v3 =	vld [tilespmem:s28+$0x80]  }
0x183: {  	v0 =	vadd.f32 v1, v0  }
0x184: {  	v1 =	vld [tilespmem:s28+$0xC0]  }
0x185: {  	v0 =	vadd.f32 v2, v0;
	_ =	sdelay $0x1  }
0x186: {  	v0 =	vadd.f32 v3, v0;
	_ =	sdelay $0x1  }
0x187: {  	v0 =	vadd.f32 v1, v0;
	_ =	sdelay $0x1  }
0x188: {  	v0 =	vmul.f32 $1.250000000e-01, v0  }
0x189: {  	s30 =	simm.s32 $0x0  }
0x18a: {  	[tilespmem:s30+$0xE850] =	vst v0  }
0x18b: {  	v0 =	vld [tilespmem:s28+$0xFFFFFF10]  }
0x18c: {  	v1 =	vld [tilespmem:s28+$0xFFFFFF50];
	_ =	sdelay $0x1  }
0x18d: {  	v2 =	vld [tilespmem:s28+$0xFFFFFF90];
	_ =	sdelay $0x1  }
0x18e: {  	v3 =	vld [tilespmem:s28+$0xFFFFFFD0]  }
0x18f: {  	v0 =	vadd.f32 v1, v0  }
0x190: {  	v1 =	vld [tilespmem:s28+$0x10]  }
0x191: {  	v0 =	vadd.f32 v2, v0  }
0x192: {  	v2 =	vld [tilespmem:s28+$0x50]  }
0x193: {  	v0 =	vadd.f32 v3, v0  }
0x194: {  	v3 =	vld [tilespmem:s28+$0x90]  }
0x195: {  	v0 =	vadd.f32 v1, v0  }
0x196: {  	v1 =	vld [tilespmem:s28+$0xD0]  }
0x197: {  	v0 =	vadd.f32 v2, v0;
	_ =	sdelay $0x1  }
0x198: {  	v0 =	vadd.f32 v3, v0;
	_ =	sdelay $0x1  }
0x199: {  	v0 =	vadd.f32 v1, v0;
	_ =	sdelay $0x1  }
0x19a: {  	v0 =	vmul.f32 $1.250000000e-01, v0;
	_ =	sdelay $0x1  }
0x19b: {  	[tilespmem:s30+$0xE860] =	vst v0  }
0x19c: {  	v0 =	vld [tilespmem:s28+$0xFFFFFF20]  }
0x19d: {  	v1 =	vld [tilespmem:s28+$0xFFFFFF60];
	_ =	sdelay $0x1  }
0x19e: {  	v2 =	vld [tilespmem:s28+$0xFFFFFFA0];
	_ =	sdelay $0x1  }
0x19f: {  	v3 =	vld [tilespmem:s28+$0xFFFFFFE0]  }
0x1a0: {  	v0 =	vadd.f32 v1, v0  }
0x1a1: {  	v1 =	vld [tilespmem:s28+$0x20]  }
0x1a2: {  	v0 =	vadd.f32 v2, v0  }
0x1a3: {  	v2 =	vld [tilespmem:s28+$0x60]  }
0x1a4: {  	v0 =	vadd.f32 v3, v0  }
0x1a5: {  	v3 =	vld [tilespmem:s28+$0xA0]  }
0x1a6: {  	v0 =	vadd.f32 v1, v0  }
0x1a7: {  	v1 =	vld [tilespmem:s28+$0xE0]  }
0x1a8: {  	v0 =	vadd.f32 v2, v0;
	_ =	sdelay $0x1  }
0x1a9: {  	v0 =	vadd.f32 v3, v0;
	_ =	sdelay $0x1  }
0x1aa: {  	v0 =	vadd.f32 v1, v0;
	_ =	sdelay $0x1  }
0x1ab: {  	v0 =	vmul.f32 $1.250000000e-01, v0;
	_ =	sdelay $0x1  }
0x1ac: {  	[tilespmem:s30+$0xE870] =	vst v0  }
0x1ad: {  	v0 =	vld [tilespmem:s28+$0xFFFFFF30]  }
0x1ae: {  	v1 =	vld [tilespmem:s28+$0xFFFFFF70];
	_ =	sdelay $0x1  }
0x1af: {  	v2 =	vld [tilespmem:s28+$0xFFFFFFB0];
	_ =	sdelay $0x1  }
0x1b0: {  	v3 =	vld [tilespmem:s28+$0xFFFFFFF0]  }
0x1b1: {  	v0 =	vadd.f32 v1, v0  }
0x1b2: {  	v1 =	vld [tilespmem:s28+$0x30]  }
0x1b3: {  	v0 =	vadd.f32 v2, v0  }
0x1b4: {  	v2 =	vld [tilespmem:s28+$0x70]  }
0x1b5: {  	v0 =	vadd.f32 v3, v0;
	_ =	sdelay $0x1  }
0x1b6: {  	v3 =	vld [tilespmem:s28+$0xB0];
	v0 =	vadd.f32 v1, v0;
	_ =	sdelay $0x1  }
0x1b7: {  	v1 =	vadd.f32 v2, v0;
	v0 =	vld [tilespmem:s28+$0xF0];
	_ =	sdelay $0x2  }
0x1b8: {  	s0 =	simm.s32 $0x100;
	v1 =	vadd.f32 v3, v1  }
.LBB2_6:
0x1b9: {  	p1 =	sne.s32 s0, $0x3100  }
0x1ba: {  	s28 =	sadd.s32 $0x200, s28;
	s18 =	smov.u32 s0;
	s0 =	sadd.s32 $0x100, s0;
	v0 =	vadd.f32 v0, v1  }
0x1bb: {  	_ = 	snop  }
0x1bc: {  	v0 =	vmul.f32 $1.250000000e-01, v0;
	_ =	sdelay $0x1  }
0x1bd: {  	[tilespmem:s30+$0xE880] =	vst v0  }
0x1be: {  	v0 =	vld [tilespmem:s28+$0xFFFFFF40]  }
0x1bf: {  	v1 =	vld [tilespmem:s28+$0xFFFFFF00];
	_ =	sdelay $0x1  }
0x1c0: {  	v2 =	vld [tilespmem:s28+$0xFFFFFF80];
	_ =	sdelay $0x1  }
0x1c1: {  	v3 =	vld [tilespmem:s28+$0xFFFFFFC0]  }
0x1c2: {  	v0 =	vadd.f32 v0, v1  }
0x1c3: {  	v1 =	vld [tilespmem:s28+$0x0]  }
0x1c4: {  	v0 =	vadd.f32 v2, v0  }
0x1c5: {  	v2 =	vld [tilespmem:s28+$0x40]  }
0x1c6: {  	v0 =	vadd.f32 v3, v0  }
0x1c7: {  	v3 =	vld [tilespmem:s28+$0x80]  }
0x1c8: {  	v0 =	vadd.f32 v1, v0  }
0x1c9: {  	v1 =	vld [tilespmem:s28+$0xC0]  }
0x1ca: {  	v0 =	vadd.f32 v2, v0;
	_ =	sdelay $0x1  }
0x1cb: {  	v0 =	vadd.f32 v3, v0;
	_ =	sdelay $0x1  }
0x1cc: {  	v0 =	vadd.f32 v1, v0;
	_ =	sdelay $0x1  }
0x1cd: {  	v0 =	vmul.f32 $1.250000000e-01, v0  }
0x1ce: {  	s30 =	sshra.s32 s18, $0x2  }
0x1cf: {  	[tilespmem:s30+$0xE850] =	vst v0  }
0x1d0: {  	v0 =	vld [tilespmem:s28+$0xFFFFFF10]  }
0x1d1: {  	v1 =	vld [tilespmem:s28+$0xFFFFFF50];
	_ =	sdelay $0x1  }
0x1d2: {  	v2 =	vld [tilespmem:s28+$0xFFFFFF90];
	_ =	sdelay $0x1  }
0x1d3: {  	v3 =	vld [tilespmem:s28+$0xFFFFFFD0]  }
0x1d4: {  	v0 =	vadd.f32 v1, v0  }
0x1d5: {  	v1 =	vld [tilespmem:s28+$0x10]  }
0x1d6: {  	v0 =	vadd.f32 v2, v0  }
0x1d7: {  	v2 =	vld [tilespmem:s28+$0x50]  }
0x1d8: {  	v0 =	vadd.f32 v3, v0  }
0x1d9: {  	v3 =	vld [tilespmem:s28+$0x90]  }
0x1da: {  	v0 =	vadd.f32 v1, v0  }
0x1db: {  	v1 =	vld [tilespmem:s28+$0xD0]  }
0x1dc: {  	v0 =	vadd.f32 v2, v0;
	_ =	sdelay $0x1  }
0x1dd: {  	v0 =	vadd.f32 v3, v0;
	_ =	sdelay $0x1  }
0x1de: {  	v0 =	vadd.f32 v1, v0;
	_ =	sdelay $0x1  }
0x1df: {  	v0 =	vmul.f32 $1.250000000e-01, v0;
	_ =	sdelay $0x1  }
0x1e0: {  	[tilespmem:s30+$0xE860] =	vst v0  }
0x1e1: {  	v0 =	vld [tilespmem:s28+$0xFFFFFF20]  }
0x1e2: {  	v1 =	vld [tilespmem:s28+$0xFFFFFF60];
	_ =	sdelay $0x1  }
0x1e3: {  	v2 =	vld [tilespmem:s28+$0xFFFFFFA0];
	_ =	sdelay $0x1  }
0x1e4: {  	v3 =	vld [tilespmem:s28+$0xFFFFFFE0]  }
0x1e5: {  	v0 =	vadd.f32 v1, v0  }
0x1e6: {  	v1 =	vld [tilespmem:s28+$0x20]  }
0x1e7: {  	v0 =	vadd.f32 v2, v0  }
0x1e8: {  	v2 =	vld [tilespmem:s28+$0x60]  }
0x1e9: {  	v0 =	vadd.f32 v3, v0  }
0x1ea: {  	v3 =	vld [tilespmem:s28+$0xA0]  }
0x1eb: {  	v0 =	vadd.f32 v1, v0  }
0x1ec: {  	v1 =	vld [tilespmem:s28+$0xE0]  }
0x1ed: {  	v0 =	vadd.f32 v2, v0;
	_ =	sdelay $0x1  }
0x1ee: {  	v0 =	vadd.f32 v3, v0;
	_ =	sdelay $0x1  }
0x1ef: {  	v0 =	vadd.f32 v1, v0;
	_ =	sdelay $0x1  }
0x1f0: {  	v0 =	vmul.f32 $1.250000000e-01, v0;
	_ =	sdelay $0x1  }
0x1f1: {  	[tilespmem:s30+$0xE870] =	vst v0  }
0x1f2: {  	v0 =	vld [tilespmem:s28+$0xFFFFFF30]  }
0x1f3: {  	v1 =	vld [tilespmem:s28+$0xFFFFFF70]  }
0x1f4: {  	v2 =	vld [tilespmem:s28+$0xFFFFFFB0]  }
0x1f5: {  	v3 =	vld [tilespmem:s28+$0xFFFFFFF0]  }
0x1f6: {  	v4 =	vld [tilespmem:s28+$0x30]  }
0x1f7: {  	v5 =	vld [tilespmem:s28+$0x70]  }
0x1f8: {  	v1 =	vadd.f32 v1, v0;
	v6 =	vld [tilespmem:s28+$0xB0]  }
0x1f9: {  	v0 =	vld [tilespmem:s28+$0xF0]  }
0x1fa: {  	v1 =	vadd.f32 v2, v1;
	_ =	sdelay $0x1  }
0x1fb: {  	v1 =	vadd.f32 v3, v1;
	_ =	sdelay $0x1  }
.Ltmp2:
0x1fc: {  	v1 =	vadd.f32 v4, v1;
	(pc) =	sbr.rel @p1 .LBB2_6-.Ltmp2, $3  }
0x1fd: {  	_ = 	snop  }
0x1fe: {  	v1 =	vadd.f32 v5, v1;
	_ =	sdelay $0x1  }
0x1ff: {  	v1 =	vadd.f32 v6, v1  }
0x200: {  	_ = 	snop  }
0x201: {  	v0 =	vadd.f32 v0, v1;
	_ =	sdelay $0x1  }
0x202: {  	v0 =	vmul.f32 $1.250000000e-01, v0;
	_ =	sdelay $0x1  }
0x203: {  	[tilespmem:s30+$0xE880] =	vst v0  }
0x204: {  	_ =	swait.ge [sflag:s15], $0x1900  }
0x205: {  	[sflag:s15] =	ssyncset.done $0x0  }
0x206: {  	[sflag:s15] =	ssyncadd.s32 $0xFFFFE700  }
0x207: {  	_ =	swait.ge [sflag:s15], $0x1900  }
0x208: {  	[sflag:s15] =	ssyncset.done $0x0  }
0x209: {  	[sflag:s15] =	ssyncadd.s32 $0xFFFFE700  }
0x20a: {  	_ =	swait.ge [sflag:s15], $0x1900  }
0x20b: {  	[sflag:s15] =	ssyncset.done $0x0  }
0x20c: {  	[sflag:s15] =	ssyncadd.s32 $0xFFFFE700  }
0x20d: {  	_ =	swait.ge [sflag:s15], $0x1900  }
0x20e: {  	[sflag:s15] =	ssyncset.done $0x0  }
0x20f: {  	s28 =	simm.s32 $0x6C50;
	[sflag:s15] =	ssyncadd.s32 $0xFFFFE700  }
0x210: {  	v0 =	vld [tilespmem:s28+$0xFFFFFF40]  }
0x211: {  	v1 =	vld [tilespmem:s28+$0xFFFFFF00];
	_ =	sdelay $0x1  }
0x212: {  	v2 =	vld [tilespmem:s28+$0xFFFFFF80];
	_ =	sdelay $0x1  }
0x213: {  	v3 =	vld [tilespmem:s28+$0xFFFFFFC0]  }
0x214: {  	v0 =	vadd.f32 v0, v1  }
0x215: {  	v1 =	vld [tilespmem:s28+$0x0]  }
0x216: {  	v0 =	vadd.f32 v2, v0  }
0x217: {  	v2 =	vld [tilespmem:s28+$0x40]  }
0x218: {  	v0 =	vadd.f32 v3, v0  }
0x219: {  	v3 =	vld [tilespmem:s28+$0x80]  }
0x21a: {  	v0 =	vadd.f32 v1, v0  }
0x21b: {  	v1 =	vld [tilespmem:s28+$0xC0]  }
0x21c: {  	v0 =	vadd.f32 v2, v0;
	_ =	sdelay $0x1  }
0x21d: {  	v0 =	vadd.f32 v3, v0;
	_ =	sdelay $0x1  }
0x21e: {  	v0 =	vadd.f32 v1, v0;
	_ =	sdelay $0x1  }
0x21f: {  	v0 =	vmul.f32 $1.250000000e-01, v0  }
0x220: {  	s30 =	simm.s32 $0x0  }
0x221: {  	[tilespmem:s30+$0xF4D0] =	vst v0  }
0x222: {  	v0 =	vld [tilespmem:s28+$0xFFFFFF10]  }
0x223: {  	v1 =	vld [tilespmem:s28+$0xFFFFFF50];
	_ =	sdelay $0x1  }
0x224: {  	v2 =	vld [tilespmem:s28+$0xFFFFFF90];
	_ =	sdelay $0x1  }
0x225: {  	v3 =	vld [tilespmem:s28+$0xFFFFFFD0]  }
0x226: {  	v0 =	vadd.f32 v1, v0  }
0x227: {  	v1 =	vld [tilespmem:s28+$0x10]  }
0x228: {  	v0 =	vadd.f32 v2, v0  }
0x229: {  	v2 =	vld [tilespmem:s28+$0x50]  }
0x22a: {  	v0 =	vadd.f32 v3, v0  }
0x22b: {  	v3 =	vld [tilespmem:s28+$0x90]  }
0x22c: {  	v0 =	vadd.f32 v1, v0  }
0x22d: {  	v1 =	vld [tilespmem:s28+$0xD0]  }
0x22e: {  	v0 =	vadd.f32 v2, v0;
	_ =	sdelay $0x1  }
0x22f: {  	v0 =	vadd.f32 v3, v0;
	_ =	sdelay $0x1  }
0x230: {  	v0 =	vadd.f32 v1, v0;
	_ =	sdelay $0x1  }
0x231: {  	v0 =	vmul.f32 $1.250000000e-01, v0;
	_ =	sdelay $0x1  }
0x232: {  	[tilespmem:s30+$0xF4E0] =	vst v0  }
0x233: {  	v0 =	vld [tilespmem:s28+$0xFFFFFF20]  }
0x234: {  	v1 =	vld [tilespmem:s28+$0xFFFFFF60];
	_ =	sdelay $0x1  }
0x235: {  	v2 =	vld [tilespmem:s28+$0xFFFFFFA0];
	_ =	sdelay $0x1  }
0x236: {  	v3 =	vld [tilespmem:s28+$0xFFFFFFE0]  }
0x237: {  	v0 =	vadd.f32 v1, v0  }
0x238: {  	v1 =	vld [tilespmem:s28+$0x20]  }
0x239: {  	v0 =	vadd.f32 v2, v0  }
0x23a: {  	v2 =	vld [tilespmem:s28+$0x60]  }
0x23b: {  	v0 =	vadd.f32 v3, v0  }
0x23c: {  	v3 =	vld [tilespmem:s28+$0xA0]  }
0x23d: {  	v0 =	vadd.f32 v1, v0  }
0x23e: {  	v1 =	vld [tilespmem:s28+$0xE0]  }
0x23f: {  	v0 =	vadd.f32 v2, v0;
	_ =	sdelay $0x1  }
0x240: {  	v0 =	vadd.f32 v3, v0;
	_ =	sdelay $0x1  }
0x241: {  	v0 =	vadd.f32 v1, v0;
	_ =	sdelay $0x1  }
0x242: {  	v0 =	vmul.f32 $1.250000000e-01, v0;
	_ =	sdelay $0x1  }
0x243: {  	[tilespmem:s30+$0xF4F0] =	vst v0  }
0x244: {  	v0 =	vld [tilespmem:s28+$0xFFFFFF30]  }
0x245: {  	v1 =	vld [tilespmem:s28+$0xFFFFFF70];
	_ =	sdelay $0x1  }
0x246: {  	v2 =	vld [tilespmem:s28+$0xFFFFFFB0];
	_ =	sdelay $0x1  }
0x247: {  	v3 =	vld [tilespmem:s28+$0xFFFFFFF0]  }
0x248: {  	v0 =	vadd.f32 v1, v0  }
0x249: {  	v1 =	vld [tilespmem:s28+$0x30]  }
0x24a: {  	v0 =	vadd.f32 v2, v0  }
0x24b: {  	v2 =	vld [tilespmem:s28+$0x70]  }
0x24c: {  	v0 =	vadd.f32 v3, v0;
	_ =	sdelay $0x1  }
0x24d: {  	v3 =	vld [tilespmem:s28+$0xB0];
	v0 =	vadd.f32 v1, v0;
	_ =	sdelay $0x1  }
0x24e: {  	v1 =	vadd.f32 v2, v0;
	v0 =	vld [tilespmem:s28+$0xF0];
	_ =	sdelay $0x2  }
0x24f: {  	s0 =	simm.s32 $0x100;
	v1 =	vadd.f32 v3, v1  }
.LBB2_8:
0x250: {  	p1 =	sne.s32 s0, $0x3100  }
0x251: {  	s28 =	sadd.s32 $0x200, s28;
	s18 =	smov.u32 s0;
	s0 =	sadd.s32 $0x100, s0;
	v0 =	vadd.f32 v0, v1  }
0x252: {  	_ = 	snop  }
0x253: {  	v0 =	vmul.f32 $1.250000000e-01, v0;
	_ =	sdelay $0x1  }
0x254: {  	[tilespmem:s30+$0xF500] =	vst v0  }
0x255: {  	v0 =	vld [tilespmem:s28+$0xFFFFFF40]  }
0x256: {  	v1 =	vld [tilespmem:s28+$0xFFFFFF00];
	_ =	sdelay $0x1  }
0x257: {  	v2 =	vld [tilespmem:s28+$0xFFFFFF80];
	_ =	sdelay $0x1  }
0x258: {  	v3 =	vld [tilespmem:s28+$0xFFFFFFC0]  }
0x259: {  	v0 =	vadd.f32 v0, v1  }
0x25a: {  	v1 =	vld [tilespmem:s28+$0x0]  }
0x25b: {  	v0 =	vadd.f32 v2, v0  }
0x25c: {  	v2 =	vld [tilespmem:s28+$0x40]  }
0x25d: {  	v0 =	vadd.f32 v3, v0  }
0x25e: {  	v3 =	vld [tilespmem:s28+$0x80]  }
0x25f: {  	v0 =	vadd.f32 v1, v0  }
0x260: {  	v1 =	vld [tilespmem:s28+$0xC0]  }
0x261: {  	v0 =	vadd.f32 v2, v0;
	_ =	sdelay $0x1  }
0x262: {  	v0 =	vadd.f32 v3, v0;
	_ =	sdelay $0x1  }
0x263: {  	v0 =	vadd.f32 v1, v0;
	_ =	sdelay $0x1  }
0x264: {  	v0 =	vmul.f32 $1.250000000e-01, v0  }
0x265: {  	s30 =	sshra.s32 s18, $0x2  }
0x266: {  	[tilespmem:s30+$0xF4D0] =	vst v0  }
0x267: {  	v0 =	vld [tilespmem:s28+$0xFFFFFF10]  }
0x268: {  	v1 =	vld [tilespmem:s28+$0xFFFFFF50];
	_ =	sdelay $0x1  }
0x269: {  	v2 =	vld [tilespmem:s28+$0xFFFFFF90];
	_ =	sdelay $0x1  }
0x26a: {  	v3 =	vld [tilespmem:s28+$0xFFFFFFD0]  }
0x26b: {  	v0 =	vadd.f32 v1, v0  }
0x26c: {  	v1 =	vld [tilespmem:s28+$0x10]  }
0x26d: {  	v0 =	vadd.f32 v2, v0  }
0x26e: {  	v2 =	vld [tilespmem:s28+$0x50]  }
0x26f: {  	v0 =	vadd.f32 v3, v0  }
0x270: {  	v3 =	vld [tilespmem:s28+$0x90]  }
0x271: {  	v0 =	vadd.f32 v1, v0  }
0x272: {  	v1 =	vld [tilespmem:s28+$0xD0]  }
0x273: {  	v0 =	vadd.f32 v2, v0;
	_ =	sdelay $0x1  }
0x274: {  	v0 =	vadd.f32 v3, v0;
	_ =	sdelay $0x1  }
0x275: {  	v0 =	vadd.f32 v1, v0;
	_ =	sdelay $0x1  }
0x276: {  	v0 =	vmul.f32 $1.250000000e-01, v0;
	_ =	sdelay $0x1  }
0x277: {  	[tilespmem:s30+$0xF4E0] =	vst v0  }
0x278: {  	v0 =	vld [tilespmem:s28+$0xFFFFFF20]  }
0x279: {  	v1 =	vld [tilespmem:s28+$0xFFFFFF60];
	_ =	sdelay $0x1  }
0x27a: {  	v2 =	vld [tilespmem:s28+$0xFFFFFFA0];
	_ =	sdelay $0x1  }
0x27b: {  	v3 =	vld [tilespmem:s28+$0xFFFFFFE0]  }
0x27c: {  	v0 =	vadd.f32 v1, v0  }
0x27d: {  	v1 =	vld [tilespmem:s28+$0x20]  }
0x27e: {  	v0 =	vadd.f32 v2, v0  }
0x27f: {  	v2 =	vld [tilespmem:s28+$0x60]  }
0x280: {  	v0 =	vadd.f32 v3, v0  }
0x281: {  	v3 =	vld [tilespmem:s28+$0xA0]  }
0x282: {  	v0 =	vadd.f32 v1, v0  }
0x283: {  	v1 =	vld [tilespmem:s28+$0xE0]  }
0x284: {  	v0 =	vadd.f32 v2, v0;
	_ =	sdelay $0x1  }
0x285: {  	v0 =	vadd.f32 v3, v0;
	_ =	sdelay $0x1  }
0x286: {  	v0 =	vadd.f32 v1, v0;
	_ =	sdelay $0x1  }
0x287: {  	v0 =	vmul.f32 $1.250000000e-01, v0;
	_ =	sdelay $0x1  }
0x288: {  	[tilespmem:s30+$0xF4F0] =	vst v0  }
0x289: {  	v0 =	vld [tilespmem:s28+$0xFFFFFF30]  }
0x28a: {  	v1 =	vld [tilespmem:s28+$0xFFFFFF70]  }
0x28b: {  	v2 =	vld [tilespmem:s28+$0xFFFFFFB0]  }
0x28c: {  	v3 =	vld [tilespmem:s28+$0xFFFFFFF0]  }
0x28d: {  	v4 =	vld [tilespmem:s28+$0x30]  }
0x28e: {  	v5 =	vld [tilespmem:s28+$0x70]  }
0x28f: {  	v1 =	vadd.f32 v1, v0;
	v6 =	vld [tilespmem:s28+$0xB0]  }
0x290: {  	v0 =	vld [tilespmem:s28+$0xF0]  }
0x291: {  	v1 =	vadd.f32 v2, v1;
	_ =	sdelay $0x1  }
0x292: {  	v1 =	vadd.f32 v3, v1;
	_ =	sdelay $0x1  }
.Ltmp3:
0x293: {  	v1 =	vadd.f32 v4, v1;
	(pc) =	sbr.rel @p1 .LBB2_8-.Ltmp3, $3  }
0x294: {  	_ = 	snop  }
0x295: {  	v1 =	vadd.f32 v5, v1;
	_ =	sdelay $0x1  }
0x296: {  	v1 =	vadd.f32 v6, v1  }
0x297: {  	_ = 	snop  }
0x298: {  	v0 =	vadd.f32 v0, v1;
	_ =	sdelay $0x1  }
0x299: {  	v0 =	vmul.f32 $1.250000000e-01, v0;
	_ =	sdelay $0x1  }
0x29a: {  	[tilespmem:s30+$0xF500] =	vst v0  }
0x29b: {  	[hbm4b:s7+s2] =	stream.linear.scatter [tilespmem:s20], [sflag:$0x4], $0x3200, $0x38;
	[tilespmem:$0x15290] =	vst v63  }
0x29c: {  	_ =	swait.ge [sflag:s11], $0x3200  }
0x29d: {  	[sflag:s11] =	ssyncset.done $0x0  }
0x29e: {  	[sflag:s11] =	ssyncadd.s32 $0xFFFFCE00  }
0x29f: {  	_ =	swait.ge [sflag:s22], $0x1900  }
0x2a0: {  	[sflag:s22] =	ssyncset.done $0x0  }
0x2a1: {  	[sflag:s22] =	ssyncadd.s32 $0xFFFFE700  }
0x2a2: {  	s25 =	sadd.s32 $0x1, s25;
	_ =	swait.ge [sflag:s22], $0x1900  }
0x2a3: {  	p1 =	sne.s32 s25, s9;
	[sflag:s22] =	ssyncset.done $0x0  }
.Ltmp4:
0x2a4: {  	[sflag:s22] =	ssyncadd.s32 $0xFFFFE700;
	(pc) =	sbr.rel @p1 .LBB2_1-.Ltmp4, $4  }
0x2a5: {  	[hbm4b:s8+s2] =	stream.linear.scatter [tilespmem:s13], [sflag:$0x4], $0x3200, $0x38;
	[tilespmem:$0x15290] =	vst v63  }
0x2a6: {  	_ =	swait.ge [sflag:s11], $0x3200  }
0x2a7: {  	[sflag:s11] =	ssyncset.done $0x0  }
0x2a8: {  	[sflag:s11] =	ssyncadd.s32 $0xFFFFCE00  }
0x2a9: {  	_ =	sfence.sel $0x180000  }
0x2aa: {  	[bflag:$0x0] =	sbarrier.arrive $0xFFFF  }
0x2ab: {  	_ =	strace $0x9000004A  }
0x2ac: {  	[bflag:$0x2] =	sbarrier.arrive $0xFFFF  }
0x2ad: {  	s0 =	rddreg [dreg:$0x3]  }
0x2ae: {  	s0 =	sadd.s32 @!p0 $0x100000, s0  }
0x2af: {  	[sflag:s0] =	ssyncadd.tile.s32 @!p0 $0x1;
	_ =	shalt  }
.Lfunc_end2:
_tile_overlayer_lowered:
.L_overlay_start_2:
0x2b0: {  	(tag) =	ssettag $0x2  }
0x2b1: {  	s0 =	rddreg [dreg:$0x0];
	s2 =	stileid.u32  }
0x2b2: {  	s1 =	rddreg [dreg:$0x1];
	p0 =	sne.s32 s2, $0x0  }
0x2b3: {  	s3 =	rddreg [dreg:$0x2];
	[bflag:$0x3] =	sbarrier.arrive $0xFFFF;
	s2 =	simm.s32 @!p0 $0x1C04  }
0x2b4: {  	[timem:s3], [sflag:s2] =	dma.local @!p0 [hbm:s0], s1  }
0x2b5: {  	s0 =	simm.s32 @!p0 $0x4  }
0x2b6: {  	_ =	swait.ge @!p0 [sflag:s0], s1  }
0x2b7: {  	s1 =	ssub.s32 @!p0 $0x0, s1;
	[sflag:s0] =	ssyncset.done @!p0 $0x0  }
0x2b8: {  	[sflag:s0] =	ssyncadd.s32 @!p0 s1  }
0x2b9: {  	[bflag:$0x3] =	sbarrier.arrive $0xFFFF  }
0x2ba: {  	_ =	shalt  }

</sc_bundles>
